<compile_context>
chip_gen: v7x
topology: tpu7x:2x2x1
jax: 0.10.2.dev20260603
libtpu: 0.0.44.dev20260713+nightly
codegen_flags: <defaults>
</compile_context>

<pallas_src>
import functools

import jax
import jax.numpy as jnp
from jax import lax
from jax.experimental import pallas as pl
from jax.experimental.pallas import tpu as pltpu
from jax.experimental.pallas import tpu_sc as plsc

NC = 2
NS = 16
NW = NC * NS
B = 16384
D = 32
V = 100000
BPW = B // NW
IC = 4096
NIC = B // IC
BCH = 128


UNR = 4
STEP = 16 * UNR


def _sc_body(uembT, pembT, ubias, pbias, idx_h,
             part_out, bsum_out,
             row_v, uvals_v, idxc_v, bidxu_v, bidxp_v,
             ub_v, pb_v, bsum_v, acc_v, sem, rsem, isem0, isem1):
    cid = lax.axis_index("c")
    sid = lax.axis_index("s")
    wid = sid * NC + cid

    urow_cps = [pltpu.async_copy(uembT.at[wid], row_v, rsem)]

    uidx_h = idx_h.at[0]
    pidx_h = idx_h.at[1]
    pltpu.sync_copy(uidx_h.at[pl.ds(wid * BPW, BPW)], bidxu_v)
    pltpu.sync_copy(pidx_h.at[pl.ds(wid * BPW, BPW)], bidxp_v)
    bias_copies = []
    for j in range(BPW // BCH):
        bias_copies.append(pltpu.async_copy(
            ubias.at[0].at[bidxu_v.at[pl.ds(j * BCH, BCH)]],
            ub_v.at[pl.ds(j * BCH, BCH)], sem))
        bias_copies.append(pltpu.async_copy(
            pbias.at[0].at[bidxp_v.at[pl.ds(j * BCH, BCH)]],
            pb_v.at[pl.ds(j * BCH, BCH)], sem))

    isems = (isem0, isem1)
    cps = [pltpu.async_copy(uidx_h.at[pl.ds(0, IC)], idxc_v.at[0], isem0),
           pltpu.async_copy(uidx_h.at[pl.ds(IC, IC)], idxc_v.at[1], isem1)]
    for cp in urow_cps:
        cp.wait()

    def u_chunk(c_base, buf):
        @plsc.parallel_loop(0, IC, step=STEP)
        def body(o):
            for t in range(UNR):
                vec_idx = idxc_v[buf, pl.ds(o + t * 16, 16)]
                uvals_v[pl.ds(c_base + o + t * 16, 16)] = plsc.load_gather(
                    row_v, [vec_idx])

    for c in range(NIC):
        buf = c % 2
        cps[buf].wait()
        u_chunk(c * IC, buf)
        nxt = c + 2
        if nxt < NIC:
            cps[buf] = pltpu.async_copy(
                uidx_h.at[pl.ds(nxt * IC, IC)], idxc_v.at[buf], isems[buf])
        elif nxt < 2 * NIC:
            cps[buf] = pltpu.async_copy(
                pidx_h.at[pl.ds((nxt - NIC) * IC, IC)], idxc_v.at[buf],
                isems[buf])

    prow_cps = [pltpu.async_copy(pembT.at[wid], row_v, rsem)]

    for c in bias_copies:
        c.wait()
    for k in range(BPW // 16):
        bsum_v[pl.ds(k * 16, 16)] = (ub_v[pl.ds(k * 16, 16)]
                                     + pb_v[pl.ds(k * 16, 16)])
    pltpu.sync_copy(bsum_v, bsum_out.at[pl.ds(wid * BPW, BPW)])

    for cp in prow_cps:
        cp.wait()

    def p_chunk(c_base, buf, accs):
        @plsc.parallel_loop(0, IC, step=STEP, carry=accs)
        def body(o, a):
            a = list(a)
            for t in range(UNR):
                vec_idx = idxc_v[buf, pl.ds(o + t * 16, 16)]
                pv = plsc.load_gather(row_v, [vec_idx])
                uv = uvals_v[pl.ds(c_base + o + t * 16, 16)]
                a[t] = a[t] + pv * uv
            return tuple(a)
        return body

    accs = tuple(jnp.zeros((16,), jnp.float32) for _ in range(UNR))
    for c in range(NIC):
        buf = c % 2
        cps[buf].wait()
        accs = p_chunk(c * IC, buf, accs)
        nxt = c + 2
        if nxt < NIC:
            cps[buf] = pltpu.async_copy(
                pidx_h.at[pl.ds(nxt * IC, IC)], idxc_v.at[buf], isems[buf])

    acc = accs[0]
    for t in range(1, UNR):
        acc = acc + accs[t]
    acc_v[...] = acc
    pltpu.sync_copy(acc_v, part_out.at[wid])


_sc_gather_reduce = functools.partial(
    pl.kernel,
    mesh=plsc.VectorSubcoreMesh(core_axis_name="c", subcore_axis_name="s"),
    out_type=[
        jax.ShapeDtypeStruct((NW, 16), jnp.float32),
        jax.ShapeDtypeStruct((B,), jnp.float32),
    ],
    scratch_types=[
        pltpu.VMEM((V,), jnp.float32),
        pltpu.VMEM((B,), jnp.float32),
        pltpu.VMEM((2, IC), jnp.int32),
        pltpu.VMEM((BPW,), jnp.int32),
        pltpu.VMEM((BPW,), jnp.int32),
        pltpu.VMEM((BPW,), jnp.float32),
        pltpu.VMEM((BPW,), jnp.float32),
        pltpu.VMEM((BPW,), jnp.float32),
        pltpu.VMEM((16,), jnp.float32),
        pltpu.SemaphoreType.DMA,
        pltpu.SemaphoreType.DMA,
        pltpu.SemaphoreType.DMA,
        pltpu.SemaphoreType.DMA,
    ],
    compiler_params=pltpu.CompilerParams(use_tc_tiling_on_sc=True,
                                         needs_layout_passes=False),
)(_sc_body)


def _tc_epilogue(part_ref, bsum_ref, out_ref):
    s = jnp.sum(part_ref[...])
    out_ref[...] = jax.nn.sigmoid(bsum_ref[...] + s)


def kernel(inputs, user_emb, product_emb, user_bias, product_bias):
    partials, bsum = _sc_gather_reduce(
        user_emb.T, product_emb.T, user_bias.T, product_bias.T, inputs.T)

    out = pl.pallas_call(
        _tc_epilogue,
        out_shape=jax.ShapeDtypeStruct((128, 128), jnp.float32),
    )(partials, bsum.reshape(128, 128))
    return out.reshape(B, 1)

# --- scband reference (transcript-rebuilt; emitter-appended) ---
"""Pipeline reference for scband-recommender-net-50792283242762 (READ-ONLY COPY).

The authoritative reference and input builder live on the scoring server;
editing this copy changes nothing except your own understanding.
"""

import jax, jax.numpy as jnp
import numpy as np

NUM_USERS = 100000
NUM_PRODUCTS = 100000
EMBED = 32
BATCH = 16384


def setup_inputs(seed: int = 0) -> dict:
    key = jax.random.key(seed)
    k1, k2, k3, k4, k5 = jax.random.split(key, 5)
    inputs = jax.random.randint(k1, (BATCH, 2), 0, NUM_USERS, dtype=jnp.int32)
    # he_normal init: stddev = sqrt(2 / fan_in); Keras Embedding fan_in = embedding_dim
    std = np.sqrt(2.0 / EMBED)
    user_emb = jax.random.normal(k2, (NUM_USERS, EMBED), dtype=jnp.float32) * std
    product_emb = jax.random.normal(k3, (NUM_PRODUCTS, EMBED), dtype=jnp.float32) * std
    # bias embeddings default to uniform(-0.05, 0.05) in Keras
    user_bias = jax.random.uniform(k4, (NUM_USERS, 1), dtype=jnp.float32, minval=-0.05, maxval=0.05)
    product_bias = jax.random.uniform(k5, (NUM_PRODUCTS, 1), dtype=jnp.float32, minval=-0.05, maxval=0.05)
    return {
        "inputs": inputs,
        "user_emb": user_emb,
        "product_emb": product_emb,
        "user_bias": user_bias,
        "product_bias": product_bias,
    }


def reference(inputs, user_emb, product_emb, user_bias, product_bias):
    user_vector = jnp.take(user_emb, inputs[:, 0], axis=0)
    product_vector = jnp.take(product_emb, inputs[:, 1], axis=0)
    ub = jnp.take(user_bias, inputs[:, 0], axis=0)
    pb = jnp.take(product_bias, inputs[:, 1], axis=0)
    # Faithful to original: tf.tensordot(user_vector, product_vector, 2)
    # contracts BOTH axes of the [B, D] tensors, yielding a scalar, which is
    # then broadcast-added to the [B, 1] biases.
    dot_user_product = jnp.tensordot(user_vector, product_vector, 2)
    x = dot_user_product + ub + pb
    return jax.nn.sigmoid(x)

if __name__ == "__main__":
    import jax
    _d = setup_inputs()
    print(jax.jit(kernel)(*tuple(_d.values())))

</pallas_src>

<mosaic_0001>
#map = affine_map<(d0, d1) -> (0, 0)>
#map1 = affine_map<(d0, d1) -> (0)>
module attributes {stable_mosaic.version = 14 : i64} {
  func.func @_sc_body(%arg0: i32, %arg1: i32, %arg2: memref<32x100000xf32, #tpu.memory_space<hbm>>, %arg3: memref<32x100000xf32, #tpu.memory_space<hbm>>, %arg4: memref<1x100000xf32, #tpu.memory_space<hbm>>, %arg5: memref<1x100000xf32, #tpu.memory_space<hbm>>, %arg6: memref<2x16384xi32, #tpu.memory_space<hbm>>, %arg7: memref<32x16xf32, #tpu.memory_space<hbm>>, %arg8: memref<16384xf32, #tpu.memory_space<hbm>>, %arg9: memref<100000xf32, #tpu.memory_space<vmem>>, %arg10: memref<16384xf32, #tpu.memory_space<vmem>>, %arg11: memref<2x4096xi32, #tpu.memory_space<vmem>>, %arg12: memref<512xi32, #tpu.memory_space<vmem>>, %arg13: memref<512xi32, #tpu.memory_space<vmem>>, %arg14: memref<512xf32, #tpu.memory_space<vmem>>, %arg15: memref<512xf32, #tpu.memory_space<vmem>>, %arg16: memref<512xf32, #tpu.memory_space<vmem>>, %arg17: memref<16xf32, #tpu.memory_space<vmem>>, %arg18: memref<!tpu.dma_semaphore, #tpu.memory_space<semaphore_mem>>, %arg19: memref<!tpu.dma_semaphore, #tpu.memory_space<semaphore_mem>>, %arg20: memref<!tpu.dma_semaphore, #tpu.memory_space<semaphore_mem>>, %arg21: memref<!tpu.dma_semaphore, #tpu.memory_space<semaphore_mem>>) attributes {dimension_semantics = [#tpu.dimension_semantics<core_parallel>, #tpu.dimension_semantics<subcore_parallel>], iteration_bounds = array<i64: 2, 16>, scalar_prefetch = 0 : i64, scratch_operands = 13 : i64, tpu.core_type = #tpu.core_type<sc_vector_subcore>, window_params = [{transform_indices = #map}, {transform_indices = #map}, {transform_indices = #map}, {transform_indices = #map}, {transform_indices = #map}, {transform_indices = #map}, {transform_indices = #map1}]} {
    %mul3A = arith.constant 2 : i32
    %mul3A_0 = arith.muli %arg1, %mul3A : i32
    %add3A = arith.addi %mul3A_0, %arg0 : i32
    %dma_start3A = arith.constant 0 : i32
    %dma_start3A_1 = tpu.memref_slice %arg2[%add3A, %dma_start3A] : memref<32x100000xf32, #tpu.memory_space<hbm>> -> memref<1x100000xf32, #tpu.memory_space<hbm>>
    %dma_start3A_2 = tpu.memref_squeeze %dma_start3A_1 : memref<1x100000xf32, #tpu.memory_space<hbm>> -> memref<100000xf32, #tpu.memory_space<hbm>>
    %dma_start3A_3 = arith.constant 0 : i32
    %dma_start3A_4 = tpu.memref_slice %arg2[%add3A, %dma_start3A_3] : memref<32x100000xf32, #tpu.memory_space<hbm>> -> memref<1x100000xf32, #tpu.memory_space<hbm>>
    %dma_start3A_5 = tpu.memref_squeeze %dma_start3A_4 : memref<1x100000xf32, #tpu.memory_space<hbm>> -> memref<100000xf32, #tpu.memory_space<hbm>>
    tpu.enqueue_dma source(%dma_start3A_5 : memref<100000xf32, #tpu.memory_space<hbm>>) target(%arg9 : memref<100000xf32, #tpu.memory_space<vmem>>) target_semaphore(%arg19 : memref<!tpu.dma_semaphore, #tpu.memory_space<semaphore_mem>>)
    %mul3A_6 = arith.constant 512 : i32
    %mul3A_7 = arith.muli %add3A, %mul3A_6 : i32
    %run_scoped3A = arith.constant 0 : i32
    "tpu.region"() ({
      %run_scoped3A_739 = tpu.sem_alloc : memref<!tpu.dma_semaphore, #tpu.memory_space<semaphore_mem>>
      %dma_start3A_740 = arith.constant 0 : i32
      %dma_start3A_741 = tpu.memref_slice %arg6[%run_scoped3A, %dma_start3A_740] : memref<2x16384xi32, #tpu.memory_space<hbm>> -> memref<1x16384xi32, #tpu.memory_space<hbm>>
      %dma_start3A_742 = tpu.memref_squeeze %dma_start3A_741 : memref<1x16384xi32, #tpu.memory_space<hbm>> -> memref<16384xi32, #tpu.memory_space<hbm>>
      %dma_start3A_743 = tpu.memref_slice %dma_start3A_742[%mul3A_7] : memref<16384xi32, #tpu.memory_space<hbm>> -> memref<512xi32, #tpu.memory_space<hbm>>
      %dma_start3A_744 = arith.constant 0 : i32
      %dma_start3A_745 = tpu.memref_slice %arg6[%run_scoped3A, %dma_start3A_744] : memref<2x16384xi32, #tpu.memory_space<hbm>> -> memref<1x16384xi32, #tpu.memory_space<hbm>>
      %dma_start3A_746 = tpu.memref_squeeze %dma_start3A_745 : memref<1x16384xi32, #tpu.memory_space<hbm>> -> memref<16384xi32, #tpu.memory_space<hbm>>
      %dma_start3A_747 = tpu.memref_slice %dma_start3A_746[%mul3A_7] : memref<16384xi32, #tpu.memory_space<hbm>> -> memref<512xi32, #tpu.memory_space<hbm>>
      tpu.enqueue_dma source(%dma_start3A_747 : memref<512xi32, #tpu.memory_space<hbm>>) target(%arg12 : memref<512xi32, #tpu.memory_space<vmem>>) target_semaphore(%run_scoped3A_739 : memref<!tpu.dma_semaphore, #tpu.memory_space<semaphore_mem>>)
      %dma_wait3A_748 = arith.constant 0 : i32
      %dma_wait3A_749 = tpu.memref_slice %arg6[%run_scoped3A, %dma_wait3A_748] : memref<2x16384xi32, #tpu.memory_space<hbm>> -> memref<1x16384xi32, #tpu.memory_space<hbm>>
      %dma_wait3A_750 = tpu.memref_squeeze %dma_wait3A_749 : memref<1x16384xi32, #tpu.memory_space<hbm>> -> memref<16384xi32, #tpu.memory_space<hbm>>
      %dma_wait3A_751 = tpu.memref_slice %dma_wait3A_750[%mul3A_7] : memref<16384xi32, #tpu.memory_space<hbm>> -> memref<512xi32, #tpu.memory_space<hbm>>
      %dma_wait3A_752 = arith.constant 0 : i32
      %dma_wait3A_753 = tpu.memref_slice %arg6[%run_scoped3A, %dma_wait3A_752] : memref<2x16384xi32, #tpu.memory_space<hbm>> -> memref<1x16384xi32, #tpu.memory_space<hbm>>
      %dma_wait3A_754 = tpu.memref_squeeze %dma_wait3A_753 : memref<1x16384xi32, #tpu.memory_space<hbm>> -> memref<16384xi32, #tpu.memory_space<hbm>>
      %dma_wait3A_755 = tpu.memref_slice %dma_wait3A_754[%mul3A_7] : memref<16384xi32, #tpu.memory_space<hbm>> -> memref<512xi32, #tpu.memory_space<hbm>>
      tpu.wait_dma2 semaphore(%run_scoped3A_739 : memref<!tpu.dma_semaphore, #tpu.memory_space<semaphore_mem>>) src(%dma_wait3A_755 : memref<512xi32, #tpu.memory_space<hbm>>) dst(%arg12 : memref<512xi32, #tpu.memory_space<vmem>>)
      tpu.yield
    }) : () -> ()
    %mul3A_8 = arith.constant 512 : i32
    %mul3A_9 = arith.muli %add3A, %mul3A_8 : i32
    %run_scoped3A_10 = arith.constant 1 : i32
    "tpu.region"() ({
      %run_scoped3A_739 = tpu.sem_alloc : memref<!tpu.dma_semaphore, #tpu.memory_space<semaphore_mem>>
      %dma_start3A_740 = arith.constant 0 : i32
      %dma_start3A_741 = tpu.memref_slice %arg6[%run_scoped3A_10, %dma_start3A_740] : memref<2x16384xi32, #tpu.memory_space<hbm>> -> memref<1x16384xi32, #tpu.memory_space<hbm>>
      %dma_start3A_742 = tpu.memref_squeeze %dma_start3A_741 : memref<1x16384xi32, #tpu.memory_space<hbm>> -> memref<16384xi32, #tpu.memory_space<hbm>>
      %dma_start3A_743 = tpu.memref_slice %dma_start3A_742[%mul3A_9] : memref<16384xi32, #tpu.memory_space<hbm>> -> memref<512xi32, #tpu.memory_space<hbm>>
      %dma_start3A_744 = arith.constant 0 : i32
      %dma_start3A_745 = tpu.memref_slice %arg6[%run_scoped3A_10, %dma_start3A_744] : memref<2x16384xi32, #tpu.memory_space<hbm>> -> memref<1x16384xi32, #tpu.memory_space<hbm>>
      %dma_start3A_746 = tpu.memref_squeeze %dma_start3A_745 : memref<1x16384xi32, #tpu.memory_space<hbm>> -> memref<16384xi32, #tpu.memory_space<hbm>>
      %dma_start3A_747 = tpu.memref_slice %dma_start3A_746[%mul3A_9] : memref<16384xi32, #tpu.memory_space<hbm>> -> memref<512xi32, #tpu.memory_space<hbm>>
      tpu.enqueue_dma source(%dma_start3A_747 : memref<512xi32, #tpu.memory_space<hbm>>) target(%arg13 : memref<512xi32, #tpu.memory_space<vmem>>) target_semaphore(%run_scoped3A_739 : memref<!tpu.dma_semaphore, #tpu.memory_space<semaphore_mem>>)
      %dma_wait3A_748 = arith.constant 0 : i32
      %dma_wait3A_749 = tpu.memref_slice %arg6[%run_scoped3A_10, %dma_wait3A_748] : memref<2x16384xi32, #tpu.memory_space<hbm>> -> memref<1x16384xi32, #tpu.memory_space<hbm>>
      %dma_wait3A_750 = tpu.memref_squeeze %dma_wait3A_749 : memref<1x16384xi32, #tpu.memory_space<hbm>> -> memref<16384xi32, #tpu.memory_space<hbm>>
      %dma_wait3A_751 = tpu.memref_slice %dma_wait3A_750[%mul3A_9] : memref<16384xi32, #tpu.memory_space<hbm>> -> memref<512xi32, #tpu.memory_space<hbm>>
      %dma_wait3A_752 = arith.constant 0 : i32
      %dma_wait3A_753 = tpu.memref_slice %arg6[%run_scoped3A_10, %dma_wait3A_752] : memref<2x16384xi32, #tpu.memory_space<hbm>> -> memref<1x16384xi32, #tpu.memory_space<hbm>>
      %dma_wait3A_754 = tpu.memref_squeeze %dma_wait3A_753 : memref<1x16384xi32, #tpu.memory_space<hbm>> -> memref<16384xi32, #tpu.memory_space<hbm>>
      %dma_wait3A_755 = tpu.memref_slice %dma_wait3A_754[%mul3A_9] : memref<16384xi32, #tpu.memory_space<hbm>> -> memref<512xi32, #tpu.memory_space<hbm>>
      tpu.wait_dma2 semaphore(%run_scoped3A_739 : memref<!tpu.dma_semaphore, #tpu.memory_space<semaphore_mem>>) src(%dma_wait3A_755 : memref<512xi32, #tpu.memory_space<hbm>>) dst(%arg13 : memref<512xi32, #tpu.memory_space<vmem>>)
      tpu.yield
    }) : () -> ()
    %dma_start3A_11 = arith.constant 0 : i32
    %dma_start3A_12 = arith.constant 0 : i32
    %dma_start3A_13 = tpu.memref_slice %arg14[%dma_start3A_12] : memref<512xf32, #tpu.memory_space<vmem>> -> memref<128xf32, #tpu.memory_space<vmem>>
    %dma_start3A_14 = arith.constant 0 : i32
    %dma_start3A_15 = tpu.memref_slice %arg12[%dma_start3A_14] : memref<512xi32, #tpu.memory_space<vmem>> -> memref<128xi32, #tpu.memory_space<vmem>>
    %dma_start3A_16 = arith.constant 0 : i32
    %dma_start3A_17 = tpu.memref_slice %arg4[%dma_start3A_11, %dma_start3A_16] : memref<1x100000xf32, #tpu.memory_space<hbm>> -> memref<1x100000xf32, #tpu.memory_space<hbm>>
    %dma_start3A_18 = tpu.memref_squeeze %dma_start3A_17 : memref<1x100000xf32, #tpu.memory_space<hbm>> -> memref<100000xf32, #tpu.memory_space<hbm>>
    %dma_start3A_19 = arith.constant 0 : i32
    %dma_start3A_20 = tpu.memref_slice %dma_start3A_18[%dma_start3A_19] : memref<100000xf32, #tpu.memory_space<hbm>> -> memref<100000xf32, #tpu.memory_space<hbm>>
    tpu.enqueue_indirect_dma source(%dma_start3A_20 : memref<100000xf32, #tpu.memory_space<hbm>>) target(%dma_start3A_13 : memref<128xf32, #tpu.memory_space<vmem>>) offsets(%dma_start3A_15 : memref<128xi32, #tpu.memory_space<vmem>>) semaphore(%arg18 : memref<!tpu.dma_semaphore, #tpu.memory_space<semaphore_mem>>)
    %dma_start3A_21 = arith.constant 0 : i32
    %dma_start3A_22 = arith.constant 0 : i32
    %dma_start3A_23 = tpu.memref_slice %arg15[%dma_start3A_22] : memref<512xf32, #tpu.memory_space<vmem>> -> memref<128xf32, #tpu.memory_space<vmem>>
    %dma_start3A_24 = arith.constant 0 : i32
    %dma_start3A_25 = tpu.memref_slice %arg13[%dma_start3A_24] : memref<512xi32, #tpu.memory_space<vmem>> -> memref<128xi32, #tpu.memory_space<vmem>>
    %dma_start3A_26 = arith.constant 0 : i32
    %dma_start3A_27 = tpu.memref_slice %arg5[%dma_start3A_21, %dma_start3A_26] : memref<1x100000xf32, #tpu.memory_space<hbm>> -> memref<1x100000xf32, #tpu.memory_space<hbm>>
    %dma_start3A_28 = tpu.memref_squeeze %dma_start3A_27 : memref<1x100000xf32, #tpu.memory_space<hbm>> -> memref<100000xf32, #tpu.memory_space<hbm>>
    %dma_start3A_29 = arith.constant 0 : i32
    %dma_start3A_30 = tpu.memref_slice %dma_start3A_28[%dma_start3A_29] : memref<100000xf32, #tpu.memory_space<hbm>> -> memref<100000xf32, #tpu.memory_space<hbm>>
    tpu.enqueue_indirect_dma source(%dma_start3A_30 : memref<100000xf32, #tpu.memory_space<hbm>>) target(%dma_start3A_23 : memref<128xf32, #tpu.memory_space<vmem>>) offsets(%dma_start3A_25 : memref<128xi32, #tpu.memory_space<vmem>>) semaphore(%arg18 : memref<!tpu.dma_semaphore, #tpu.memory_space<semaphore_mem>>)
    %dma_start3A_31 = arith.constant 0 : i32
    %dma_start3A_32 = arith.constant 128 : i32
    %dma_start3A_33 = tpu.memref_slice %arg14[%dma_start3A_32] : memref<512xf32, #tpu.memory_space<vmem>> -> memref<128xf32, #tpu.memory_space<vmem>>
    %dma_start3A_34 = arith.constant 128 : i32
    %dma_start3A_35 = tpu.memref_slice %arg12[%dma_start3A_34] : memref<512xi32, #tpu.memory_space<vmem>> -> memref<128xi32, #tpu.memory_space<vmem>>
    %dma_start3A_36 = arith.constant 0 : i32
    %dma_start3A_37 = tpu.memref_slice %arg4[%dma_start3A_31, %dma_start3A_36] : memref<1x100000xf32, #tpu.memory_space<hbm>> -> memref<1x100000xf32, #tpu.memory_space<hbm>>
    %dma_start3A_38 = tpu.memref_squeeze %dma_start3A_37 : memref<1x100000xf32, #tpu.memory_space<hbm>> -> memref<100000xf32, #tpu.memory_space<hbm>>
    %dma_start3A_39 = arith.constant 0 : i32
    %dma_start3A_40 = tpu.memref_slice %dma_start3A_38[%dma_start3A_39] : memref<100000xf32, #tpu.memory_space<hbm>> -> memref<100000xf32, #tpu.memory_space<hbm>>
    tpu.enqueue_indirect_dma source(%dma_start3A_40 : memref<100000xf32, #tpu.memory_space<hbm>>) target(%dma_start3A_33 : memref<128xf32, #tpu.memory_space<vmem>>) offsets(%dma_start3A_35 : memref<128xi32, #tpu.memory_space<vmem>>) semaphore(%arg18 : memref<!tpu.dma_semaphore, #tpu.memory_space<semaphore_mem>>)
    %dma_start3A_41 = arith.constant 0 : i32
    %dma_start3A_42 = arith.constant 128 : i32
    %dma_start3A_43 = tpu.memref_slice %arg15[%dma_start3A_42] : memref<512xf32, #tpu.memory_space<vmem>> -> memref<128xf32, #tpu.memory_space<vmem>>
    %dma_start3A_44 = arith.constant 128 : i32
    %dma_start3A_45 = tpu.memref_slice %arg13[%dma_start3A_44] : memref<512xi32, #tpu.memory_space<vmem>> -> memref<128xi32, #tpu.memory_space<vmem>>
    %dma_start3A_46 = arith.constant 0 : i32
    %dma_start3A_47 = tpu.memref_slice %arg5[%dma_start3A_41, %dma_start3A_46] : memref<1x100000xf32, #tpu.memory_space<hbm>> -> memref<1x100000xf32, #tpu.memory_space<hbm>>
    %dma_start3A_48 = tpu.memref_squeeze %dma_start3A_47 : memref<1x100000xf32, #tpu.memory_space<hbm>> -> memref<100000xf32, #tpu.memory_space<hbm>>
    %dma_start3A_49 = arith.constant 0 : i32
    %dma_start3A_50 = tpu.memref_slice %dma_start3A_48[%dma_start3A_49] : memref<100000xf32, #tpu.memory_space<hbm>> -> memref<100000xf32, #tpu.memory_space<hbm>>
    tpu.enqueue_indirect_dma source(%dma_start3A_50 : memref<100000xf32, #tpu.memory_space<hbm>>) target(%dma_start3A_43 : memref<128xf32, #tpu.memory_space<vmem>>) offsets(%dma_start3A_45 : memref<128xi32, #tpu.memory_space<vmem>>) semaphore(%arg18 : memref<!tpu.dma_semaphore, #tpu.memory_space<semaphore_mem>>)
    %dma_start3A_51 = arith.constant 0 : i32
    %dma_start3A_52 = arith.constant 256 : i32
    %dma_start3A_53 = tpu.memref_slice %arg14[%dma_start3A_52] : memref<512xf32, #tpu.memory_space<vmem>> -> memref<128xf32, #tpu.memory_space<vmem>>
    %dma_start3A_54 = arith.constant 256 : i32
    %dma_start3A_55 = tpu.memref_slice %arg12[%dma_start3A_54] : memref<512xi32, #tpu.memory_space<vmem>> -> memref<128xi32, #tpu.memory_space<vmem>>
    %dma_start3A_56 = arith.constant 0 : i32
    %dma_start3A_57 = tpu.memref_slice %arg4[%dma_start3A_51, %dma_start3A_56] : memref<1x100000xf32, #tpu.memory_space<hbm>> -> memref<1x100000xf32, #tpu.memory_space<hbm>>
    %dma_start3A_58 = tpu.memref_squeeze %dma_start3A_57 : memref<1x100000xf32, #tpu.memory_space<hbm>> -> memref<100000xf32, #tpu.memory_space<hbm>>
    %dma_start3A_59 = arith.constant 0 : i32
    %dma_start3A_60 = tpu.memref_slice %dma_start3A_58[%dma_start3A_59] : memref<100000xf32, #tpu.memory_space<hbm>> -> memref<100000xf32, #tpu.memory_space<hbm>>
    tpu.enqueue_indirect_dma source(%dma_start3A_60 : memref<100000xf32, #tpu.memory_space<hbm>>) target(%dma_start3A_53 : memref<128xf32, #tpu.memory_space<vmem>>) offsets(%dma_start3A_55 : memref<128xi32, #tpu.memory_space<vmem>>) semaphore(%arg18 : memref<!tpu.dma_semaphore, #tpu.memory_space<semaphore_mem>>)
    %dma_start3A_61 = arith.constant 0 : i32
    %dma_start3A_62 = arith.constant 256 : i32
    %dma_start3A_63 = tpu.memref_slice %arg15[%dma_start3A_62] : memref<512xf32, #tpu.memory_space<vmem>> -> memref<128xf32, #tpu.memory_space<vmem>>
    %dma_start3A_64 = arith.constant 256 : i32
    %dma_start3A_65 = tpu.memref_slice %arg13[%dma_start3A_64] : memref<512xi32, #tpu.memory_space<vmem>> -> memref<128xi32, #tpu.memory_space<vmem>>
    %dma_start3A_66 = arith.constant 0 : i32
    %dma_start3A_67 = tpu.memref_slice %arg5[%dma_start3A_61, %dma_start3A_66] : memref<1x100000xf32, #tpu.memory_space<hbm>> -> memref<1x100000xf32, #tpu.memory_space<hbm>>
    %dma_start3A_68 = tpu.memref_squeeze %dma_start3A_67 : memref<1x100000xf32, #tpu.memory_space<hbm>> -> memref<100000xf32, #tpu.memory_space<hbm>>
    %dma_start3A_69 = arith.constant 0 : i32
    %dma_start3A_70 = tpu.memref_slice %dma_start3A_68[%dma_start3A_69] : memref<100000xf32, #tpu.memory_space<hbm>> -> memref<100000xf32, #tpu.memory_space<hbm>>
    tpu.enqueue_indirect_dma source(%dma_start3A_70 : memref<100000xf32, #tpu.memory_space<hbm>>) target(%dma_start3A_63 : memref<128xf32, #tpu.memory_space<vmem>>) offsets(%dma_start3A_65 : memref<128xi32, #tpu.memory_space<vmem>>) semaphore(%arg18 : memref<!tpu.dma_semaphore, #tpu.memory_space<semaphore_mem>>)
    %dma_start3A_71 = arith.constant 0 : i32
    %dma_start3A_72 = arith.constant 384 : i32
    %dma_start3A_73 = tpu.memref_slice %arg14[%dma_start3A_72] : memref<512xf32, #tpu.memory_space<vmem>> -> memref<128xf32, #tpu.memory_space<vmem>>
    %dma_start3A_74 = arith.constant 384 : i32
    %dma_start3A_75 = tpu.memref_slice %arg12[%dma_start3A_74] : memref<512xi32, #tpu.memory_space<vmem>> -> memref<128xi32, #tpu.memory_space<vmem>>
    %dma_start3A_76 = arith.constant 0 : i32
    %dma_start3A_77 = tpu.memref_slice %arg4[%dma_start3A_71, %dma_start3A_76] : memref<1x100000xf32, #tpu.memory_space<hbm>> -> memref<1x100000xf32, #tpu.memory_space<hbm>>
    %dma_start3A_78 = tpu.memref_squeeze %dma_start3A_77 : memref<1x100000xf32, #tpu.memory_space<hbm>> -> memref<100000xf32, #tpu.memory_space<hbm>>
    %dma_start3A_79 = arith.constant 0 : i32
    %dma_start3A_80 = tpu.memref_slice %dma_start3A_78[%dma_start3A_79] : memref<100000xf32, #tpu.memory_space<hbm>> -> memref<100000xf32, #tpu.memory_space<hbm>>
    tpu.enqueue_indirect_dma source(%dma_start3A_80 : memref<100000xf32, #tpu.memory_space<hbm>>) target(%dma_start3A_73 : memref<128xf32, #tpu.memory_space<vmem>>) offsets(%dma_start3A_75 : memref<128xi32, #tpu.memory_space<vmem>>) semaphore(%arg18 : memref<!tpu.dma_semaphore, #tpu.memory_space<semaphore_mem>>)
    %dma_start3A_81 = arith.constant 0 : i32
    %dma_start3A_82 = arith.constant 384 : i32
    %dma_start3A_83 = tpu.memref_slice %arg15[%dma_start3A_82] : memref<512xf32, #tpu.memory_space<vmem>> -> memref<128xf32, #tpu.memory_space<vmem>>
    %dma_start3A_84 = arith.constant 384 : i32
    %dma_start3A_85 = tpu.memref_slice %arg13[%dma_start3A_84] : memref<512xi32, #tpu.memory_space<vmem>> -> memref<128xi32, #tpu.memory_space<vmem>>
    %dma_start3A_86 = arith.constant 0 : i32
    %dma_start3A_87 = tpu.memref_slice %arg5[%dma_start3A_81, %dma_start3A_86] : memref<1x100000xf32, #tpu.memory_space<hbm>> -> memref<1x100000xf32, #tpu.memory_space<hbm>>
    %dma_start3A_88 = tpu.memref_squeeze %dma_start3A_87 : memref<1x100000xf32, #tpu.memory_space<hbm>> -> memref<100000xf32, #tpu.memory_space<hbm>>
    %dma_start3A_89 = arith.constant 0 : i32
    %dma_start3A_90 = tpu.memref_slice %dma_start3A_88[%dma_start3A_89] : memref<100000xf32, #tpu.memory_space<hbm>> -> memref<100000xf32, #tpu.memory_space<hbm>>
    tpu.enqueue_indirect_dma source(%dma_start3A_90 : memref<100000xf32, #tpu.memory_space<hbm>>) target(%dma_start3A_83 : memref<128xf32, #tpu.memory_space<vmem>>) offsets(%dma_start3A_85 : memref<128xi32, #tpu.memory_space<vmem>>) semaphore(%arg18 : memref<!tpu.dma_semaphore, #tpu.memory_space<semaphore_mem>>)
    %dma_start3A_91 = arith.constant 0 : i32
    %dma_start3A_92 = arith.constant 0 : i32
    %dma_start3A_93 = arith.constant 0 : i32
    %dma_start3A_94 = tpu.memref_slice %arg11[%dma_start3A_92, %dma_start3A_93] : memref<2x4096xi32, #tpu.memory_space<vmem>> -> memref<1x4096xi32, #tpu.memory_space<vmem>>
    %dma_start3A_95 = tpu.memref_squeeze %dma_start3A_94 : memref<1x4096xi32, #tpu.memory_space<vmem>> -> memref<4096xi32, #tpu.memory_space<vmem>>
    %dma_start3A_96 = arith.constant 0 : i32
    %dma_start3A_97 = tpu.memref_slice %arg6[%dma_start3A_91, %dma_start3A_96] : memref<2x16384xi32, #tpu.memory_space<hbm>> -> memref<1x16384xi32, #tpu.memory_space<hbm>>
    %dma_start3A_98 = tpu.memref_squeeze %dma_start3A_97 : memref<1x16384xi32, #tpu.memory_space<hbm>> -> memref<16384xi32, #tpu.memory_space<hbm>>
    %dma_start3A_99 = arith.constant 0 : i32
    %dma_start3A_100 = tpu.memref_slice %dma_start3A_98[%dma_start3A_99] : memref<16384xi32, #tpu.memory_space<hbm>> -> memref<4096xi32, #tpu.memory_space<hbm>>
    %dma_start3A_101 = arith.constant 0 : i32
    %dma_start3A_102 = tpu.memref_slice %arg11[%dma_start3A_92, %dma_start3A_101] : memref<2x4096xi32, #tpu.memory_space<vmem>> -> memref<1x4096xi32, #tpu.memory_space<vmem>>
    %dma_start3A_103 = tpu.memref_squeeze %dma_start3A_102 : memref<1x4096xi32, #tpu.memory_space<vmem>> -> memref<4096xi32, #tpu.memory_space<vmem>>
    %dma_start3A_104 = arith.constant 0 : i32
    %dma_start3A_105 = tpu.memref_slice %arg6[%dma_start3A_91, %dma_start3A_104] : memref<2x16384xi32, #tpu.memory_space<hbm>> -> memref<1x16384xi32, #tpu.memory_space<hbm>>
    %dma_start3A_106 = tpu.memref_squeeze %dma_start3A_105 : memref<1x16384xi32, #tpu.memory_space<hbm>> -> memref<16384xi32, #tpu.memory_space<hbm>>
    %dma_start3A_107 = arith.constant 0 : i32
    %dma_start3A_108 = tpu.memref_slice %dma_start3A_106[%dma_start3A_107] : memref<16384xi32, #tpu.memory_space<hbm>> -> memref<4096xi32, #tpu.memory_space<hbm>>
    tpu.enqueue_dma source(%dma_start3A_108 : memref<4096xi32, #tpu.memory_space<hbm>>) target(%dma_start3A_103 : memref<4096xi32, #tpu.memory_space<vmem>>) target_semaphore(%arg20 : memref<!tpu.dma_semaphore, #tpu.memory_space<semaphore_mem>>)
    %dma_start3A_109 = arith.constant 0 : i32
    %dma_start3A_110 = arith.constant 1 : i32
    %dma_start3A_111 = arith.constant 0 : i32
    %dma_start3A_112 = tpu.memref_slice %arg11[%dma_start3A_110, %dma_start3A_111] : memref<2x4096xi32, #tpu.memory_space<vmem>> -> memref<1x4096xi32, #tpu.memory_space<vmem>>
    %dma_start3A_113 = tpu.memref_squeeze %dma_start3A_112 : memref<1x4096xi32, #tpu.memory_space<vmem>> -> memref<4096xi32, #tpu.memory_space<vmem>>
    %dma_start3A_114 = arith.constant 0 : i32
    %dma_start3A_115 = tpu.memref_slice %arg6[%dma_start3A_109, %dma_start3A_114] : memref<2x16384xi32, #tpu.memory_space<hbm>> -> memref<1x16384xi32, #tpu.memory_space<hbm>>
    %dma_start3A_116 = tpu.memref_squeeze %dma_start3A_115 : memref<1x16384xi32, #tpu.memory_space<hbm>> -> memref<16384xi32, #tpu.memory_space<hbm>>
    %dma_start3A_117 = arith.constant 4096 : i32
    %dma_start3A_118 = tpu.memref_slice %dma_start3A_116[%dma_start3A_117] : memref<16384xi32, #tpu.memory_space<hbm>> -> memref<4096xi32, #tpu.memory_space<hbm>>
    %dma_start3A_119 = arith.constant 0 : i32
    %dma_start3A_120 = tpu.memref_slice %arg11[%dma_start3A_110, %dma_start3A_119] : memref<2x4096xi32, #tpu.memory_space<vmem>> -> memref<1x4096xi32, #tpu.memory_space<vmem>>
    %dma_start3A_121 = tpu.memref_squeeze %dma_start3A_120 : memref<1x4096xi32, #tpu.memory_space<vmem>> -> memref<4096xi32, #tpu.memory_space<vmem>>
    %dma_start3A_122 = arith.constant 0 : i32
    %dma_start3A_123 = tpu.memref_slice %arg6[%dma_start3A_109, %dma_start3A_122] : memref<2x16384xi32, #tpu.memory_space<hbm>> -> memref<1x16384xi32, #tpu.memory_space<hbm>>
    %dma_start3A_124 = tpu.memref_squeeze %dma_start3A_123 : memref<1x16384xi32, #tpu.memory_space<hbm>> -> memref<16384xi32, #tpu.memory_space<hbm>>
    %dma_start3A_125 = arith.constant 4096 : i32
    %dma_start3A_126 = tpu.memref_slice %dma_start3A_124[%dma_start3A_125] : memref<16384xi32, #tpu.memory_space<hbm>> -> memref<4096xi32, #tpu.memory_space<hbm>>
    tpu.enqueue_dma source(%dma_start3A_126 : memref<4096xi32, #tpu.memory_space<hbm>>) target(%dma_start3A_121 : memref<4096xi32, #tpu.memory_space<vmem>>) target_semaphore(%arg21 : memref<!tpu.dma_semaphore, #tpu.memory_space<semaphore_mem>>)
    %dma_wait3A = arith.constant 0 : i32
    %dma_wait3A_127 = tpu.memref_slice %arg2[%add3A, %dma_wait3A] : memref<32x100000xf32, #tpu.memory_space<hbm>> -> memref<1x100000xf32, #tpu.memory_space<hbm>>
    %dma_wait3A_128 = tpu.memref_squeeze %dma_wait3A_127 : memref<1x100000xf32, #tpu.memory_space<hbm>> -> memref<100000xf32, #tpu.memory_space<hbm>>
    %dma_wait3A_129 = arith.constant 0 : i32
    %dma_wait3A_130 = tpu.memref_slice %arg2[%add3A, %dma_wait3A_129] : memref<32x100000xf32, #tpu.memory_space<hbm>> -> memref<1x100000xf32, #tpu.memory_space<hbm>>
    %dma_wait3A_131 = tpu.memref_squeeze %dma_wait3A_130 : memref<1x100000xf32, #tpu.memory_space<hbm>> -> memref<100000xf32, #tpu.memory_space<hbm>>
    tpu.wait_dma2 semaphore(%arg19 : memref<!tpu.dma_semaphore, #tpu.memory_space<semaphore_mem>>) src(%dma_wait3A_131 : memref<100000xf32, #tpu.memory_space<hbm>>) dst(%arg9 : memref<100000xf32, #tpu.memory_space<vmem>>)
    %dma_wait3A_132 = arith.constant 0 : i32
    %dma_wait3A_133 = arith.constant 0 : i32
    %dma_wait3A_134 = arith.constant 0 : i32
    %dma_wait3A_135 = tpu.memref_slice %arg11[%dma_wait3A_133, %dma_wait3A_134] : memref<2x4096xi32, #tpu.memory_space<vmem>> -> memref<1x4096xi32, #tpu.memory_space<vmem>>
    %dma_wait3A_136 = tpu.memref_squeeze %dma_wait3A_135 : memref<1x4096xi32, #tpu.memory_space<vmem>> -> memref<4096xi32, #tpu.memory_space<vmem>>
    %dma_wait3A_137 = arith.constant 0 : i32
    %dma_wait3A_138 = tpu.memref_slice %arg6[%dma_wait3A_132, %dma_wait3A_137] : memref<2x16384xi32, #tpu.memory_space<hbm>> -> memref<1x16384xi32, #tpu.memory_space<hbm>>
    %dma_wait3A_139 = tpu.memref_squeeze %dma_wait3A_138 : memref<1x16384xi32, #tpu.memory_space<hbm>> -> memref<16384xi32, #tpu.memory_space<hbm>>
    %dma_wait3A_140 = arith.constant 0 : i32
    %dma_wait3A_141 = tpu.memref_slice %dma_wait3A_139[%dma_wait3A_140] : memref<16384xi32, #tpu.memory_space<hbm>> -> memref<4096xi32, #tpu.memory_space<hbm>>
    %dma_wait3A_142 = arith.constant 0 : i32
    %dma_wait3A_143 = tpu.memref_slice %arg11[%dma_wait3A_133, %dma_wait3A_142] : memref<2x4096xi32, #tpu.memory_space<vmem>> -> memref<1x4096xi32, #tpu.memory_space<vmem>>
    %dma_wait3A_144 = tpu.memref_squeeze %dma_wait3A_143 : memref<1x4096xi32, #tpu.memory_space<vmem>> -> memref<4096xi32, #tpu.memory_space<vmem>>
    %dma_wait3A_145 = arith.constant 0 : i32
    %dma_wait3A_146 = tpu.memref_slice %arg6[%dma_wait3A_132, %dma_wait3A_145] : memref<2x16384xi32, #tpu.memory_space<hbm>> -> memref<1x16384xi32, #tpu.memory_space<hbm>>
    %dma_wait3A_147 = tpu.memref_squeeze %dma_wait3A_146 : memref<1x16384xi32, #tpu.memory_space<hbm>> -> memref<16384xi32, #tpu.memory_space<hbm>>
    %dma_wait3A_148 = arith.constant 0 : i32
    %dma_wait3A_149 = tpu.memref_slice %dma_wait3A_147[%dma_wait3A_148] : memref<16384xi32, #tpu.memory_space<hbm>> -> memref<4096xi32, #tpu.memory_space<hbm>>
    tpu.wait_dma2 semaphore(%arg20 : memref<!tpu.dma_semaphore, #tpu.memory_space<semaphore_mem>>) src(%dma_wait3A_149 : memref<4096xi32, #tpu.memory_space<hbm>>) dst(%dma_wait3A_144 : memref<4096xi32, #tpu.memory_space<vmem>>)
    %parallel_loop3A = arith.constant 0 : i32
    %parallel_loop3A_150 = arith.constant 4096 : i32
    %parallel_loop3A_151 = arith.constant 64 : i32
    scf.for %parallel_loop3A_739 = %parallel_loop3A to %parallel_loop3A_150 step %parallel_loop3A_151  : i32 {
      %parallel_loop3A_740 = arith.constant 0 : i32
      %parallel_loop3A_741 = arith.addi %parallel_loop3A_739, %parallel_loop3A_740 : i32
      %parallel_loop3A_742 = arith.constant 0 : i32
      %parallel_loop3A_743 = arith.index_cast %parallel_loop3A_742 : i32 to index
      %parallel_loop3A_744 = arith.index_cast %parallel_loop3A_741 : i32 to index
      %parallel_loop3A_745 = tpu.vector_load %arg11[%parallel_loop3A_743, %parallel_loop3A_744] {strides = array<i32>} : memref<2x4096xi32, #tpu.memory_space<vmem>>, vector<16xi32>,
      %parallel_loop3A_746 = tpu.vector_load_idx %arg9[%parallel_loop3A_745] : memref<100000xf32, #tpu.memory_space<vmem>>[vector<16xi32>], vector<16xf32>,
      %parallel_loop3A_747 = arith.constant 0 : i32
      %parallel_loop3A_748 = arith.addi %parallel_loop3A_747, %parallel_loop3A_739 : i32
      %parallel_loop3A_749 = arith.constant 0 : i32
      %parallel_loop3A_750 = arith.addi %parallel_loop3A_748, %parallel_loop3A_749 : i32
      %parallel_loop3A_751 = arith.index_cast %parallel_loop3A_750 : i32 to index
      %parallel_loop3A_752 = tpu.vector_load %arg10[%parallel_loop3A_751] {strides = array<i32>} : memref<16384xf32, #tpu.memory_space<vmem>>, vector<16xf32>,
      tpu.vector_store %arg10[%parallel_loop3A_751], %parallel_loop3A_746 {strides = array<i32>} : memref<16384xf32, #tpu.memory_space<vmem>>, vector<16xf32>,
      %parallel_loop3A_753 = arith.constant 16 : i32
      %parallel_loop3A_754 = arith.addi %parallel_loop3A_739, %parallel_loop3A_753 : i32
      %parallel_loop3A_755 = arith.constant 0 : i32
      %parallel_loop3A_756 = arith.index_cast %parallel_loop3A_755 : i32 to index
      %parallel_loop3A_757 = arith.index_cast %parallel_loop3A_754 : i32 to index
      %parallel_loop3A_758 = tpu.vector_load %arg11[%parallel_loop3A_756, %parallel_loop3A_757] {strides = array<i32>} : memref<2x4096xi32, #tpu.memory_space<vmem>>, vector<16xi32>,
      %parallel_loop3A_759 = tpu.vector_load_idx %arg9[%parallel_loop3A_758] : memref<100000xf32, #tpu.memory_space<vmem>>[vector<16xi32>], vector<16xf32>,
      %parallel_loop3A_760 = arith.constant 0 : i32
      %parallel_loop3A_761 = arith.addi %parallel_loop3A_760, %parallel_loop3A_739 : i32
      %parallel_loop3A_762 = arith.constant 16 : i32
      %parallel_loop3A_763 = arith.addi %parallel_loop3A_761, %parallel_loop3A_762 : i32
      %parallel_loop3A_764 = arith.index_cast %parallel_loop3A_763 : i32 to index
      %parallel_loop3A_765 = tpu.vector_load %arg10[%parallel_loop3A_764] {strides = array<i32>} : memref<16384xf32, #tpu.memory_space<vmem>>, vector<16xf32>,
      tpu.vector_store %arg10[%parallel_loop3A_764], %parallel_loop3A_759 {strides = array<i32>} : memref<16384xf32, #tpu.memory_space<vmem>>, vector<16xf32>,
      %parallel_loop3A_766 = arith.constant 32 : i32
      %parallel_loop3A_767 = arith.addi %parallel_loop3A_739, %parallel_loop3A_766 : i32
      %parallel_loop3A_768 = arith.constant 0 : i32
      %parallel_loop3A_769 = arith.index_cast %parallel_loop3A_768 : i32 to index
      %parallel_loop3A_770 = arith.index_cast %parallel_loop3A_767 : i32 to index
      %parallel_loop3A_771 = tpu.vector_load %arg11[%parallel_loop3A_769, %parallel_loop3A_770] {strides = array<i32>} : memref<2x4096xi32, #tpu.memory_space<vmem>>, vector<16xi32>,
      %parallel_loop3A_772 = tpu.vector_load_idx %arg9[%parallel_loop3A_771] : memref<100000xf32, #tpu.memory_space<vmem>>[vector<16xi32>], vector<16xf32>,
      %parallel_loop3A_773 = arith.constant 0 : i32
      %parallel_loop3A_774 = arith.addi %parallel_loop3A_773, %parallel_loop3A_739 : i32
      %parallel_loop3A_775 = arith.constant 32 : i32
      %parallel_loop3A_776 = arith.addi %parallel_loop3A_774, %parallel_loop3A_775 : i32
      %parallel_loop3A_777 = arith.index_cast %parallel_loop3A_776 : i32 to index
      %parallel_loop3A_778 = tpu.vector_load %arg10[%parallel_loop3A_777] {strides = array<i32>} : memref<16384xf32, #tpu.memory_space<vmem>>, vector<16xf32>,
      tpu.vector_store %arg10[%parallel_loop3A_777], %parallel_loop3A_772 {strides = array<i32>} : memref<16384xf32, #tpu.memory_space<vmem>>, vector<16xf32>,
      %parallel_loop3A_779 = arith.constant 48 : i32
      %parallel_loop3A_780 = arith.addi %parallel_loop3A_739, %parallel_loop3A_779 : i32
      %parallel_loop3A_781 = arith.constant 0 : i32
      %parallel_loop3A_782 = arith.index_cast %parallel_loop3A_781 : i32 to index
      %parallel_loop3A_783 = arith.index_cast %parallel_loop3A_780 : i32 to index
      %parallel_loop3A_784 = tpu.vector_load %arg11[%parallel_loop3A_782, %parallel_loop3A_783] {strides = array<i32>} : memref<2x4096xi32, #tpu.memory_space<vmem>>, vector<16xi32>,
      %parallel_loop3A_785 = tpu.vector_load_idx %arg9[%parallel_loop3A_784] : memref<100000xf32, #tpu.memory_space<vmem>>[vector<16xi32>], vector<16xf32>,
      %parallel_loop3A_786 = arith.constant 0 : i32
      %parallel_loop3A_787 = arith.addi %parallel_loop3A_786, %parallel_loop3A_739 : i32
      %parallel_loop3A_788 = arith.constant 48 : i32
      %parallel_loop3A_789 = arith.addi %parallel_loop3A_787, %parallel_loop3A_788 : i32
      %parallel_loop3A_790 = arith.index_cast %parallel_loop3A_789 : i32 to index
      %parallel_loop3A_791 = tpu.vector_load %arg10[%parallel_loop3A_790] {strides = array<i32>} : memref<16384xf32, #tpu.memory_space<vmem>>, vector<16xf32>,
      tpu.vector_store %arg10[%parallel_loop3A_790], %parallel_loop3A_785 {strides = array<i32>} : memref<16384xf32, #tpu.memory_space<vmem>>, vector<16xf32>,
    } {sc.loop_unroll_factor = 1 : i64, sc.parallel_access}
    %dma_start3A_152 = arith.constant 0 : i32
    %dma_start3A_153 = arith.constant 0 : i32
    %dma_start3A_154 = arith.constant 0 : i32
    %dma_start3A_155 = tpu.memref_slice %arg11[%dma_start3A_153, %dma_start3A_154] : memref<2x4096xi32, #tpu.memory_space<vmem>> -> memref<1x4096xi32, #tpu.memory_space<vmem>>
    %dma_start3A_156 = tpu.memref_squeeze %dma_start3A_155 : memref<1x4096xi32, #tpu.memory_space<vmem>> -> memref<4096xi32, #tpu.memory_space<vmem>>
    %dma_start3A_157 = arith.constant 0 : i32
    %dma_start3A_158 = tpu.memref_slice %arg6[%dma_start3A_152, %dma_start3A_157] : memref<2x16384xi32, #tpu.memory_space<hbm>> -> memref<1x16384xi32, #tpu.memory_space<hbm>>
    %dma_start3A_159 = tpu.memref_squeeze %dma_start3A_158 : memref<1x16384xi32, #tpu.memory_space<hbm>> -> memref<16384xi32, #tpu.memory_space<hbm>>
    %dma_start3A_160 = arith.constant 8192 : i32
    %dma_start3A_161 = tpu.memref_slice %dma_start3A_159[%dma_start3A_160] : memref<16384xi32, #tpu.memory_space<hbm>> -> memref<4096xi32, #tpu.memory_space<hbm>>
    %dma_start3A_162 = arith.constant 0 : i32
    %dma_start3A_163 = tpu.memref_slice %arg11[%dma_start3A_153, %dma_start3A_162] : memref<2x4096xi32, #tpu.memory_space<vmem>> -> memref<1x4096xi32, #tpu.memory_space<vmem>>
    %dma_start3A_164 = tpu.memref_squeeze %dma_start3A_163 : memref<1x4096xi32, #tpu.memory_space<vmem>> -> memref<4096xi32, #tpu.memory_space<vmem>>
    %dma_start3A_165 = arith.constant 0 : i32
    %dma_start3A_166 = tpu.memref_slice %arg6[%dma_start3A_152, %dma_start3A_165] : memref<2x16384xi32, #tpu.memory_space<hbm>> -> memref<1x16384xi32, #tpu.memory_space<hbm>>
    %dma_start3A_167 = tpu.memref_squeeze %dma_start3A_166 : memref<1x16384xi32, #tpu.memory_space<hbm>> -> memref<16384xi32, #tpu.memory_space<hbm>>
    %dma_start3A_168 = arith.constant 8192 : i32
    %dma_start3A_169 = tpu.memref_slice %dma_start3A_167[%dma_start3A_168] : memref<16384xi32, #tpu.memory_space<hbm>> -> memref<4096xi32, #tpu.memory_space<hbm>>
    tpu.enqueue_dma source(%dma_start3A_169 : memref<4096xi32, #tpu.memory_space<hbm>>) target(%dma_start3A_164 : memref<4096xi32, #tpu.memory_space<vmem>>) target_semaphore(%arg20 : memref<!tpu.dma_semaphore, #tpu.memory_space<semaphore_mem>>)
    %dma_wait3A_170 = arith.constant 0 : i32
    %dma_wait3A_171 = arith.constant 1 : i32
    %dma_wait3A_172 = arith.constant 0 : i32
    %dma_wait3A_173 = tpu.memref_slice %arg11[%dma_wait3A_171, %dma_wait3A_172] : memref<2x4096xi32, #tpu.memory_space<vmem>> -> memref<1x4096xi32, #tpu.memory_space<vmem>>
    %dma_wait3A_174 = tpu.memref_squeeze %dma_wait3A_173 : memref<1x4096xi32, #tpu.memory_space<vmem>> -> memref<4096xi32, #tpu.memory_space<vmem>>
    %dma_wait3A_175 = arith.constant 0 : i32
    %dma_wait3A_176 = tpu.memref_slice %arg6[%dma_wait3A_170, %dma_wait3A_175] : memref<2x16384xi32, #tpu.memory_space<hbm>> -> memref<1x16384xi32, #tpu.memory_space<hbm>>
    %dma_wait3A_177 = tpu.memref_squeeze %dma_wait3A_176 : memref<1x16384xi32, #tpu.memory_space<hbm>> -> memref<16384xi32, #tpu.memory_space<hbm>>
    %dma_wait3A_178 = arith.constant 4096 : i32
    %dma_wait3A_179 = tpu.memref_slice %dma_wait3A_177[%dma_wait3A_178] : memref<16384xi32, #tpu.memory_space<hbm>> -> memref<4096xi32, #tpu.memory_space<hbm>>
    %dma_wait3A_180 = arith.constant 0 : i32
    %dma_wait3A_181 = tpu.memref_slice %arg11[%dma_wait3A_171, %dma_wait3A_180] : memref<2x4096xi32, #tpu.memory_space<vmem>> -> memref<1x4096xi32, #tpu.memory_space<vmem>>
    %dma_wait3A_182 = tpu.memref_squeeze %dma_wait3A_181 : memref<1x4096xi32, #tpu.memory_space<vmem>> -> memref<4096xi32, #tpu.memory_space<vmem>>
    %dma_wait3A_183 = arith.constant 0 : i32
    %dma_wait3A_184 = tpu.memref_slice %arg6[%dma_wait3A_170, %dma_wait3A_183] : memref<2x16384xi32, #tpu.memory_space<hbm>> -> memref<1x16384xi32, #tpu.memory_space<hbm>>
    %dma_wait3A_185 = tpu.memref_squeeze %dma_wait3A_184 : memref<1x16384xi32, #tpu.memory_space<hbm>> -> memref<16384xi32, #tpu.memory_space<hbm>>
    %dma_wait3A_186 = arith.constant 4096 : i32
    %dma_wait3A_187 = tpu.memref_slice %dma_wait3A_185[%dma_wait3A_186] : memref<16384xi32, #tpu.memory_space<hbm>> -> memref<4096xi32, #tpu.memory_space<hbm>>
    tpu.wait_dma2 semaphore(%arg21 : memref<!tpu.dma_semaphore, #tpu.memory_space<semaphore_mem>>) src(%dma_wait3A_187 : memref<4096xi32, #tpu.memory_space<hbm>>) dst(%dma_wait3A_182 : memref<4096xi32, #tpu.memory_space<vmem>>)
    %parallel_loop3A_188 = arith.constant 0 : i32
    %parallel_loop3A_189 = arith.constant 4096 : i32
    %parallel_loop3A_190 = arith.constant 64 : i32
    scf.for %parallel_loop3A_739 = %parallel_loop3A_188 to %parallel_loop3A_189 step %parallel_loop3A_190  : i32 {
      %parallel_loop3A_740 = arith.constant 0 : i32
      %parallel_loop3A_741 = arith.addi %parallel_loop3A_739, %parallel_loop3A_740 : i32
      %parallel_loop3A_742 = arith.constant 1 : i32
      %parallel_loop3A_743 = arith.index_cast %parallel_loop3A_742 : i32 to index
      %parallel_loop3A_744 = arith.index_cast %parallel_loop3A_741 : i32 to index
      %parallel_loop3A_745 = tpu.vector_load %arg11[%parallel_loop3A_743, %parallel_loop3A_744] {strides = array<i32>} : memref<2x4096xi32, #tpu.memory_space<vmem>>, vector<16xi32>,
      %parallel_loop3A_746 = tpu.vector_load_idx %arg9[%parallel_loop3A_745] : memref<100000xf32, #tpu.memory_space<vmem>>[vector<16xi32>], vector<16xf32>,
      %parallel_loop3A_747 = arith.constant 4096 : i32
      %parallel_loop3A_748 = arith.addi %parallel_loop3A_747, %parallel_loop3A_739 : i32
      %parallel_loop3A_749 = arith.constant 0 : i32
      %parallel_loop3A_750 = arith.addi %parallel_loop3A_748, %parallel_loop3A_749 : i32
      %parallel_loop3A_751 = arith.index_cast %parallel_loop3A_750 : i32 to index
      %parallel_loop3A_752 = tpu.vector_load %arg10[%parallel_loop3A_751] {strides = array<i32>} : memref<16384xf32, #tpu.memory_space<vmem>>, vector<16xf32>,
      tpu.vector_store %arg10[%parallel_loop3A_751], %parallel_loop3A_746 {strides = array<i32>} : memref<16384xf32, #tpu.memory_space<vmem>>, vector<16xf32>,
      %parallel_loop3A_753 = arith.constant 16 : i32
      %parallel_loop3A_754 = arith.addi %parallel_loop3A_739, %parallel_loop3A_753 : i32
      %parallel_loop3A_755 = arith.constant 1 : i32
      %parallel_loop3A_756 = arith.index_cast %parallel_loop3A_755 : i32 to index
      %parallel_loop3A_757 = arith.index_cast %parallel_loop3A_754 : i32 to index
      %parallel_loop3A_758 = tpu.vector_load %arg11[%parallel_loop3A_756, %parallel_loop3A_757] {strides = array<i32>} : memref<2x4096xi32, #tpu.memory_space<vmem>>, vector<16xi32>,
      %parallel_loop3A_759 = tpu.vector_load_idx %arg9[%parallel_loop3A_758] : memref<100000xf32, #tpu.memory_space<vmem>>[vector<16xi32>], vector<16xf32>,
      %parallel_loop3A_760 = arith.constant 4096 : i32
      %parallel_loop3A_761 = arith.addi %parallel_loop3A_760, %parallel_loop3A_739 : i32
      %parallel_loop3A_762 = arith.constant 16 : i32
      %parallel_loop3A_763 = arith.addi %parallel_loop3A_761, %parallel_loop3A_762 : i32
      %parallel_loop3A_764 = arith.index_cast %parallel_loop3A_763 : i32 to index
      %parallel_loop3A_765 = tpu.vector_load %arg10[%parallel_loop3A_764] {strides = array<i32>} : memref<16384xf32, #tpu.memory_space<vmem>>, vector<16xf32>,
      tpu.vector_store %arg10[%parallel_loop3A_764], %parallel_loop3A_759 {strides = array<i32>} : memref<16384xf32, #tpu.memory_space<vmem>>, vector<16xf32>,
      %parallel_loop3A_766 = arith.constant 32 : i32
      %parallel_loop3A_767 = arith.addi %parallel_loop3A_739, %parallel_loop3A_766 : i32
      %parallel_loop3A_768 = arith.constant 1 : i32
      %parallel_loop3A_769 = arith.index_cast %parallel_loop3A_768 : i32 to index
      %parallel_loop3A_770 = arith.index_cast %parallel_loop3A_767 : i32 to index
      %parallel_loop3A_771 = tpu.vector_load %arg11[%parallel_loop3A_769, %parallel_loop3A_770] {strides = array<i32>} : memref<2x4096xi32, #tpu.memory_space<vmem>>, vector<16xi32>,
      %parallel_loop3A_772 = tpu.vector_load_idx %arg9[%parallel_loop3A_771] : memref<100000xf32, #tpu.memory_space<vmem>>[vector<16xi32>], vector<16xf32>,
      %parallel_loop3A_773 = arith.constant 4096 : i32
      %parallel_loop3A_774 = arith.addi %parallel_loop3A_773, %parallel_loop3A_739 : i32
      %parallel_loop3A_775 = arith.constant 32 : i32
      %parallel_loop3A_776 = arith.addi %parallel_loop3A_774, %parallel_loop3A_775 : i32
      %parallel_loop3A_777 = arith.index_cast %parallel_loop3A_776 : i32 to index
      %parallel_loop3A_778 = tpu.vector_load %arg10[%parallel_loop3A_777] {strides = array<i32>} : memref<16384xf32, #tpu.memory_space<vmem>>, vector<16xf32>,
      tpu.vector_store %arg10[%parallel_loop3A_777], %parallel_loop3A_772 {strides = array<i32>} : memref<16384xf32, #tpu.memory_space<vmem>>, vector<16xf32>,
      %parallel_loop3A_779 = arith.constant 48 : i32
      %parallel_loop3A_780 = arith.addi %parallel_loop3A_739, %parallel_loop3A_779 : i32
      %parallel_loop3A_781 = arith.constant 1 : i32
      %parallel_loop3A_782 = arith.index_cast %parallel_loop3A_781 : i32 to index
      %parallel_loop3A_783 = arith.index_cast %parallel_loop3A_780 : i32 to index
      %parallel_loop3A_784 = tpu.vector_load %arg11[%parallel_loop3A_782, %parallel_loop3A_783] {strides = array<i32>} : memref<2x4096xi32, #tpu.memory_space<vmem>>, vector<16xi32>,
      %parallel_loop3A_785 = tpu.vector_load_idx %arg9[%parallel_loop3A_784] : memref<100000xf32, #tpu.memory_space<vmem>>[vector<16xi32>], vector<16xf32>,
      %parallel_loop3A_786 = arith.constant 4096 : i32
      %parallel_loop3A_787 = arith.addi %parallel_loop3A_786, %parallel_loop3A_739 : i32
      %parallel_loop3A_788 = arith.constant 48 : i32
      %parallel_loop3A_789 = arith.addi %parallel_loop3A_787, %parallel_loop3A_788 : i32
      %parallel_loop3A_790 = arith.index_cast %parallel_loop3A_789 : i32 to index
      %parallel_loop3A_791 = tpu.vector_load %arg10[%parallel_loop3A_790] {strides = array<i32>} : memref<16384xf32, #tpu.memory_space<vmem>>, vector<16xf32>,
      tpu.vector_store %arg10[%parallel_loop3A_790], %parallel_loop3A_785 {strides = array<i32>} : memref<16384xf32, #tpu.memory_space<vmem>>, vector<16xf32>,
    } {sc.loop_unroll_factor = 1 : i64, sc.parallel_access}
    %dma_start3A_191 = arith.constant 0 : i32
    %dma_start3A_192 = arith.constant 1 : i32
    %dma_start3A_193 = arith.constant 0 : i32
    %dma_start3A_194 = tpu.memref_slice %arg11[%dma_start3A_192, %dma_start3A_193] : memref<2x4096xi32, #tpu.memory_space<vmem>> -> memref<1x4096xi32, #tpu.memory_space<vmem>>
    %dma_start3A_195 = tpu.memref_squeeze %dma_start3A_194 : memref<1x4096xi32, #tpu.memory_space<vmem>> -> memref<4096xi32, #tpu.memory_space<vmem>>
    %dma_start3A_196 = arith.constant 0 : i32
    %dma_start3A_197 = tpu.memref_slice %arg6[%dma_start3A_191, %dma_start3A_196] : memref<2x16384xi32, #tpu.memory_space<hbm>> -> memref<1x16384xi32, #tpu.memory_space<hbm>>
    %dma_start3A_198 = tpu.memref_squeeze %dma_start3A_197 : memref<1x16384xi32, #tpu.memory_space<hbm>> -> memref<16384xi32, #tpu.memory_space<hbm>>
    %dma_start3A_199 = arith.constant 12288 : i32
    %dma_start3A_200 = tpu.memref_slice %dma_start3A_198[%dma_start3A_199] : memref<16384xi32, #tpu.memory_space<hbm>> -> memref<4096xi32, #tpu.memory_space<hbm>>
    %dma_start3A_201 = arith.constant 0 : i32
    %dma_start3A_202 = tpu.memref_slice %arg11[%dma_start3A_192, %dma_start3A_201] : memref<2x4096xi32, #tpu.memory_space<vmem>> -> memref<1x4096xi32, #tpu.memory_space<vmem>>
    %dma_start3A_203 = tpu.memref_squeeze %dma_start3A_202 : memref<1x4096xi32, #tpu.memory_space<vmem>> -> memref<4096xi32, #tpu.memory_space<vmem>>
    %dma_start3A_204 = arith.constant 0 : i32
    %dma_start3A_205 = tpu.memref_slice %arg6[%dma_start3A_191, %dma_start3A_204] : memref<2x16384xi32, #tpu.memory_space<hbm>> -> memref<1x16384xi32, #tpu.memory_space<hbm>>
    %dma_start3A_206 = tpu.memref_squeeze %dma_start3A_205 : memref<1x16384xi32, #tpu.memory_space<hbm>> -> memref<16384xi32, #tpu.memory_space<hbm>>
    %dma_start3A_207 = arith.constant 12288 : i32
    %dma_start3A_208 = tpu.memref_slice %dma_start3A_206[%dma_start3A_207] : memref<16384xi32, #tpu.memory_space<hbm>> -> memref<4096xi32, #tpu.memory_space<hbm>>
    tpu.enqueue_dma source(%dma_start3A_208 : memref<4096xi32, #tpu.memory_space<hbm>>) target(%dma_start3A_203 : memref<4096xi32, #tpu.memory_space<vmem>>) target_semaphore(%arg21 : memref<!tpu.dma_semaphore, #tpu.memory_space<semaphore_mem>>)
    %dma_wait3A_209 = arith.constant 0 : i32
    %dma_wait3A_210 = arith.constant 0 : i32
    %dma_wait3A_211 = arith.constant 0 : i32
    %dma_wait3A_212 = tpu.memref_slice %arg11[%dma_wait3A_210, %dma_wait3A_211] : memref<2x4096xi32, #tpu.memory_space<vmem>> -> memref<1x4096xi32, #tpu.memory_space<vmem>>
    %dma_wait3A_213 = tpu.memref_squeeze %dma_wait3A_212 : memref<1x4096xi32, #tpu.memory_space<vmem>> -> memref<4096xi32, #tpu.memory_space<vmem>>
    %dma_wait3A_214 = arith.constant 0 : i32
    %dma_wait3A_215 = tpu.memref_slice %arg6[%dma_wait3A_209, %dma_wait3A_214] : memref<2x16384xi32, #tpu.memory_space<hbm>> -> memref<1x16384xi32, #tpu.memory_space<hbm>>
    %dma_wait3A_216 = tpu.memref_squeeze %dma_wait3A_215 : memref<1x16384xi32, #tpu.memory_space<hbm>> -> memref<16384xi32, #tpu.memory_space<hbm>>
    %dma_wait3A_217 = arith.constant 8192 : i32
    %dma_wait3A_218 = tpu.memref_slice %dma_wait3A_216[%dma_wait3A_217] : memref<16384xi32, #tpu.memory_space<hbm>> -> memref<4096xi32, #tpu.memory_space<hbm>>
    %dma_wait3A_219 = arith.constant 0 : i32
    %dma_wait3A_220 = tpu.memref_slice %arg11[%dma_wait3A_210, %dma_wait3A_219] : memref<2x4096xi32, #tpu.memory_space<vmem>> -> memref<1x4096xi32, #tpu.memory_space<vmem>>
    %dma_wait3A_221 = tpu.memref_squeeze %dma_wait3A_220 : memref<1x4096xi32, #tpu.memory_space<vmem>> -> memref<4096xi32, #tpu.memory_space<vmem>>
    %dma_wait3A_222 = arith.constant 0 : i32
    %dma_wait3A_223 = tpu.memref_slice %arg6[%dma_wait3A_209, %dma_wait3A_222] : memref<2x16384xi32, #tpu.memory_space<hbm>> -> memref<1x16384xi32, #tpu.memory_space<hbm>>
    %dma_wait3A_224 = tpu.memref_squeeze %dma_wait3A_223 : memref<1x16384xi32, #tpu.memory_space<hbm>> -> memref<16384xi32, #tpu.memory_space<hbm>>
    %dma_wait3A_225 = arith.constant 8192 : i32
    %dma_wait3A_226 = tpu.memref_slice %dma_wait3A_224[%dma_wait3A_225] : memref<16384xi32, #tpu.memory_space<hbm>> -> memref<4096xi32, #tpu.memory_space<hbm>>
    tpu.wait_dma2 semaphore(%arg20 : memref<!tpu.dma_semaphore, #tpu.memory_space<semaphore_mem>>) src(%dma_wait3A_226 : memref<4096xi32, #tpu.memory_space<hbm>>) dst(%dma_wait3A_221 : memref<4096xi32, #tpu.memory_space<vmem>>)
    %parallel_loop3A_227 = arith.constant 0 : i32
    %parallel_loop3A_228 = arith.constant 4096 : i32
    %parallel_loop3A_229 = arith.constant 64 : i32
    scf.for %parallel_loop3A_739 = %parallel_loop3A_227 to %parallel_loop3A_228 step %parallel_loop3A_229  : i32 {
      %parallel_loop3A_740 = arith.constant 0 : i32
      %parallel_loop3A_741 = arith.addi %parallel_loop3A_739, %parallel_loop3A_740 : i32
      %parallel_loop3A_742 = arith.constant 0 : i32
      %parallel_loop3A_743 = arith.index_cast %parallel_loop3A_742 : i32 to index
      %parallel_loop3A_744 = arith.index_cast %parallel_loop3A_741 : i32 to index
      %parallel_loop3A_745 = tpu.vector_load %arg11[%parallel_loop3A_743, %parallel_loop3A_744] {strides = array<i32>} : memref<2x4096xi32, #tpu.memory_space<vmem>>, vector<16xi32>,
      %parallel_loop3A_746 = tpu.vector_load_idx %arg9[%parallel_loop3A_745] : memref<100000xf32, #tpu.memory_space<vmem>>[vector<16xi32>], vector<16xf32>,
      %parallel_loop3A_747 = arith.constant 8192 : i32
      %parallel_loop3A_748 = arith.addi %parallel_loop3A_747, %parallel_loop3A_739 : i32
      %parallel_loop3A_749 = arith.constant 0 : i32
      %parallel_loop3A_750 = arith.addi %parallel_loop3A_748, %parallel_loop3A_749 : i32
      %parallel_loop3A_751 = arith.index_cast %parallel_loop3A_750 : i32 to index
      %parallel_loop3A_752 = tpu.vector_load %arg10[%parallel_loop3A_751] {strides = array<i32>} : memref<16384xf32, #tpu.memory_space<vmem>>, vector<16xf32>,
      tpu.vector_store %arg10[%parallel_loop3A_751], %parallel_loop3A_746 {strides = array<i32>} : memref<16384xf32, #tpu.memory_space<vmem>>, vector<16xf32>,
      %parallel_loop3A_753 = arith.constant 16 : i32
      %parallel_loop3A_754 = arith.addi %parallel_loop3A_739, %parallel_loop3A_753 : i32
      %parallel_loop3A_755 = arith.constant 0 : i32
      %parallel_loop3A_756 = arith.index_cast %parallel_loop3A_755 : i32 to index
      %parallel_loop3A_757 = arith.index_cast %parallel_loop3A_754 : i32 to index
      %parallel_loop3A_758 = tpu.vector_load %arg11[%parallel_loop3A_756, %parallel_loop3A_757] {strides = array<i32>} : memref<2x4096xi32, #tpu.memory_space<vmem>>, vector<16xi32>,
      %parallel_loop3A_759 = tpu.vector_load_idx %arg9[%parallel_loop3A_758] : memref<100000xf32, #tpu.memory_space<vmem>>[vector<16xi32>], vector<16xf32>,
      %parallel_loop3A_760 = arith.constant 8192 : i32
      %parallel_loop3A_761 = arith.addi %parallel_loop3A_760, %parallel_loop3A_739 : i32
      %parallel_loop3A_762 = arith.constant 16 : i32
      %parallel_loop3A_763 = arith.addi %parallel_loop3A_761, %parallel_loop3A_762 : i32
      %parallel_loop3A_764 = arith.index_cast %parallel_loop3A_763 : i32 to index
      %parallel_loop3A_765 = tpu.vector_load %arg10[%parallel_loop3A_764] {strides = array<i32>} : memref<16384xf32, #tpu.memory_space<vmem>>, vector<16xf32>,
      tpu.vector_store %arg10[%parallel_loop3A_764], %parallel_loop3A_759 {strides = array<i32>} : memref<16384xf32, #tpu.memory_space<vmem>>, vector<16xf32>,
      %parallel_loop3A_766 = arith.constant 32 : i32
      %parallel_loop3A_767 = arith.addi %parallel_loop3A_739, %parallel_loop3A_766 : i32
      %parallel_loop3A_768 = arith.constant 0 : i32
      %parallel_loop3A_769 = arith.index_cast %parallel_loop3A_768 : i32 to index
      %parallel_loop3A_770 = arith.index_cast %parallel_loop3A_767 : i32 to index
      %parallel_loop3A_771 = tpu.vector_load %arg11[%parallel_loop3A_769, %parallel_loop3A_770] {strides = array<i32>} : memref<2x4096xi32, #tpu.memory_space<vmem>>, vector<16xi32>,
      %parallel_loop3A_772 = tpu.vector_load_idx %arg9[%parallel_loop3A_771] : memref<100000xf32, #tpu.memory_space<vmem>>[vector<16xi32>], vector<16xf32>,
      %parallel_loop3A_773 = arith.constant 8192 : i32
      %parallel_loop3A_774 = arith.addi %parallel_loop3A_773, %parallel_loop3A_739 : i32
      %parallel_loop3A_775 = arith.constant 32 : i32
      %parallel_loop3A_776 = arith.addi %parallel_loop3A_774, %parallel_loop3A_775 : i32
      %parallel_loop3A_777 = arith.index_cast %parallel_loop3A_776 : i32 to index
      %parallel_loop3A_778 = tpu.vector_load %arg10[%parallel_loop3A_777] {strides = array<i32>} : memref<16384xf32, #tpu.memory_space<vmem>>, vector<16xf32>,
      tpu.vector_store %arg10[%parallel_loop3A_777], %parallel_loop3A_772 {strides = array<i32>} : memref<16384xf32, #tpu.memory_space<vmem>>, vector<16xf32>,
      %parallel_loop3A_779 = arith.constant 48 : i32
      %parallel_loop3A_780 = arith.addi %parallel_loop3A_739, %parallel_loop3A_779 : i32
      %parallel_loop3A_781 = arith.constant 0 : i32
      %parallel_loop3A_782 = arith.index_cast %parallel_loop3A_781 : i32 to index
      %parallel_loop3A_783 = arith.index_cast %parallel_loop3A_780 : i32 to index
      %parallel_loop3A_784 = tpu.vector_load %arg11[%parallel_loop3A_782, %parallel_loop3A_783] {strides = array<i32>} : memref<2x4096xi32, #tpu.memory_space<vmem>>, vector<16xi32>,
      %parallel_loop3A_785 = tpu.vector_load_idx %arg9[%parallel_loop3A_784] : memref<100000xf32, #tpu.memory_space<vmem>>[vector<16xi32>], vector<16xf32>,
      %parallel_loop3A_786 = arith.constant 8192 : i32
      %parallel_loop3A_787 = arith.addi %parallel_loop3A_786, %parallel_loop3A_739 : i32
      %parallel_loop3A_788 = arith.constant 48 : i32
      %parallel_loop3A_789 = arith.addi %parallel_loop3A_787, %parallel_loop3A_788 : i32
      %parallel_loop3A_790 = arith.index_cast %parallel_loop3A_789 : i32 to index
      %parallel_loop3A_791 = tpu.vector_load %arg10[%parallel_loop3A_790] {strides = array<i32>} : memref<16384xf32, #tpu.memory_space<vmem>>, vector<16xf32>,
      tpu.vector_store %arg10[%parallel_loop3A_790], %parallel_loop3A_785 {strides = array<i32>} : memref<16384xf32, #tpu.memory_space<vmem>>, vector<16xf32>,
    } {sc.loop_unroll_factor = 1 : i64, sc.parallel_access}
    %dma_start3A_230 = arith.constant 1 : i32
    %dma_start3A_231 = arith.constant 0 : i32
    %dma_start3A_232 = arith.constant 0 : i32
    %dma_start3A_233 = tpu.memref_slice %arg11[%dma_start3A_231, %dma_start3A_232] : memref<2x4096xi32, #tpu.memory_space<vmem>> -> memref<1x4096xi32, #tpu.memory_space<vmem>>
    %dma_start3A_234 = tpu.memref_squeeze %dma_start3A_233 : memref<1x4096xi32, #tpu.memory_space<vmem>> -> memref<4096xi32, #tpu.memory_space<vmem>>
    %dma_start3A_235 = arith.constant 0 : i32
    %dma_start3A_236 = tpu.memref_slice %arg6[%dma_start3A_230, %dma_start3A_235] : memref<2x16384xi32, #tpu.memory_space<hbm>> -> memref<1x16384xi32, #tpu.memory_space<hbm>>
    %dma_start3A_237 = tpu.memref_squeeze %dma_start3A_236 : memref<1x16384xi32, #tpu.memory_space<hbm>> -> memref<16384xi32, #tpu.memory_space<hbm>>
    %dma_start3A_238 = arith.constant 0 : i32
    %dma_start3A_239 = tpu.memref_slice %dma_start3A_237[%dma_start3A_238] : memref<16384xi32, #tpu.memory_space<hbm>> -> memref<4096xi32, #tpu.memory_space<hbm>>
    %dma_start3A_240 = arith.constant 0 : i32
    %dma_start3A_241 = tpu.memref_slice %arg11[%dma_start3A_231, %dma_start3A_240] : memref<2x4096xi32, #tpu.memory_space<vmem>> -> memref<1x4096xi32, #tpu.memory_space<vmem>>
    %dma_start3A_242 = tpu.memref_squeeze %dma_start3A_241 : memref<1x4096xi32, #tpu.memory_space<vmem>> -> memref<4096xi32, #tpu.memory_space<vmem>>
    %dma_start3A_243 = arith.constant 0 : i32
    %dma_start3A_244 = tpu.memref_slice %arg6[%dma_start3A_230, %dma_start3A_243] : memref<2x16384xi32, #tpu.memory_space<hbm>> -> memref<1x16384xi32, #tpu.memory_space<hbm>>
    %dma_start3A_245 = tpu.memref_squeeze %dma_start3A_244 : memref<1x16384xi32, #tpu.memory_space<hbm>> -> memref<16384xi32, #tpu.memory_space<hbm>>
    %dma_start3A_246 = arith.constant 0 : i32
    %dma_start3A_247 = tpu.memref_slice %dma_start3A_245[%dma_start3A_246] : memref<16384xi32, #tpu.memory_space<hbm>> -> memref<4096xi32, #tpu.memory_space<hbm>>
    tpu.enqueue_dma source(%dma_start3A_247 : memref<4096xi32, #tpu.memory_space<hbm>>) target(%dma_start3A_242 : memref<4096xi32, #tpu.memory_space<vmem>>) target_semaphore(%arg20 : memref<!tpu.dma_semaphore, #tpu.memory_space<semaphore_mem>>)
    %dma_wait3A_248 = arith.constant 0 : i32
    %dma_wait3A_249 = arith.constant 1 : i32
    %dma_wait3A_250 = arith.constant 0 : i32
    %dma_wait3A_251 = tpu.memref_slice %arg11[%dma_wait3A_249, %dma_wait3A_250] : memref<2x4096xi32, #tpu.memory_space<vmem>> -> memref<1x4096xi32, #tpu.memory_space<vmem>>
    %dma_wait3A_252 = tpu.memref_squeeze %dma_wait3A_251 : memref<1x4096xi32, #tpu.memory_space<vmem>> -> memref<4096xi32, #tpu.memory_space<vmem>>
    %dma_wait3A_253 = arith.constant 0 : i32
    %dma_wait3A_254 = tpu.memref_slice %arg6[%dma_wait3A_248, %dma_wait3A_253] : memref<2x16384xi32, #tpu.memory_space<hbm>> -> memref<1x16384xi32, #tpu.memory_space<hbm>>
    %dma_wait3A_255 = tpu.memref_squeeze %dma_wait3A_254 : memref<1x16384xi32, #tpu.memory_space<hbm>> -> memref<16384xi32, #tpu.memory_space<hbm>>
    %dma_wait3A_256 = arith.constant 12288 : i32
    %dma_wait3A_257 = tpu.memref_slice %dma_wait3A_255[%dma_wait3A_256] : memref<16384xi32, #tpu.memory_space<hbm>> -> memref<4096xi32, #tpu.memory_space<hbm>>
    %dma_wait3A_258 = arith.constant 0 : i32
    %dma_wait3A_259 = tpu.memref_slice %arg11[%dma_wait3A_249, %dma_wait3A_258] : memref<2x4096xi32, #tpu.memory_space<vmem>> -> memref<1x4096xi32, #tpu.memory_space<vmem>>
    %dma_wait3A_260 = tpu.memref_squeeze %dma_wait3A_259 : memref<1x4096xi32, #tpu.memory_space<vmem>> -> memref<4096xi32, #tpu.memory_space<vmem>>
    %dma_wait3A_261 = arith.constant 0 : i32
    %dma_wait3A_262 = tpu.memref_slice %arg6[%dma_wait3A_248, %dma_wait3A_261] : memref<2x16384xi32, #tpu.memory_space<hbm>> -> memref<1x16384xi32, #tpu.memory_space<hbm>>
    %dma_wait3A_263 = tpu.memref_squeeze %dma_wait3A_262 : memref<1x16384xi32, #tpu.memory_space<hbm>> -> memref<16384xi32, #tpu.memory_space<hbm>>
    %dma_wait3A_264 = arith.constant 12288 : i32
    %dma_wait3A_265 = tpu.memref_slice %dma_wait3A_263[%dma_wait3A_264] : memref<16384xi32, #tpu.memory_space<hbm>> -> memref<4096xi32, #tpu.memory_space<hbm>>
    tpu.wait_dma2 semaphore(%arg21 : memref<!tpu.dma_semaphore, #tpu.memory_space<semaphore_mem>>) src(%dma_wait3A_265 : memref<4096xi32, #tpu.memory_space<hbm>>) dst(%dma_wait3A_260 : memref<4096xi32, #tpu.memory_space<vmem>>)
    %parallel_loop3A_266 = arith.constant 0 : i32
    %parallel_loop3A_267 = arith.constant 4096 : i32
    %parallel_loop3A_268 = arith.constant 64 : i32
    scf.for %parallel_loop3A_739 = %parallel_loop3A_266 to %parallel_loop3A_267 step %parallel_loop3A_268  : i32 {
      %parallel_loop3A_740 = arith.constant 0 : i32
      %parallel_loop3A_741 = arith.addi %parallel_loop3A_739, %parallel_loop3A_740 : i32
      %parallel_loop3A_742 = arith.constant 1 : i32
      %parallel_loop3A_743 = arith.index_cast %parallel_loop3A_742 : i32 to index
      %parallel_loop3A_744 = arith.index_cast %parallel_loop3A_741 : i32 to index
      %parallel_loop3A_745 = tpu.vector_load %arg11[%parallel_loop3A_743, %parallel_loop3A_744] {strides = array<i32>} : memref<2x4096xi32, #tpu.memory_space<vmem>>, vector<16xi32>,
      %parallel_loop3A_746 = tpu.vector_load_idx %arg9[%parallel_loop3A_745] : memref<100000xf32, #tpu.memory_space<vmem>>[vector<16xi32>], vector<16xf32>,
      %parallel_loop3A_747 = arith.constant 12288 : i32
      %parallel_loop3A_748 = arith.addi %parallel_loop3A_747, %parallel_loop3A_739 : i32
      %parallel_loop3A_749 = arith.constant 0 : i32
      %parallel_loop3A_750 = arith.addi %parallel_loop3A_748, %parallel_loop3A_749 : i32
      %parallel_loop3A_751 = arith.index_cast %parallel_loop3A_750 : i32 to index
      %parallel_loop3A_752 = tpu.vector_load %arg10[%parallel_loop3A_751] {strides = array<i32>} : memref<16384xf32, #tpu.memory_space<vmem>>, vector<16xf32>,
      tpu.vector_store %arg10[%parallel_loop3A_751], %parallel_loop3A_746 {strides = array<i32>} : memref<16384xf32, #tpu.memory_space<vmem>>, vector<16xf32>,
      %parallel_loop3A_753 = arith.constant 16 : i32
      %parallel_loop3A_754 = arith.addi %parallel_loop3A_739, %parallel_loop3A_753 : i32
      %parallel_loop3A_755 = arith.constant 1 : i32
      %parallel_loop3A_756 = arith.index_cast %parallel_loop3A_755 : i32 to index
      %parallel_loop3A_757 = arith.index_cast %parallel_loop3A_754 : i32 to index
      %parallel_loop3A_758 = tpu.vector_load %arg11[%parallel_loop3A_756, %parallel_loop3A_757] {strides = array<i32>} : memref<2x4096xi32, #tpu.memory_space<vmem>>, vector<16xi32>,
      %parallel_loop3A_759 = tpu.vector_load_idx %arg9[%parallel_loop3A_758] : memref<100000xf32, #tpu.memory_space<vmem>>[vector<16xi32>], vector<16xf32>,
      %parallel_loop3A_760 = arith.constant 12288 : i32
      %parallel_loop3A_761 = arith.addi %parallel_loop3A_760, %parallel_loop3A_739 : i32
      %parallel_loop3A_762 = arith.constant 16 : i32
      %parallel_loop3A_763 = arith.addi %parallel_loop3A_761, %parallel_loop3A_762 : i32
      %parallel_loop3A_764 = arith.index_cast %parallel_loop3A_763 : i32 to index
      %parallel_loop3A_765 = tpu.vector_load %arg10[%parallel_loop3A_764] {strides = array<i32>} : memref<16384xf32, #tpu.memory_space<vmem>>, vector<16xf32>,
      tpu.vector_store %arg10[%parallel_loop3A_764], %parallel_loop3A_759 {strides = array<i32>} : memref<16384xf32, #tpu.memory_space<vmem>>, vector<16xf32>,
      %parallel_loop3A_766 = arith.constant 32 : i32
      %parallel_loop3A_767 = arith.addi %parallel_loop3A_739, %parallel_loop3A_766 : i32
      %parallel_loop3A_768 = arith.constant 1 : i32
      %parallel_loop3A_769 = arith.index_cast %parallel_loop3A_768 : i32 to index
      %parallel_loop3A_770 = arith.index_cast %parallel_loop3A_767 : i32 to index
      %parallel_loop3A_771 = tpu.vector_load %arg11[%parallel_loop3A_769, %parallel_loop3A_770] {strides = array<i32>} : memref<2x4096xi32, #tpu.memory_space<vmem>>, vector<16xi32>,
      %parallel_loop3A_772 = tpu.vector_load_idx %arg9[%parallel_loop3A_771] : memref<100000xf32, #tpu.memory_space<vmem>>[vector<16xi32>], vector<16xf32>,
      %parallel_loop3A_773 = arith.constant 12288 : i32
      %parallel_loop3A_774 = arith.addi %parallel_loop3A_773, %parallel_loop3A_739 : i32
      %parallel_loop3A_775 = arith.constant 32 : i32
      %parallel_loop3A_776 = arith.addi %parallel_loop3A_774, %parallel_loop3A_775 : i32
      %parallel_loop3A_777 = arith.index_cast %parallel_loop3A_776 : i32 to index
      %parallel_loop3A_778 = tpu.vector_load %arg10[%parallel_loop3A_777] {strides = array<i32>} : memref<16384xf32, #tpu.memory_space<vmem>>, vector<16xf32>,
      tpu.vector_store %arg10[%parallel_loop3A_777], %parallel_loop3A_772 {strides = array<i32>} : memref<16384xf32, #tpu.memory_space<vmem>>, vector<16xf32>,
      %parallel_loop3A_779 = arith.constant 48 : i32
      %parallel_loop3A_780 = arith.addi %parallel_loop3A_739, %parallel_loop3A_779 : i32
      %parallel_loop3A_781 = arith.constant 1 : i32
      %parallel_loop3A_782 = arith.index_cast %parallel_loop3A_781 : i32 to index
      %parallel_loop3A_783 = arith.index_cast %parallel_loop3A_780 : i32 to index
      %parallel_loop3A_784 = tpu.vector_load %arg11[%parallel_loop3A_782, %parallel_loop3A_783] {strides = array<i32>} : memref<2x4096xi32, #tpu.memory_space<vmem>>, vector<16xi32>,
      %parallel_loop3A_785 = tpu.vector_load_idx %arg9[%parallel_loop3A_784] : memref<100000xf32, #tpu.memory_space<vmem>>[vector<16xi32>], vector<16xf32>,
      %parallel_loop3A_786 = arith.constant 12288 : i32
      %parallel_loop3A_787 = arith.addi %parallel_loop3A_786, %parallel_loop3A_739 : i32
      %parallel_loop3A_788 = arith.constant 48 : i32
      %parallel_loop3A_789 = arith.addi %parallel_loop3A_787, %parallel_loop3A_788 : i32
      %parallel_loop3A_790 = arith.index_cast %parallel_loop3A_789 : i32 to index
      %parallel_loop3A_791 = tpu.vector_load %arg10[%parallel_loop3A_790] {strides = array<i32>} : memref<16384xf32, #tpu.memory_space<vmem>>, vector<16xf32>,
      tpu.vector_store %arg10[%parallel_loop3A_790], %parallel_loop3A_785 {strides = array<i32>} : memref<16384xf32, #tpu.memory_space<vmem>>, vector<16xf32>,
    } {sc.loop_unroll_factor = 1 : i64, sc.parallel_access}
    %dma_start3A_269 = arith.constant 1 : i32
    %dma_start3A_270 = arith.constant 1 : i32
    %dma_start3A_271 = arith.constant 0 : i32
    %dma_start3A_272 = tpu.memref_slice %arg11[%dma_start3A_270, %dma_start3A_271] : memref<2x4096xi32, #tpu.memory_space<vmem>> -> memref<1x4096xi32, #tpu.memory_space<vmem>>
    %dma_start3A_273 = tpu.memref_squeeze %dma_start3A_272 : memref<1x4096xi32, #tpu.memory_space<vmem>> -> memref<4096xi32, #tpu.memory_space<vmem>>
    %dma_start3A_274 = arith.constant 0 : i32
    %dma_start3A_275 = tpu.memref_slice %arg6[%dma_start3A_269, %dma_start3A_274] : memref<2x16384xi32, #tpu.memory_space<hbm>> -> memref<1x16384xi32, #tpu.memory_space<hbm>>
    %dma_start3A_276 = tpu.memref_squeeze %dma_start3A_275 : memref<1x16384xi32, #tpu.memory_space<hbm>> -> memref<16384xi32, #tpu.memory_space<hbm>>
    %dma_start3A_277 = arith.constant 4096 : i32
    %dma_start3A_278 = tpu.memref_slice %dma_start3A_276[%dma_start3A_277] : memref<16384xi32, #tpu.memory_space<hbm>> -> memref<4096xi32, #tpu.memory_space<hbm>>
    %dma_start3A_279 = arith.constant 0 : i32
    %dma_start3A_280 = tpu.memref_slice %arg11[%dma_start3A_270, %dma_start3A_279] : memref<2x4096xi32, #tpu.memory_space<vmem>> -> memref<1x4096xi32, #tpu.memory_space<vmem>>
    %dma_start3A_281 = tpu.memref_squeeze %dma_start3A_280 : memref<1x4096xi32, #tpu.memory_space<vmem>> -> memref<4096xi32, #tpu.memory_space<vmem>>
    %dma_start3A_282 = arith.constant 0 : i32
    %dma_start3A_283 = tpu.memref_slice %arg6[%dma_start3A_269, %dma_start3A_282] : memref<2x16384xi32, #tpu.memory_space<hbm>> -> memref<1x16384xi32, #tpu.memory_space<hbm>>
    %dma_start3A_284 = tpu.memref_squeeze %dma_start3A_283 : memref<1x16384xi32, #tpu.memory_space<hbm>> -> memref<16384xi32, #tpu.memory_space<hbm>>
    %dma_start3A_285 = arith.constant 4096 : i32
    %dma_start3A_286 = tpu.memref_slice %dma_start3A_284[%dma_start3A_285] : memref<16384xi32, #tpu.memory_space<hbm>> -> memref<4096xi32, #tpu.memory_space<hbm>>
    tpu.enqueue_dma source(%dma_start3A_286 : memref<4096xi32, #tpu.memory_space<hbm>>) target(%dma_start3A_281 : memref<4096xi32, #tpu.memory_space<vmem>>) target_semaphore(%arg21 : memref<!tpu.dma_semaphore, #tpu.memory_space<semaphore_mem>>)
    %dma_start3A_287 = arith.constant 0 : i32
    %dma_start3A_288 = tpu.memref_slice %arg3[%add3A, %dma_start3A_287] : memref<32x100000xf32, #tpu.memory_space<hbm>> -> memref<1x100000xf32, #tpu.memory_space<hbm>>
    %dma_start3A_289 = tpu.memref_squeeze %dma_start3A_288 : memref<1x100000xf32, #tpu.memory_space<hbm>> -> memref<100000xf32, #tpu.memory_space<hbm>>
    %dma_start3A_290 = arith.constant 0 : i32
    %dma_start3A_291 = tpu.memref_slice %arg3[%add3A, %dma_start3A_290] : memref<32x100000xf32, #tpu.memory_space<hbm>> -> memref<1x100000xf32, #tpu.memory_space<hbm>>
    %dma_start3A_292 = tpu.memref_squeeze %dma_start3A_291 : memref<1x100000xf32, #tpu.memory_space<hbm>> -> memref<100000xf32, #tpu.memory_space<hbm>>
    tpu.enqueue_dma source(%dma_start3A_292 : memref<100000xf32, #tpu.memory_space<hbm>>) target(%arg9 : memref<100000xf32, #tpu.memory_space<vmem>>) target_semaphore(%arg19 : memref<!tpu.dma_semaphore, #tpu.memory_space<semaphore_mem>>)
    %dma_wait3A_293 = arith.constant 0 : i32
    %dma_wait3A_294 = arith.constant 0 : i32
    %dma_wait3A_295 = tpu.memref_slice %arg14[%dma_wait3A_294] : memref<512xf32, #tpu.memory_space<vmem>> -> memref<128xf32, #tpu.memory_space<vmem>>
    %dma_wait3A_296 = arith.constant 0 : i32
    %dma_wait3A_297 = tpu.memref_slice %arg12[%dma_wait3A_296] : memref<512xi32, #tpu.memory_space<vmem>> -> memref<128xi32, #tpu.memory_space<vmem>>
    %dma_wait3A_298 = arith.constant 0 : i32
    %dma_wait3A_299 = tpu.memref_slice %arg4[%dma_wait3A_293, %dma_wait3A_298] : memref<1x100000xf32, #tpu.memory_space<hbm>> -> memref<1x100000xf32, #tpu.memory_space<hbm>>
    %dma_wait3A_300 = tpu.memref_squeeze %dma_wait3A_299 : memref<1x100000xf32, #tpu.memory_space<hbm>> -> memref<100000xf32, #tpu.memory_space<hbm>>
    %dma_wait3A_301 = arith.constant 0 : i32
    %dma_wait3A_302 = tpu.memref_slice %dma_wait3A_300[%dma_wait3A_301] : memref<100000xf32, #tpu.memory_space<hbm>> -> memref<100000xf32, #tpu.memory_space<hbm>>
    tpu.wait_indirect_dma semaphore(%arg18 : memref<!tpu.dma_semaphore, #tpu.memory_space<semaphore_mem>>) src(%dma_wait3A_302 : memref<100000xf32, #tpu.memory_space<hbm>>) dst(%dma_wait3A_295 : memref<128xf32, #tpu.memory_space<vmem>>)
    %dma_wait3A_303 = arith.constant 0 : i32
    %dma_wait3A_304 = arith.constant 0 : i32
    %dma_wait3A_305 = tpu.memref_slice %arg15[%dma_wait3A_304] : memref<512xf32, #tpu.memory_space<vmem>> -> memref<128xf32, #tpu.memory_space<vmem>>
    %dma_wait3A_306 = arith.constant 0 : i32
    %dma_wait3A_307 = tpu.memref_slice %arg13[%dma_wait3A_306] : memref<512xi32, #tpu.memory_space<vmem>> -> memref<128xi32, #tpu.memory_space<vmem>>
    %dma_wait3A_308 = arith.constant 0 : i32
    %dma_wait3A_309 = tpu.memref_slice %arg5[%dma_wait3A_303, %dma_wait3A_308] : memref<1x100000xf32, #tpu.memory_space<hbm>> -> memref<1x100000xf32, #tpu.memory_space<hbm>>
    %dma_wait3A_310 = tpu.memref_squeeze %dma_wait3A_309 : memref<1x100000xf32, #tpu.memory_space<hbm>> -> memref<100000xf32, #tpu.memory_space<hbm>>
    %dma_wait3A_311 = arith.constant 0 : i32
    %dma_wait3A_312 = tpu.memref_slice %dma_wait3A_310[%dma_wait3A_311] : memref<100000xf32, #tpu.memory_space<hbm>> -> memref<100000xf32, #tpu.memory_space<hbm>>
    tpu.wait_indirect_dma semaphore(%arg18 : memref<!tpu.dma_semaphore, #tpu.memory_space<semaphore_mem>>) src(%dma_wait3A_312 : memref<100000xf32, #tpu.memory_space<hbm>>) dst(%dma_wait3A_305 : memref<128xf32, #tpu.memory_space<vmem>>)
    %dma_wait3A_313 = arith.constant 0 : i32
    %dma_wait3A_314 = arith.constant 128 : i32
    %dma_wait3A_315 = tpu.memref_slice %arg14[%dma_wait3A_314] : memref<512xf32, #tpu.memory_space<vmem>> -> memref<128xf32, #tpu.memory_space<vmem>>
    %dma_wait3A_316 = arith.constant 128 : i32
    %dma_wait3A_317 = tpu.memref_slice %arg12[%dma_wait3A_316] : memref<512xi32, #tpu.memory_space<vmem>> -> memref<128xi32, #tpu.memory_space<vmem>>
    %dma_wait3A_318 = arith.constant 0 : i32
    %dma_wait3A_319 = tpu.memref_slice %arg4[%dma_wait3A_313, %dma_wait3A_318] : memref<1x100000xf32, #tpu.memory_space<hbm>> -> memref<1x100000xf32, #tpu.memory_space<hbm>>
    %dma_wait3A_320 = tpu.memref_squeeze %dma_wait3A_319 : memref<1x100000xf32, #tpu.memory_space<hbm>> -> memref<100000xf32, #tpu.memory_space<hbm>>
    %dma_wait3A_321 = arith.constant 0 : i32
    %dma_wait3A_322 = tpu.memref_slice %dma_wait3A_320[%dma_wait3A_321] : memref<100000xf32, #tpu.memory_space<hbm>> -> memref<100000xf32, #tpu.memory_space<hbm>>
    tpu.wait_indirect_dma semaphore(%arg18 : memref<!tpu.dma_semaphore, #tpu.memory_space<semaphore_mem>>) src(%dma_wait3A_322 : memref<100000xf32, #tpu.memory_space<hbm>>) dst(%dma_wait3A_315 : memref<128xf32, #tpu.memory_space<vmem>>)
    %dma_wait3A_323 = arith.constant 0 : i32
    %dma_wait3A_324 = arith.constant 128 : i32
    %dma_wait3A_325 = tpu.memref_slice %arg15[%dma_wait3A_324] : memref<512xf32, #tpu.memory_space<vmem>> -> memref<128xf32, #tpu.memory_space<vmem>>
    %dma_wait3A_326 = arith.constant 128 : i32
    %dma_wait3A_327 = tpu.memref_slice %arg13[%dma_wait3A_326] : memref<512xi32, #tpu.memory_space<vmem>> -> memref<128xi32, #tpu.memory_space<vmem>>
    %dma_wait3A_328 = arith.constant 0 : i32
    %dma_wait3A_329 = tpu.memref_slice %arg5[%dma_wait3A_323, %dma_wait3A_328] : memref<1x100000xf32, #tpu.memory_space<hbm>> -> memref<1x100000xf32, #tpu.memory_space<hbm>>
    %dma_wait3A_330 = tpu.memref_squeeze %dma_wait3A_329 : memref<1x100000xf32, #tpu.memory_space<hbm>> -> memref<100000xf32, #tpu.memory_space<hbm>>
    %dma_wait3A_331 = arith.constant 0 : i32
    %dma_wait3A_332 = tpu.memref_slice %dma_wait3A_330[%dma_wait3A_331] : memref<100000xf32, #tpu.memory_space<hbm>> -> memref<100000xf32, #tpu.memory_space<hbm>>
    tpu.wait_indirect_dma semaphore(%arg18 : memref<!tpu.dma_semaphore, #tpu.memory_space<semaphore_mem>>) src(%dma_wait3A_332 : memref<100000xf32, #tpu.memory_space<hbm>>) dst(%dma_wait3A_325 : memref<128xf32, #tpu.memory_space<vmem>>)
    %dma_wait3A_333 = arith.constant 0 : i32
    %dma_wait3A_334 = arith.constant 256 : i32
    %dma_wait3A_335 = tpu.memref_slice %arg14[%dma_wait3A_334] : memref<512xf32, #tpu.memory_space<vmem>> -> memref<128xf32, #tpu.memory_space<vmem>>
    %dma_wait3A_336 = arith.constant 256 : i32
    %dma_wait3A_337 = tpu.memref_slice %arg12[%dma_wait3A_336] : memref<512xi32, #tpu.memory_space<vmem>> -> memref<128xi32, #tpu.memory_space<vmem>>
    %dma_wait3A_338 = arith.constant 0 : i32
    %dma_wait3A_339 = tpu.memref_slice %arg4[%dma_wait3A_333, %dma_wait3A_338] : memref<1x100000xf32, #tpu.memory_space<hbm>> -> memref<1x100000xf32, #tpu.memory_space<hbm>>
    %dma_wait3A_340 = tpu.memref_squeeze %dma_wait3A_339 : memref<1x100000xf32, #tpu.memory_space<hbm>> -> memref<100000xf32, #tpu.memory_space<hbm>>
    %dma_wait3A_341 = arith.constant 0 : i32
    %dma_wait3A_342 = tpu.memref_slice %dma_wait3A_340[%dma_wait3A_341] : memref<100000xf32, #tpu.memory_space<hbm>> -> memref<100000xf32, #tpu.memory_space<hbm>>
    tpu.wait_indirect_dma semaphore(%arg18 : memref<!tpu.dma_semaphore, #tpu.memory_space<semaphore_mem>>) src(%dma_wait3A_342 : memref<100000xf32, #tpu.memory_space<hbm>>) dst(%dma_wait3A_335 : memref<128xf32, #tpu.memory_space<vmem>>)
    %dma_wait3A_343 = arith.constant 0 : i32
    %dma_wait3A_344 = arith.constant 256 : i32
    %dma_wait3A_345 = tpu.memref_slice %arg15[%dma_wait3A_344] : memref<512xf32, #tpu.memory_space<vmem>> -> memref<128xf32, #tpu.memory_space<vmem>>
    %dma_wait3A_346 = arith.constant 256 : i32
    %dma_wait3A_347 = tpu.memref_slice %arg13[%dma_wait3A_346] : memref<512xi32, #tpu.memory_space<vmem>> -> memref<128xi32, #tpu.memory_space<vmem>>
    %dma_wait3A_348 = arith.constant 0 : i32
    %dma_wait3A_349 = tpu.memref_slice %arg5[%dma_wait3A_343, %dma_wait3A_348] : memref<1x100000xf32, #tpu.memory_space<hbm>> -> memref<1x100000xf32, #tpu.memory_space<hbm>>
    %dma_wait3A_350 = tpu.memref_squeeze %dma_wait3A_349 : memref<1x100000xf32, #tpu.memory_space<hbm>> -> memref<100000xf32, #tpu.memory_space<hbm>>
    %dma_wait3A_351 = arith.constant 0 : i32
    %dma_wait3A_352 = tpu.memref_slice %dma_wait3A_350[%dma_wait3A_351] : memref<100000xf32, #tpu.memory_space<hbm>> -> memref<100000xf32, #tpu.memory_space<hbm>>
    tpu.wait_indirect_dma semaphore(%arg18 : memref<!tpu.dma_semaphore, #tpu.memory_space<semaphore_mem>>) src(%dma_wait3A_352 : memref<100000xf32, #tpu.memory_space<hbm>>) dst(%dma_wait3A_345 : memref<128xf32, #tpu.memory_space<vmem>>)
    %dma_wait3A_353 = arith.constant 0 : i32
    %dma_wait3A_354 = arith.constant 384 : i32
    %dma_wait3A_355 = tpu.memref_slice %arg14[%dma_wait3A_354] : memref<512xf32, #tpu.memory_space<vmem>> -> memref<128xf32, #tpu.memory_space<vmem>>
    %dma_wait3A_356 = arith.constant 384 : i32
    %dma_wait3A_357 = tpu.memref_slice %arg12[%dma_wait3A_356] : memref<512xi32, #tpu.memory_space<vmem>> -> memref<128xi32, #tpu.memory_space<vmem>>
    %dma_wait3A_358 = arith.constant 0 : i32
    %dma_wait3A_359 = tpu.memref_slice %arg4[%dma_wait3A_353, %dma_wait3A_358] : memref<1x100000xf32, #tpu.memory_space<hbm>> -> memref<1x100000xf32, #tpu.memory_space<hbm>>
    %dma_wait3A_360 = tpu.memref_squeeze %dma_wait3A_359 : memref<1x100000xf32, #tpu.memory_space<hbm>> -> memref<100000xf32, #tpu.memory_space<hbm>>
    %dma_wait3A_361 = arith.constant 0 : i32
    %dma_wait3A_362 = tpu.memref_slice %dma_wait3A_360[%dma_wait3A_361] : memref<100000xf32, #tpu.memory_space<hbm>> -> memref<100000xf32, #tpu.memory_space<hbm>>
    tpu.wait_indirect_dma semaphore(%arg18 : memref<!tpu.dma_semaphore, #tpu.memory_space<semaphore_mem>>) src(%dma_wait3A_362 : memref<100000xf32, #tpu.memory_space<hbm>>) dst(%dma_wait3A_355 : memref<128xf32, #tpu.memory_space<vmem>>)
    %dma_wait3A_363 = arith.constant 0 : i32
    %dma_wait3A_364 = arith.constant 384 : i32
    %dma_wait3A_365 = tpu.memref_slice %arg15[%dma_wait3A_364] : memref<512xf32, #tpu.memory_space<vmem>> -> memref<128xf32, #tpu.memory_space<vmem>>
    %dma_wait3A_366 = arith.constant 384 : i32
    %dma_wait3A_367 = tpu.memref_slice %arg13[%dma_wait3A_366] : memref<512xi32, #tpu.memory_space<vmem>> -> memref<128xi32, #tpu.memory_space<vmem>>
    %dma_wait3A_368 = arith.constant 0 : i32
    %dma_wait3A_369 = tpu.memref_slice %arg5[%dma_wait3A_363, %dma_wait3A_368] : memref<1x100000xf32, #tpu.memory_space<hbm>> -> memref<1x100000xf32, #tpu.memory_space<hbm>>
    %dma_wait3A_370 = tpu.memref_squeeze %dma_wait3A_369 : memref<1x100000xf32, #tpu.memory_space<hbm>> -> memref<100000xf32, #tpu.memory_space<hbm>>
    %dma_wait3A_371 = arith.constant 0 : i32
    %dma_wait3A_372 = tpu.memref_slice %dma_wait3A_370[%dma_wait3A_371] : memref<100000xf32, #tpu.memory_space<hbm>> -> memref<100000xf32, #tpu.memory_space<hbm>>
    tpu.wait_indirect_dma semaphore(%arg18 : memref<!tpu.dma_semaphore, #tpu.memory_space<semaphore_mem>>) src(%dma_wait3A_372 : memref<100000xf32, #tpu.memory_space<hbm>>) dst(%dma_wait3A_365 : memref<128xf32, #tpu.memory_space<vmem>>)
    %get3A = arith.constant 0 : index
    %get3A_373 = tpu.vector_load %arg14[%get3A] {strides = array<i32>} : memref<512xf32, #tpu.memory_space<vmem>>, vector<16xf32>,
    %get3A_374 = arith.constant 0 : index
    %get3A_375 = tpu.vector_load %arg15[%get3A_374] {strides = array<i32>} : memref<512xf32, #tpu.memory_space<vmem>>, vector<16xf32>,
    %add3A_376 = arith.addf %get3A_373, %get3A_375 : vector<16xf32>
    %swap3A = arith.constant 0 : index
    %swap3A_377 = tpu.vector_load %arg16[%swap3A] {strides = array<i32>} : memref<512xf32, #tpu.memory_space<vmem>>, vector<16xf32>,
    tpu.vector_store %arg16[%swap3A], %add3A_376 {strides = array<i32>} : memref<512xf32, #tpu.memory_space<vmem>>, vector<16xf32>,
    %get3A_378 = arith.constant 16 : index
    %get3A_379 = tpu.vector_load %arg14[%get3A_378] {strides = array<i32>} : memref<512xf32, #tpu.memory_space<vmem>>, vector<16xf32>,
    %get3A_380 = arith.constant 16 : index
    %get3A_381 = tpu.vector_load %arg15[%get3A_380] {strides = array<i32>} : memref<512xf32, #tpu.memory_space<vmem>>, vector<16xf32>,
    %add3A_382 = arith.addf %get3A_379, %get3A_381 : vector<16xf32>
    %swap3A_383 = arith.constant 16 : index
    %swap3A_384 = tpu.vector_load %arg16[%swap3A_383] {strides = array<i32>} : memref<512xf32, #tpu.memory_space<vmem>>, vector<16xf32>,
    tpu.vector_store %arg16[%swap3A_383], %add3A_382 {strides = array<i32>} : memref<512xf32, #tpu.memory_space<vmem>>, vector<16xf32>,
    %get3A_385 = arith.constant 32 : index
    %get3A_386 = tpu.vector_load %arg14[%get3A_385] {strides = array<i32>} : memref<512xf32, #tpu.memory_space<vmem>>, vector<16xf32>,
    %get3A_387 = arith.constant 32 : index
    %get3A_388 = tpu.vector_load %arg15[%get3A_387] {strides = array<i32>} : memref<512xf32, #tpu.memory_space<vmem>>, vector<16xf32>,
    %add3A_389 = arith.addf %get3A_386, %get3A_388 : vector<16xf32>
    %swap3A_390 = arith.constant 32 : index
    %swap3A_391 = tpu.vector_load %arg16[%swap3A_390] {strides = array<i32>} : memref<512xf32, #tpu.memory_space<vmem>>, vector<16xf32>,
    tpu.vector_store %arg16[%swap3A_390], %add3A_389 {strides = array<i32>} : memref<512xf32, #tpu.memory_space<vmem>>, vector<16xf32>,
    %get3A_392 = arith.constant 48 : index
    %get3A_393 = tpu.vector_load %arg14[%get3A_392] {strides = array<i32>} : memref<512xf32, #tpu.memory_space<vmem>>, vector<16xf32>,
    %get3A_394 = arith.constant 48 : index
    %get3A_395 = tpu.vector_load %arg15[%get3A_394] {strides = array<i32>} : memref<512xf32, #tpu.memory_space<vmem>>, vector<16xf32>,
    %add3A_396 = arith.addf %get3A_393, %get3A_395 : vector<16xf32>
    %swap3A_397 = arith.constant 48 : index
    %swap3A_398 = tpu.vector_load %arg16[%swap3A_397] {strides = array<i32>} : memref<512xf32, #tpu.memory_space<vmem>>, vector<16xf32>,
    tpu.vector_store %arg16[%swap3A_397], %add3A_396 {strides = array<i32>} : memref<512xf32, #tpu.memory_space<vmem>>, vector<16xf32>,
    %get3A_399 = arith.constant 64 : index
    %get3A_400 = tpu.vector_load %arg14[%get3A_399] {strides = array<i32>} : memref<512xf32, #tpu.memory_space<vmem>>, vector<16xf32>,
    %get3A_401 = arith.constant 64 : index
    %get3A_402 = tpu.vector_load %arg15[%get3A_401] {strides = array<i32>} : memref<512xf32, #tpu.memory_space<vmem>>, vector<16xf32>,
    %add3A_403 = arith.addf %get3A_400, %get3A_402 : vector<16xf32>
    %swap3A_404 = arith.constant 64 : index
    %swap3A_405 = tpu.vector_load %arg16[%swap3A_404] {strides = array<i32>} : memref<512xf32, #tpu.memory_space<vmem>>, vector<16xf32>,
    tpu.vector_store %arg16[%swap3A_404], %add3A_403 {strides = array<i32>} : memref<512xf32, #tpu.memory_space<vmem>>, vector<16xf32>,
    %get3A_406 = arith.constant 80 : index
    %get3A_407 = tpu.vector_load %arg14[%get3A_406] {strides = array<i32>} : memref<512xf32, #tpu.memory_space<vmem>>, vector<16xf32>,
    %get3A_408 = arith.constant 80 : index
    %get3A_409 = tpu.vector_load %arg15[%get3A_408] {strides = array<i32>} : memref<512xf32, #tpu.memory_space<vmem>>, vector<16xf32>,
    %add3A_410 = arith.addf %get3A_407, %get3A_409 : vector<16xf32>
    %swap3A_411 = arith.constant 80 : index
    %swap3A_412 = tpu.vector_load %arg16[%swap3A_411] {strides = array<i32>} : memref<512xf32, #tpu.memory_space<vmem>>, vector<16xf32>,
    tpu.vector_store %arg16[%swap3A_411], %add3A_410 {strides = array<i32>} : memref<512xf32, #tpu.memory_space<vmem>>, vector<16xf32>,
    %get3A_413 = arith.constant 96 : index
    %get3A_414 = tpu.vector_load %arg14[%get3A_413] {strides = array<i32>} : memref<512xf32, #tpu.memory_space<vmem>>, vector<16xf32>,
    %get3A_415 = arith.constant 96 : index
    %get3A_416 = tpu.vector_load %arg15[%get3A_415] {strides = array<i32>} : memref<512xf32, #tpu.memory_space<vmem>>, vector<16xf32>,
    %add3A_417 = arith.addf %get3A_414, %get3A_416 : vector<16xf32>
    %swap3A_418 = arith.constant 96 : index
    %swap3A_419 = tpu.vector_load %arg16[%swap3A_418] {strides = array<i32>} : memref<512xf32, #tpu.memory_space<vmem>>, vector<16xf32>,
    tpu.vector_store %arg16[%swap3A_418], %add3A_417 {strides = array<i32>} : memref<512xf32, #tpu.memory_space<vmem>>, vector<16xf32>,
    %get3A_420 = arith.constant 112 : index
    %get3A_421 = tpu.vector_load %arg14[%get3A_420] {strides = array<i32>} : memref<512xf32, #tpu.memory_space<vmem>>, vector<16xf32>,
    %get3A_422 = arith.constant 112 : index
    %get3A_423 = tpu.vector_load %arg15[%get3A_422] {strides = array<i32>} : memref<512xf32, #tpu.memory_space<vmem>>, vector<16xf32>,
    %add3A_424 = arith.addf %get3A_421, %get3A_423 : vector<16xf32>
    %swap3A_425 = arith.constant 112 : index
    %swap3A_426 = tpu.vector_load %arg16[%swap3A_425] {strides = array<i32>} : memref<512xf32, #tpu.memory_space<vmem>>, vector<16xf32>,
    tpu.vector_store %arg16[%swap3A_425], %add3A_424 {strides = array<i32>} : memref<512xf32, #tpu.memory_space<vmem>>, vector<16xf32>,
    %get3A_427 = arith.constant 128 : index
    %get3A_428 = tpu.vector_load %arg14[%get3A_427] {strides = array<i32>} : memref<512xf32, #tpu.memory_space<vmem>>, vector<16xf32>,
    %get3A_429 = arith.constant 128 : index
    %get3A_430 = tpu.vector_load %arg15[%get3A_429] {strides = array<i32>} : memref<512xf32, #tpu.memory_space<vmem>>, vector<16xf32>,
    %add3A_431 = arith.addf %get3A_428, %get3A_430 : vector<16xf32>
    %swap3A_432 = arith.constant 128 : index
    %swap3A_433 = tpu.vector_load %arg16[%swap3A_432] {strides = array<i32>} : memref<512xf32, #tpu.memory_space<vmem>>, vector<16xf32>,
    tpu.vector_store %arg16[%swap3A_432], %add3A_431 {strides = array<i32>} : memref<512xf32, #tpu.memory_space<vmem>>, vector<16xf32>,
    %get3A_434 = arith.constant 144 : index
    %get3A_435 = tpu.vector_load %arg14[%get3A_434] {strides = array<i32>} : memref<512xf32, #tpu.memory_space<vmem>>, vector<16xf32>,
    %get3A_436 = arith.constant 144 : index
    %get3A_437 = tpu.vector_load %arg15[%get3A_436] {strides = array<i32>} : memref<512xf32, #tpu.memory_space<vmem>>, vector<16xf32>,
    %add3A_438 = arith.addf %get3A_435, %get3A_437 : vector<16xf32>
    %swap3A_439 = arith.constant 144 : index
    %swap3A_440 = tpu.vector_load %arg16[%swap3A_439] {strides = array<i32>} : memref<512xf32, #tpu.memory_space<vmem>>, vector<16xf32>,
    tpu.vector_store %arg16[%swap3A_439], %add3A_438 {strides = array<i32>} : memref<512xf32, #tpu.memory_space<vmem>>, vector<16xf32>,
    %get3A_441 = arith.constant 160 : index
    %get3A_442 = tpu.vector_load %arg14[%get3A_441] {strides = array<i32>} : memref<512xf32, #tpu.memory_space<vmem>>, vector<16xf32>,
    %get3A_443 = arith.constant 160 : index
    %get3A_444 = tpu.vector_load %arg15[%get3A_443] {strides = array<i32>} : memref<512xf32, #tpu.memory_space<vmem>>, vector<16xf32>,
    %add3A_445 = arith.addf %get3A_442, %get3A_444 : vector<16xf32>
    %swap3A_446 = arith.constant 160 : index
    %swap3A_447 = tpu.vector_load %arg16[%swap3A_446] {strides = array<i32>} : memref<512xf32, #tpu.memory_space<vmem>>, vector<16xf32>,
    tpu.vector_store %arg16[%swap3A_446], %add3A_445 {strides = array<i32>} : memref<512xf32, #tpu.memory_space<vmem>>, vector<16xf32>,
    %get3A_448 = arith.constant 176 : index
    %get3A_449 = tpu.vector_load %arg14[%get3A_448] {strides = array<i32>} : memref<512xf32, #tpu.memory_space<vmem>>, vector<16xf32>,
    %get3A_450 = arith.constant 176 : index
    %get3A_451 = tpu.vector_load %arg15[%get3A_450] {strides = array<i32>} : memref<512xf32, #tpu.memory_space<vmem>>, vector<16xf32>,
    %add3A_452 = arith.addf %get3A_449, %get3A_451 : vector<16xf32>
    %swap3A_453 = arith.constant 176 : index
    %swap3A_454 = tpu.vector_load %arg16[%swap3A_453] {strides = array<i32>} : memref<512xf32, #tpu.memory_space<vmem>>, vector<16xf32>,
    tpu.vector_store %arg16[%swap3A_453], %add3A_452 {strides = array<i32>} : memref<512xf32, #tpu.memory_space<vmem>>, vector<16xf32>,
    %get3A_455 = arith.constant 192 : index
    %get3A_456 = tpu.vector_load %arg14[%get3A_455] {strides = array<i32>} : memref<512xf32, #tpu.memory_space<vmem>>, vector<16xf32>,
    %get3A_457 = arith.constant 192 : index
    %get3A_458 = tpu.vector_load %arg15[%get3A_457] {strides = array<i32>} : memref<512xf32, #tpu.memory_space<vmem>>, vector<16xf32>,
    %add3A_459 = arith.addf %get3A_456, %get3A_458 : vector<16xf32>
    %swap3A_460 = arith.constant 192 : index
    %swap3A_461 = tpu.vector_load %arg16[%swap3A_460] {strides = array<i32>} : memref<512xf32, #tpu.memory_space<vmem>>, vector<16xf32>,
    tpu.vector_store %arg16[%swap3A_460], %add3A_459 {strides = array<i32>} : memref<512xf32, #tpu.memory_space<vmem>>, vector<16xf32>,
    %get3A_462 = arith.constant 208 : index
    %get3A_463 = tpu.vector_load %arg14[%get3A_462] {strides = array<i32>} : memref<512xf32, #tpu.memory_space<vmem>>, vector<16xf32>,
    %get3A_464 = arith.constant 208 : index
    %get3A_465 = tpu.vector_load %arg15[%get3A_464] {strides = array<i32>} : memref<512xf32, #tpu.memory_space<vmem>>, vector<16xf32>,
    %add3A_466 = arith.addf %get3A_463, %get3A_465 : vector<16xf32>
    %swap3A_467 = arith.constant 208 : index
    %swap3A_468 = tpu.vector_load %arg16[%swap3A_467] {strides = array<i32>} : memref<512xf32, #tpu.memory_space<vmem>>, vector<16xf32>,
    tpu.vector_store %arg16[%swap3A_467], %add3A_466 {strides = array<i32>} : memref<512xf32, #tpu.memory_space<vmem>>, vector<16xf32>,
    %get3A_469 = arith.constant 224 : index
    %get3A_470 = tpu.vector_load %arg14[%get3A_469] {strides = array<i32>} : memref<512xf32, #tpu.memory_space<vmem>>, vector<16xf32>,
    %get3A_471 = arith.constant 224 : index
    %get3A_472 = tpu.vector_load %arg15[%get3A_471] {strides = array<i32>} : memref<512xf32, #tpu.memory_space<vmem>>, vector<16xf32>,
    %add3A_473 = arith.addf %get3A_470, %get3A_472 : vector<16xf32>
    %swap3A_474 = arith.constant 224 : index
    %swap3A_475 = tpu.vector_load %arg16[%swap3A_474] {strides = array<i32>} : memref<512xf32, #tpu.memory_space<vmem>>, vector<16xf32>,
    tpu.vector_store %arg16[%swap3A_474], %add3A_473 {strides = array<i32>} : memref<512xf32, #tpu.memory_space<vmem>>, vector<16xf32>,
    %get3A_476 = arith.constant 240 : index
    %get3A_477 = tpu.vector_load %arg14[%get3A_476] {strides = array<i32>} : memref<512xf32, #tpu.memory_space<vmem>>, vector<16xf32>,
    %get3A_478 = arith.constant 240 : index
    %get3A_479 = tpu.vector_load %arg15[%get3A_478] {strides = array<i32>} : memref<512xf32, #tpu.memory_space<vmem>>, vector<16xf32>,
    %add3A_480 = arith.addf %get3A_477, %get3A_479 : vector<16xf32>
    %swap3A_481 = arith.constant 240 : index
    %swap3A_482 = tpu.vector_load %arg16[%swap3A_481] {strides = array<i32>} : memref<512xf32, #tpu.memory_space<vmem>>, vector<16xf32>,
    tpu.vector_store %arg16[%swap3A_481], %add3A_480 {strides = array<i32>} : memref<512xf32, #tpu.memory_space<vmem>>, vector<16xf32>,
    %get3A_483 = arith.constant 256 : index
    %get3A_484 = tpu.vector_load %arg14[%get3A_483] {strides = array<i32>} : memref<512xf32, #tpu.memory_space<vmem>>, vector<16xf32>,
    %get3A_485 = arith.constant 256 : index
    %get3A_486 = tpu.vector_load %arg15[%get3A_485] {strides = array<i32>} : memref<512xf32, #tpu.memory_space<vmem>>, vector<16xf32>,
    %add3A_487 = arith.addf %get3A_484, %get3A_486 : vector<16xf32>
    %swap3A_488 = arith.constant 256 : index
    %swap3A_489 = tpu.vector_load %arg16[%swap3A_488] {strides = array<i32>} : memref<512xf32, #tpu.memory_space<vmem>>, vector<16xf32>,
    tpu.vector_store %arg16[%swap3A_488], %add3A_487 {strides = array<i32>} : memref<512xf32, #tpu.memory_space<vmem>>, vector<16xf32>,
    %get3A_490 = arith.constant 272 : index
    %get3A_491 = tpu.vector_load %arg14[%get3A_490] {strides = array<i32>} : memref<512xf32, #tpu.memory_space<vmem>>, vector<16xf32>,
    %get3A_492 = arith.constant 272 : index
    %get3A_493 = tpu.vector_load %arg15[%get3A_492] {strides = array<i32>} : memref<512xf32, #tpu.memory_space<vmem>>, vector<16xf32>,
    %add3A_494 = arith.addf %get3A_491, %get3A_493 : vector<16xf32>
    %swap3A_495 = arith.constant 272 : index
    %swap3A_496 = tpu.vector_load %arg16[%swap3A_495] {strides = array<i32>} : memref<512xf32, #tpu.memory_space<vmem>>, vector<16xf32>,
    tpu.vector_store %arg16[%swap3A_495], %add3A_494 {strides = array<i32>} : memref<512xf32, #tpu.memory_space<vmem>>, vector<16xf32>,
    %get3A_497 = arith.constant 288 : index
    %get3A_498 = tpu.vector_load %arg14[%get3A_497] {strides = array<i32>} : memref<512xf32, #tpu.memory_space<vmem>>, vector<16xf32>,
    %get3A_499 = arith.constant 288 : index
    %get3A_500 = tpu.vector_load %arg15[%get3A_499] {strides = array<i32>} : memref<512xf32, #tpu.memory_space<vmem>>, vector<16xf32>,
    %add3A_501 = arith.addf %get3A_498, %get3A_500 : vector<16xf32>
    %swap3A_502 = arith.constant 288 : index
    %swap3A_503 = tpu.vector_load %arg16[%swap3A_502] {strides = array<i32>} : memref<512xf32, #tpu.memory_space<vmem>>, vector<16xf32>,
    tpu.vector_store %arg16[%swap3A_502], %add3A_501 {strides = array<i32>} : memref<512xf32, #tpu.memory_space<vmem>>, vector<16xf32>,
    %get3A_504 = arith.constant 304 : index
    %get3A_505 = tpu.vector_load %arg14[%get3A_504] {strides = array<i32>} : memref<512xf32, #tpu.memory_space<vmem>>, vector<16xf32>,
    %get3A_506 = arith.constant 304 : index
    %get3A_507 = tpu.vector_load %arg15[%get3A_506] {strides = array<i32>} : memref<512xf32, #tpu.memory_space<vmem>>, vector<16xf32>,
    %add3A_508 = arith.addf %get3A_505, %get3A_507 : vector<16xf32>
    %swap3A_509 = arith.constant 304 : index
    %swap3A_510 = tpu.vector_load %arg16[%swap3A_509] {strides = array<i32>} : memref<512xf32, #tpu.memory_space<vmem>>, vector<16xf32>,
    tpu.vector_store %arg16[%swap3A_509], %add3A_508 {strides = array<i32>} : memref<512xf32, #tpu.memory_space<vmem>>, vector<16xf32>,
    %get3A_511 = arith.constant 320 : index
    %get3A_512 = tpu.vector_load %arg14[%get3A_511] {strides = array<i32>} : memref<512xf32, #tpu.memory_space<vmem>>, vector<16xf32>,
    %get3A_513 = arith.constant 320 : index
    %get3A_514 = tpu.vector_load %arg15[%get3A_513] {strides = array<i32>} : memref<512xf32, #tpu.memory_space<vmem>>, vector<16xf32>,
    %add3A_515 = arith.addf %get3A_512, %get3A_514 : vector<16xf32>
    %swap3A_516 = arith.constant 320 : index
    %swap3A_517 = tpu.vector_load %arg16[%swap3A_516] {strides = array<i32>} : memref<512xf32, #tpu.memory_space<vmem>>, vector<16xf32>,
    tpu.vector_store %arg16[%swap3A_516], %add3A_515 {strides = array<i32>} : memref<512xf32, #tpu.memory_space<vmem>>, vector<16xf32>,
    %get3A_518 = arith.constant 336 : index
    %get3A_519 = tpu.vector_load %arg14[%get3A_518] {strides = array<i32>} : memref<512xf32, #tpu.memory_space<vmem>>, vector<16xf32>,
    %get3A_520 = arith.constant 336 : index
    %get3A_521 = tpu.vector_load %arg15[%get3A_520] {strides = array<i32>} : memref<512xf32, #tpu.memory_space<vmem>>, vector<16xf32>,
    %add3A_522 = arith.addf %get3A_519, %get3A_521 : vector<16xf32>
    %swap3A_523 = arith.constant 336 : index
    %swap3A_524 = tpu.vector_load %arg16[%swap3A_523] {strides = array<i32>} : memref<512xf32, #tpu.memory_space<vmem>>, vector<16xf32>,
    tpu.vector_store %arg16[%swap3A_523], %add3A_522 {strides = array<i32>} : memref<512xf32, #tpu.memory_space<vmem>>, vector<16xf32>,
    %get3A_525 = arith.constant 352 : index
    %get3A_526 = tpu.vector_load %arg14[%get3A_525] {strides = array<i32>} : memref<512xf32, #tpu.memory_space<vmem>>, vector<16xf32>,
    %get3A_527 = arith.constant 352 : index
    %get3A_528 = tpu.vector_load %arg15[%get3A_527] {strides = array<i32>} : memref<512xf32, #tpu.memory_space<vmem>>, vector<16xf32>,
    %add3A_529 = arith.addf %get3A_526, %get3A_528 : vector<16xf32>
    %swap3A_530 = arith.constant 352 : index
    %swap3A_531 = tpu.vector_load %arg16[%swap3A_530] {strides = array<i32>} : memref<512xf32, #tpu.memory_space<vmem>>, vector<16xf32>,
    tpu.vector_store %arg16[%swap3A_530], %add3A_529 {strides = array<i32>} : memref<512xf32, #tpu.memory_space<vmem>>, vector<16xf32>,
    %get3A_532 = arith.constant 368 : index
    %get3A_533 = tpu.vector_load %arg14[%get3A_532] {strides = array<i32>} : memref<512xf32, #tpu.memory_space<vmem>>, vector<16xf32>,
    %get3A_534 = arith.constant 368 : index
    %get3A_535 = tpu.vector_load %arg15[%get3A_534] {strides = array<i32>} : memref<512xf32, #tpu.memory_space<vmem>>, vector<16xf32>,
    %add3A_536 = arith.addf %get3A_533, %get3A_535 : vector<16xf32>
    %swap3A_537 = arith.constant 368 : index
    %swap3A_538 = tpu.vector_load %arg16[%swap3A_537] {strides = array<i32>} : memref<512xf32, #tpu.memory_space<vmem>>, vector<16xf32>,
    tpu.vector_store %arg16[%swap3A_537], %add3A_536 {strides = array<i32>} : memref<512xf32, #tpu.memory_space<vmem>>, vector<16xf32>,
    %get3A_539 = arith.constant 384 : index
    %get3A_540 = tpu.vector_load %arg14[%get3A_539] {strides = array<i32>} : memref<512xf32, #tpu.memory_space<vmem>>, vector<16xf32>,
    %get3A_541 = arith.constant 384 : index
    %get3A_542 = tpu.vector_load %arg15[%get3A_541] {strides = array<i32>} : memref<512xf32, #tpu.memory_space<vmem>>, vector<16xf32>,
    %add3A_543 = arith.addf %get3A_540, %get3A_542 : vector<16xf32>
    %swap3A_544 = arith.constant 384 : index
    %swap3A_545 = tpu.vector_load %arg16[%swap3A_544] {strides = array<i32>} : memref<512xf32, #tpu.memory_space<vmem>>, vector<16xf32>,
    tpu.vector_store %arg16[%swap3A_544], %add3A_543 {strides = array<i32>} : memref<512xf32, #tpu.memory_space<vmem>>, vector<16xf32>,
    %get3A_546 = arith.constant 400 : index
    %get3A_547 = tpu.vector_load %arg14[%get3A_546] {strides = array<i32>} : memref<512xf32, #tpu.memory_space<vmem>>, vector<16xf32>,
    %get3A_548 = arith.constant 400 : index
    %get3A_549 = tpu.vector_load %arg15[%get3A_548] {strides = array<i32>} : memref<512xf32, #tpu.memory_space<vmem>>, vector<16xf32>,
    %add3A_550 = arith.addf %get3A_547, %get3A_549 : vector<16xf32>
    %swap3A_551 = arith.constant 400 : index
    %swap3A_552 = tpu.vector_load %arg16[%swap3A_551] {strides = array<i32>} : memref<512xf32, #tpu.memory_space<vmem>>, vector<16xf32>,
    tpu.vector_store %arg16[%swap3A_551], %add3A_550 {strides = array<i32>} : memref<512xf32, #tpu.memory_space<vmem>>, vector<16xf32>,
    %get3A_553 = arith.constant 416 : index
    %get3A_554 = tpu.vector_load %arg14[%get3A_553] {strides = array<i32>} : memref<512xf32, #tpu.memory_space<vmem>>, vector<16xf32>,
    %get3A_555 = arith.constant 416 : index
    %get3A_556 = tpu.vector_load %arg15[%get3A_555] {strides = array<i32>} : memref<512xf32, #tpu.memory_space<vmem>>, vector<16xf32>,
    %add3A_557 = arith.addf %get3A_554, %get3A_556 : vector<16xf32>
    %swap3A_558 = arith.constant 416 : index
    %swap3A_559 = tpu.vector_load %arg16[%swap3A_558] {strides = array<i32>} : memref<512xf32, #tpu.memory_space<vmem>>, vector<16xf32>,
    tpu.vector_store %arg16[%swap3A_558], %add3A_557 {strides = array<i32>} : memref<512xf32, #tpu.memory_space<vmem>>, vector<16xf32>,
    %get3A_560 = arith.constant 432 : index
    %get3A_561 = tpu.vector_load %arg14[%get3A_560] {strides = array<i32>} : memref<512xf32, #tpu.memory_space<vmem>>, vector<16xf32>,
    %get3A_562 = arith.constant 432 : index
    %get3A_563 = tpu.vector_load %arg15[%get3A_562] {strides = array<i32>} : memref<512xf32, #tpu.memory_space<vmem>>, vector<16xf32>,
    %add3A_564 = arith.addf %get3A_561, %get3A_563 : vector<16xf32>
    %swap3A_565 = arith.constant 432 : index
    %swap3A_566 = tpu.vector_load %arg16[%swap3A_565] {strides = array<i32>} : memref<512xf32, #tpu.memory_space<vmem>>, vector<16xf32>,
    tpu.vector_store %arg16[%swap3A_565], %add3A_564 {strides = array<i32>} : memref<512xf32, #tpu.memory_space<vmem>>, vector<16xf32>,
    %get3A_567 = arith.constant 448 : index
    %get3A_568 = tpu.vector_load %arg14[%get3A_567] {strides = array<i32>} : memref<512xf32, #tpu.memory_space<vmem>>, vector<16xf32>,
    %get3A_569 = arith.constant 448 : index
    %get3A_570 = tpu.vector_load %arg15[%get3A_569] {strides = array<i32>} : memref<512xf32, #tpu.memory_space<vmem>>, vector<16xf32>,
    %add3A_571 = arith.addf %get3A_568, %get3A_570 : vector<16xf32>
    %swap3A_572 = arith.constant 448 : index
    %swap3A_573 = tpu.vector_load %arg16[%swap3A_572] {strides = array<i32>} : memref<512xf32, #tpu.memory_space<vmem>>, vector<16xf32>,
    tpu.vector_store %arg16[%swap3A_572], %add3A_571 {strides = array<i32>} : memref<512xf32, #tpu.memory_space<vmem>>, vector<16xf32>,
    %get3A_574 = arith.constant 464 : index
    %get3A_575 = tpu.vector_load %arg14[%get3A_574] {strides = array<i32>} : memref<512xf32, #tpu.memory_space<vmem>>, vector<16xf32>,
    %get3A_576 = arith.constant 464 : index
    %get3A_577 = tpu.vector_load %arg15[%get3A_576] {strides = array<i32>} : memref<512xf32, #tpu.memory_space<vmem>>, vector<16xf32>,
    %add3A_578 = arith.addf %get3A_575, %get3A_577 : vector<16xf32>
    %swap3A_579 = arith.constant 464 : index
    %swap3A_580 = tpu.vector_load %arg16[%swap3A_579] {strides = array<i32>} : memref<512xf32, #tpu.memory_space<vmem>>, vector<16xf32>,
    tpu.vector_store %arg16[%swap3A_579], %add3A_578 {strides = array<i32>} : memref<512xf32, #tpu.memory_space<vmem>>, vector<16xf32>,
    %get3A_581 = arith.constant 480 : index
    %get3A_582 = tpu.vector_load %arg14[%get3A_581] {strides = array<i32>} : memref<512xf32, #tpu.memory_space<vmem>>, vector<16xf32>,
    %get3A_583 = arith.constant 480 : index
    %get3A_584 = tpu.vector_load %arg15[%get3A_583] {strides = array<i32>} : memref<512xf32, #tpu.memory_space<vmem>>, vector<16xf32>,
    %add3A_585 = arith.addf %get3A_582, %get3A_584 : vector<16xf32>
    %swap3A_586 = arith.constant 480 : index
    %swap3A_587 = tpu.vector_load %arg16[%swap3A_586] {strides = array<i32>} : memref<512xf32, #tpu.memory_space<vmem>>, vector<16xf32>,
    tpu.vector_store %arg16[%swap3A_586], %add3A_585 {strides = array<i32>} : memref<512xf32, #tpu.memory_space<vmem>>, vector<16xf32>,
    %get3A_588 = arith.constant 496 : index
    %get3A_589 = tpu.vector_load %arg14[%get3A_588] {strides = array<i32>} : memref<512xf32, #tpu.memory_space<vmem>>, vector<16xf32>,
    %get3A_590 = arith.constant 496 : index
    %get3A_591 = tpu.vector_load %arg15[%get3A_590] {strides = array<i32>} : memref<512xf32, #tpu.memory_space<vmem>>, vector<16xf32>,
    %add3A_592 = arith.addf %get3A_589, %get3A_591 : vector<16xf32>
    %swap3A_593 = arith.constant 496 : index
    %swap3A_594 = tpu.vector_load %arg16[%swap3A_593] {strides = array<i32>} : memref<512xf32, #tpu.memory_space<vmem>>, vector<16xf32>,
    tpu.vector_store %arg16[%swap3A_593], %add3A_592 {strides = array<i32>} : memref<512xf32, #tpu.memory_space<vmem>>, vector<16xf32>,
    %mul3A_595 = arith.constant 512 : i32
    %mul3A_596 = arith.muli %add3A, %mul3A_595 : i32
    "tpu.region"() ({
      %run_scoped3A_739 = tpu.sem_alloc : memref<!tpu.dma_semaphore, #tpu.memory_space<semaphore_mem>>
      %dma_start3A_740 = tpu.memref_slice %arg8[%mul3A_596] : memref<16384xf32, #tpu.memory_space<hbm>> -> memref<512xf32, #tpu.memory_space<hbm>>
      %dma_start3A_741 = tpu.memref_slice %arg8[%mul3A_596] : memref<16384xf32, #tpu.memory_space<hbm>> -> memref<512xf32, #tpu.memory_space<hbm>>
      tpu.enqueue_dma source(%arg16 : memref<512xf32, #tpu.memory_space<vmem>>) target(%dma_start3A_741 : memref<512xf32, #tpu.memory_space<hbm>>) target_semaphore(%run_scoped3A_739 : memref<!tpu.dma_semaphore, #tpu.memory_space<semaphore_mem>>)
      %dma_wait3A_742 = tpu.memref_slice %arg8[%mul3A_596] : memref<16384xf32, #tpu.memory_space<hbm>> -> memref<512xf32, #tpu.memory_space<hbm>>
      %dma_wait3A_743 = tpu.memref_slice %arg8[%mul3A_596] : memref<16384xf32, #tpu.memory_space<hbm>> -> memref<512xf32, #tpu.memory_space<hbm>>
      tpu.wait_dma2 semaphore(%run_scoped3A_739 : memref<!tpu.dma_semaphore, #tpu.memory_space<semaphore_mem>>) src(%arg16 : memref<512xf32, #tpu.memory_space<vmem>>) dst(%dma_wait3A_743 : memref<512xf32, #tpu.memory_space<hbm>>)
      tpu.yield
    }) : () -> ()
    %dma_wait3A_597 = arith.constant 0 : i32
    %dma_wait3A_598 = tpu.memref_slice %arg3[%add3A, %dma_wait3A_597] : memref<32x100000xf32, #tpu.memory_space<hbm>> -> memref<1x100000xf32, #tpu.memory_space<hbm>>
    %dma_wait3A_599 = tpu.memref_squeeze %dma_wait3A_598 : memref<1x100000xf32, #tpu.memory_space<hbm>> -> memref<100000xf32, #tpu.memory_space<hbm>>
    %dma_wait3A_600 = arith.constant 0 : i32
    %dma_wait3A_601 = tpu.memref_slice %arg3[%add3A, %dma_wait3A_600] : memref<32x100000xf32, #tpu.memory_space<hbm>> -> memref<1x100000xf32, #tpu.memory_space<hbm>>
    %dma_wait3A_602 = tpu.memref_squeeze %dma_wait3A_601 : memref<1x100000xf32, #tpu.memory_space<hbm>> -> memref<100000xf32, #tpu.memory_space<hbm>>
    tpu.wait_dma2 semaphore(%arg19 : memref<!tpu.dma_semaphore, #tpu.memory_space<semaphore_mem>>) src(%dma_wait3A_602 : memref<100000xf32, #tpu.memory_space<hbm>>) dst(%arg9 : memref<100000xf32, #tpu.memory_space<vmem>>)
    %broadcast_in_dim3A = arith.constant 0.000000e+00 : f32
    %broadcast_in_dim3A_603 = vector.broadcast %broadcast_in_dim3A : f32 to vector<16xf32>
    %broadcast_in_dim3A_604 = arith.constant 0.000000e+00 : f32
    %broadcast_in_dim3A_605 = vector.broadcast %broadcast_in_dim3A_604 : f32 to vector<16xf32>
    %broadcast_in_dim3A_606 = arith.constant 0.000000e+00 : f32
    %broadcast_in_dim3A_607 = vector.broadcast %broadcast_in_dim3A_606 : f32 to vector<16xf32>
    %broadcast_in_dim3A_608 = arith.constant 0.000000e+00 : f32
    %broadcast_in_dim3A_609 = vector.broadcast %broadcast_in_dim3A_608 : f32 to vector<16xf32>
    %dma_wait3A_610 = arith.constant 1 : i32
    %dma_wait3A_611 = arith.constant 0 : i32
    %dma_wait3A_612 = arith.constant 0 : i32
    %dma_wait3A_613 = tpu.memref_slice %arg11[%dma_wait3A_611, %dma_wait3A_612] : memref<2x4096xi32, #tpu.memory_space<vmem>> -> memref<1x4096xi32, #tpu.memory_space<vmem>>
    %dma_wait3A_614 = tpu.memref_squeeze %dma_wait3A_613 : memref<1x4096xi32, #tpu.memory_space<vmem>> -> memref<4096xi32, #tpu.memory_space<vmem>>
    %dma_wait3A_615 = arith.constant 0 : i32
    %dma_wait3A_616 = tpu.memref_slice %arg6[%dma_wait3A_610, %dma_wait3A_615] : memref<2x16384xi32, #tpu.memory_space<hbm>> -> memref<1x16384xi32, #tpu.memory_space<hbm>>
    %dma_wait3A_617 = tpu.memref_squeeze %dma_wait3A_616 : memref<1x16384xi32, #tpu.memory_space<hbm>> -> memref<16384xi32, #tpu.memory_space<hbm>>
    %dma_wait3A_618 = arith.constant 0 : i32
    %dma_wait3A_619 = tpu.memref_slice %dma_wait3A_617[%dma_wait3A_618] : memref<16384xi32, #tpu.memory_space<hbm>> -> memref<4096xi32, #tpu.memory_space<hbm>>
    %dma_wait3A_620 = arith.constant 0 : i32
    %dma_wait3A_621 = tpu.memref_slice %arg11[%dma_wait3A_611, %dma_wait3A_620] : memref<2x4096xi32, #tpu.memory_space<vmem>> -> memref<1x4096xi32, #tpu.memory_space<vmem>>
    %dma_wait3A_622 = tpu.memref_squeeze %dma_wait3A_621 : memref<1x4096xi32, #tpu.memory_space<vmem>> -> memref<4096xi32, #tpu.memory_space<vmem>>
    %dma_wait3A_623 = arith.constant 0 : i32
    %dma_wait3A_624 = tpu.memref_slice %arg6[%dma_wait3A_610, %dma_wait3A_623] : memref<2x16384xi32, #tpu.memory_space<hbm>> -> memref<1x16384xi32, #tpu.memory_space<hbm>>
    %dma_wait3A_625 = tpu.memref_squeeze %dma_wait3A_624 : memref<1x16384xi32, #tpu.memory_space<hbm>> -> memref<16384xi32, #tpu.memory_space<hbm>>
    %dma_wait3A_626 = arith.constant 0 : i32
    %dma_wait3A_627 = tpu.memref_slice %dma_wait3A_625[%dma_wait3A_626] : memref<16384xi32, #tpu.memory_space<hbm>> -> memref<4096xi32, #tpu.memory_space<hbm>>
    tpu.wait_dma2 semaphore(%arg20 : memref<!tpu.dma_semaphore, #tpu.memory_space<semaphore_mem>>) src(%dma_wait3A_627 : memref<4096xi32, #tpu.memory_space<hbm>>) dst(%dma_wait3A_622 : memref<4096xi32, #tpu.memory_space<vmem>>)
    %parallel_loop3A_628 = arith.constant 0 : i32
    %parallel_loop3A_629 = arith.constant 4096 : i32
    %parallel_loop3A_630 = arith.constant 64 : i32
    %parallel_loop3A_631:4 = scf.for %parallel_loop3A_739 = %parallel_loop3A_628 to %parallel_loop3A_629 step %parallel_loop3A_630 iter_args(%parallel_loop3A_740 = %broadcast_in_dim3A_603, %parallel_loop3A_741 = %broadcast_in_dim3A_605, %parallel_loop3A_742 = %broadcast_in_dim3A_607, %parallel_loop3A_743 = %broadcast_in_dim3A_609) -> (vector<16xf32>, vector<16xf32>, vector<16xf32>, vector<16xf32>)  : i32 {
      %parallel_loop3A_744 = arith.constant 0 : i32
      %parallel_loop3A_745 = arith.addi %parallel_loop3A_739, %parallel_loop3A_744 : i32
      %parallel_loop3A_746 = arith.constant 0 : i32
      %parallel_loop3A_747 = arith.index_cast %parallel_loop3A_746 : i32 to index
      %parallel_loop3A_748 = arith.index_cast %parallel_loop3A_745 : i32 to index
      %parallel_loop3A_749 = tpu.vector_load %arg11[%parallel_loop3A_747, %parallel_loop3A_748] {strides = array<i32>} : memref<2x4096xi32, #tpu.memory_space<vmem>>, vector<16xi32>,
      %parallel_loop3A_750 = tpu.vector_load_idx %arg9[%parallel_loop3A_749] : memref<100000xf32, #tpu.memory_space<vmem>>[vector<16xi32>], vector<16xf32>,
      %parallel_loop3A_751 = arith.constant 0 : i32
      %parallel_loop3A_752 = arith.addi %parallel_loop3A_751, %parallel_loop3A_739 : i32
      %parallel_loop3A_753 = arith.constant 0 : i32
      %parallel_loop3A_754 = arith.addi %parallel_loop3A_752, %parallel_loop3A_753 : i32
      %parallel_loop3A_755 = arith.index_cast %parallel_loop3A_754 : i32 to index
      %parallel_loop3A_756 = tpu.vector_load %arg10[%parallel_loop3A_755] {strides = array<i32>} : memref<16384xf32, #tpu.memory_space<vmem>>, vector<16xf32>,
      %parallel_loop3A_757 = arith.mulf %parallel_loop3A_750, %parallel_loop3A_756 : vector<16xf32>
      %parallel_loop3A_758 = arith.addf %parallel_loop3A_740, %parallel_loop3A_757 : vector<16xf32>
      %parallel_loop3A_759 = arith.constant 16 : i32
      %parallel_loop3A_760 = arith.addi %parallel_loop3A_739, %parallel_loop3A_759 : i32
      %parallel_loop3A_761 = arith.constant 0 : i32
      %parallel_loop3A_762 = arith.index_cast %parallel_loop3A_761 : i32 to index
      %parallel_loop3A_763 = arith.index_cast %parallel_loop3A_760 : i32 to index
      %parallel_loop3A_764 = tpu.vector_load %arg11[%parallel_loop3A_762, %parallel_loop3A_763] {strides = array<i32>} : memref<2x4096xi32, #tpu.memory_space<vmem>>, vector<16xi32>,
      %parallel_loop3A_765 = tpu.vector_load_idx %arg9[%parallel_loop3A_764] : memref<100000xf32, #tpu.memory_space<vmem>>[vector<16xi32>], vector<16xf32>,
      %parallel_loop3A_766 = arith.constant 0 : i32
      %parallel_loop3A_767 = arith.addi %parallel_loop3A_766, %parallel_loop3A_739 : i32
      %parallel_loop3A_768 = arith.constant 16 : i32
      %parallel_loop3A_769 = arith.addi %parallel_loop3A_767, %parallel_loop3A_768 : i32
      %parallel_loop3A_770 = arith.index_cast %parallel_loop3A_769 : i32 to index
      %parallel_loop3A_771 = tpu.vector_load %arg10[%parallel_loop3A_770] {strides = array<i32>} : memref<16384xf32, #tpu.memory_space<vmem>>, vector<16xf32>,
      %parallel_loop3A_772 = arith.mulf %parallel_loop3A_765, %parallel_loop3A_771 : vector<16xf32>
      %parallel_loop3A_773 = arith.addf %parallel_loop3A_741, %parallel_loop3A_772 : vector<16xf32>
      %parallel_loop3A_774 = arith.constant 32 : i32
      %parallel_loop3A_775 = arith.addi %parallel_loop3A_739, %parallel_loop3A_774 : i32
      %parallel_loop3A_776 = arith.constant 0 : i32
      %parallel_loop3A_777 = arith.index_cast %parallel_loop3A_776 : i32 to index
      %parallel_loop3A_778 = arith.index_cast %parallel_loop3A_775 : i32 to index
      %parallel_loop3A_779 = tpu.vector_load %arg11[%parallel_loop3A_777, %parallel_loop3A_778] {strides = array<i32>} : memref<2x4096xi32, #tpu.memory_space<vmem>>, vector<16xi32>,
      %parallel_loop3A_780 = tpu.vector_load_idx %arg9[%parallel_loop3A_779] : memref<100000xf32, #tpu.memory_space<vmem>>[vector<16xi32>], vector<16xf32>,
      %parallel_loop3A_781 = arith.constant 0 : i32
      %parallel_loop3A_782 = arith.addi %parallel_loop3A_781, %parallel_loop3A_739 : i32
      %parallel_loop3A_783 = arith.constant 32 : i32
      %parallel_loop3A_784 = arith.addi %parallel_loop3A_782, %parallel_loop3A_783 : i32
      %parallel_loop3A_785 = arith.index_cast %parallel_loop3A_784 : i32 to index
      %parallel_loop3A_786 = tpu.vector_load %arg10[%parallel_loop3A_785] {strides = array<i32>} : memref<16384xf32, #tpu.memory_space<vmem>>, vector<16xf32>,
      %parallel_loop3A_787 = arith.mulf %parallel_loop3A_780, %parallel_loop3A_786 : vector<16xf32>
      %parallel_loop3A_788 = arith.addf %parallel_loop3A_742, %parallel_loop3A_787 : vector<16xf32>
      %parallel_loop3A_789 = arith.constant 48 : i32
      %parallel_loop3A_790 = arith.addi %parallel_loop3A_739, %parallel_loop3A_789 : i32
      %parallel_loop3A_791 = arith.constant 0 : i32
      %parallel_loop3A_792 = arith.index_cast %parallel_loop3A_791 : i32 to index
      %parallel_loop3A_793 = arith.index_cast %parallel_loop3A_790 : i32 to index
      %parallel_loop3A_794 = tpu.vector_load %arg11[%parallel_loop3A_792, %parallel_loop3A_793] {strides = array<i32>} : memref<2x4096xi32, #tpu.memory_space<vmem>>, vector<16xi32>,
      %parallel_loop3A_795 = tpu.vector_load_idx %arg9[%parallel_loop3A_794] : memref<100000xf32, #tpu.memory_space<vmem>>[vector<16xi32>], vector<16xf32>,
      %parallel_loop3A_796 = arith.constant 0 : i32
      %parallel_loop3A_797 = arith.addi %parallel_loop3A_796, %parallel_loop3A_739 : i32
      %parallel_loop3A_798 = arith.constant 48 : i32
      %parallel_loop3A_799 = arith.addi %parallel_loop3A_797, %parallel_loop3A_798 : i32
      %parallel_loop3A_800 = arith.index_cast %parallel_loop3A_799 : i32 to index
      %parallel_loop3A_801 = tpu.vector_load %arg10[%parallel_loop3A_800] {strides = array<i32>} : memref<16384xf32, #tpu.memory_space<vmem>>, vector<16xf32>,
      %parallel_loop3A_802 = arith.mulf %parallel_loop3A_795, %parallel_loop3A_801 : vector<16xf32>
      %parallel_loop3A_803 = arith.addf %parallel_loop3A_743, %parallel_loop3A_802 : vector<16xf32>
      scf.yield %parallel_loop3A_758, %parallel_loop3A_773, %parallel_loop3A_788, %parallel_loop3A_803 : vector<16xf32>, vector<16xf32>, vector<16xf32>, vector<16xf32>
    } {sc.loop_unroll_factor = 1 : i64, sc.parallel_access}
    %dma_start3A_632 = arith.constant 1 : i32
    %dma_start3A_633 = arith.constant 0 : i32
    %dma_start3A_634 = arith.constant 0 : i32
    %dma_start3A_635 = tpu.memref_slice %arg11[%dma_start3A_633, %dma_start3A_634] : memref<2x4096xi32, #tpu.memory_space<vmem>> -> memref<1x4096xi32, #tpu.memory_space<vmem>>
    %dma_start3A_636 = tpu.memref_squeeze %dma_start3A_635 : memref<1x4096xi32, #tpu.memory_space<vmem>> -> memref<4096xi32, #tpu.memory_space<vmem>>
    %dma_start3A_637 = arith.constant 0 : i32
    %dma_start3A_638 = tpu.memref_slice %arg6[%dma_start3A_632, %dma_start3A_637] : memref<2x16384xi32, #tpu.memory_space<hbm>> -> memref<1x16384xi32, #tpu.memory_space<hbm>>
    %dma_start3A_639 = tpu.memref_squeeze %dma_start3A_638 : memref<1x16384xi32, #tpu.memory_space<hbm>> -> memref<16384xi32, #tpu.memory_space<hbm>>
    %dma_start3A_640 = arith.constant 8192 : i32
    %dma_start3A_641 = tpu.memref_slice %dma_start3A_639[%dma_start3A_640] : memref<16384xi32, #tpu.memory_space<hbm>> -> memref<4096xi32, #tpu.memory_space<hbm>>
    %dma_start3A_642 = arith.constant 0 : i32
    %dma_start3A_643 = tpu.memref_slice %arg11[%dma_start3A_633, %dma_start3A_642] : memref<2x4096xi32, #tpu.memory_space<vmem>> -> memref<1x4096xi32, #tpu.memory_space<vmem>>
    %dma_start3A_644 = tpu.memref_squeeze %dma_start3A_643 : memref<1x4096xi32, #tpu.memory_space<vmem>> -> memref<4096xi32, #tpu.memory_space<vmem>>
    %dma_start3A_645 = arith.constant 0 : i32
    %dma_start3A_646 = tpu.memref_slice %arg6[%dma_start3A_632, %dma_start3A_645] : memref<2x16384xi32, #tpu.memory_space<hbm>> -> memref<1x16384xi32, #tpu.memory_space<hbm>>
    %dma_start3A_647 = tpu.memref_squeeze %dma_start3A_646 : memref<1x16384xi32, #tpu.memory_space<hbm>> -> memref<16384xi32, #tpu.memory_space<hbm>>
    %dma_start3A_648 = arith.constant 8192 : i32
    %dma_start3A_649 = tpu.memref_slice %dma_start3A_647[%dma_start3A_648] : memref<16384xi32, #tpu.memory_space<hbm>> -> memref<4096xi32, #tpu.memory_space<hbm>>
    tpu.enqueue_dma source(%dma_start3A_649 : memref<4096xi32, #tpu.memory_space<hbm>>) target(%dma_start3A_644 : memref<4096xi32, #tpu.memory_space<vmem>>) target_semaphore(%arg20 : memref<!tpu.dma_semaphore, #tpu.memory_space<semaphore_mem>>)
    %dma_wait3A_650 = arith.constant 1 : i32
    %dma_wait3A_651 = arith.constant 1 : i32
    %dma_wait3A_652 = arith.constant 0 : i32
    %dma_wait3A_653 = tpu.memref_slice %arg11[%dma_wait3A_651, %dma_wait3A_652] : memref<2x4096xi32, #tpu.memory_space<vmem>> -> memref<1x4096xi32, #tpu.memory_space<vmem>>
    %dma_wait3A_654 = tpu.memref_squeeze %dma_wait3A_653 : memref<1x4096xi32, #tpu.memory_space<vmem>> -> memref<4096xi32, #tpu.memory_space<vmem>>
    %dma_wait3A_655 = arith.constant 0 : i32
    %dma_wait3A_656 = tpu.memref_slice %arg6[%dma_wait3A_650, %dma_wait3A_655] : memref<2x16384xi32, #tpu.memory_space<hbm>> -> memref<1x16384xi32, #tpu.memory_space<hbm>>
    %dma_wait3A_657 = tpu.memref_squeeze %dma_wait3A_656 : memref<1x16384xi32, #tpu.memory_space<hbm>> -> memref<16384xi32, #tpu.memory_space<hbm>>
    %dma_wait3A_658 = arith.constant 4096 : i32
    %dma_wait3A_659 = tpu.memref_slice %dma_wait3A_657[%dma_wait3A_658] : memref<16384xi32, #tpu.memory_space<hbm>> -> memref<4096xi32, #tpu.memory_space<hbm>>
    %dma_wait3A_660 = arith.constant 0 : i32
    %dma_wait3A_661 = tpu.memref_slice %arg11[%dma_wait3A_651, %dma_wait3A_660] : memref<2x4096xi32, #tpu.memory_space<vmem>> -> memref<1x4096xi32, #tpu.memory_space<vmem>>
    %dma_wait3A_662 = tpu.memref_squeeze %dma_wait3A_661 : memref<1x4096xi32, #tpu.memory_space<vmem>> -> memref<4096xi32, #tpu.memory_space<vmem>>
    %dma_wait3A_663 = arith.constant 0 : i32
    %dma_wait3A_664 = tpu.memref_slice %arg6[%dma_wait3A_650, %dma_wait3A_663] : memref<2x16384xi32, #tpu.memory_space<hbm>> -> memref<1x16384xi32, #tpu.memory_space<hbm>>
    %dma_wait3A_665 = tpu.memref_squeeze %dma_wait3A_664 : memref<1x16384xi32, #tpu.memory_space<hbm>> -> memref<16384xi32, #tpu.memory_space<hbm>>
    %dma_wait3A_666 = arith.constant 4096 : i32
    %dma_wait3A_667 = tpu.memref_slice %dma_wait3A_665[%dma_wait3A_666] : memref<16384xi32, #tpu.memory_space<hbm>> -> memref<4096xi32, #tpu.memory_space<hbm>>
    tpu.wait_dma2 semaphore(%arg21 : memref<!tpu.dma_semaphore, #tpu.memory_space<semaphore_mem>>) src(%dma_wait3A_667 : memref<4096xi32, #tpu.memory_space<hbm>>) dst(%dma_wait3A_662 : memref<4096xi32, #tpu.memory_space<vmem>>)
    %parallel_loop3A_668 = arith.constant 0 : i32
    %parallel_loop3A_669 = arith.constant 4096 : i32
    %parallel_loop3A_670 = arith.constant 64 : i32
    %parallel_loop3A_671:4 = scf.for %parallel_loop3A_739 = %parallel_loop3A_668 to %parallel_loop3A_669 step %parallel_loop3A_670 iter_args(%parallel_loop3A_740 = %parallel_loop3A_631#0, %parallel_loop3A_741 = %parallel_loop3A_631#1, %parallel_loop3A_742 = %parallel_loop3A_631#2, %parallel_loop3A_743 = %parallel_loop3A_631#3) -> (vector<16xf32>, vector<16xf32>, vector<16xf32>, vector<16xf32>)  : i32 {
      %parallel_loop3A_744 = arith.constant 0 : i32
      %parallel_loop3A_745 = arith.addi %parallel_loop3A_739, %parallel_loop3A_744 : i32
      %parallel_loop3A_746 = arith.constant 1 : i32
      %parallel_loop3A_747 = arith.index_cast %parallel_loop3A_746 : i32 to index
      %parallel_loop3A_748 = arith.index_cast %parallel_loop3A_745 : i32 to index
      %parallel_loop3A_749 = tpu.vector_load %arg11[%parallel_loop3A_747, %parallel_loop3A_748] {strides = array<i32>} : memref<2x4096xi32, #tpu.memory_space<vmem>>, vector<16xi32>,
      %parallel_loop3A_750 = tpu.vector_load_idx %arg9[%parallel_loop3A_749] : memref<100000xf32, #tpu.memory_space<vmem>>[vector<16xi32>], vector<16xf32>,
      %parallel_loop3A_751 = arith.constant 4096 : i32
      %parallel_loop3A_752 = arith.addi %parallel_loop3A_751, %parallel_loop3A_739 : i32
      %parallel_loop3A_753 = arith.constant 0 : i32
      %parallel_loop3A_754 = arith.addi %parallel_loop3A_752, %parallel_loop3A_753 : i32
      %parallel_loop3A_755 = arith.index_cast %parallel_loop3A_754 : i32 to index
      %parallel_loop3A_756 = tpu.vector_load %arg10[%parallel_loop3A_755] {strides = array<i32>} : memref<16384xf32, #tpu.memory_space<vmem>>, vector<16xf32>,
      %parallel_loop3A_757 = arith.mulf %parallel_loop3A_750, %parallel_loop3A_756 : vector<16xf32>
      %parallel_loop3A_758 = arith.addf %parallel_loop3A_740, %parallel_loop3A_757 : vector<16xf32>
      %parallel_loop3A_759 = arith.constant 16 : i32
      %parallel_loop3A_760 = arith.addi %parallel_loop3A_739, %parallel_loop3A_759 : i32
      %parallel_loop3A_761 = arith.constant 1 : i32
      %parallel_loop3A_762 = arith.index_cast %parallel_loop3A_761 : i32 to index
      %parallel_loop3A_763 = arith.index_cast %parallel_loop3A_760 : i32 to index
      %parallel_loop3A_764 = tpu.vector_load %arg11[%parallel_loop3A_762, %parallel_loop3A_763] {strides = array<i32>} : memref<2x4096xi32, #tpu.memory_space<vmem>>, vector<16xi32>,
      %parallel_loop3A_765 = tpu.vector_load_idx %arg9[%parallel_loop3A_764] : memref<100000xf32, #tpu.memory_space<vmem>>[vector<16xi32>], vector<16xf32>,
      %parallel_loop3A_766 = arith.constant 4096 : i32
      %parallel_loop3A_767 = arith.addi %parallel_loop3A_766, %parallel_loop3A_739 : i32
      %parallel_loop3A_768 = arith.constant 16 : i32
      %parallel_loop3A_769 = arith.addi %parallel_loop3A_767, %parallel_loop3A_768 : i32
      %parallel_loop3A_770 = arith.index_cast %parallel_loop3A_769 : i32 to index
      %parallel_loop3A_771 = tpu.vector_load %arg10[%parallel_loop3A_770] {strides = array<i32>} : memref<16384xf32, #tpu.memory_space<vmem>>, vector<16xf32>,
      %parallel_loop3A_772 = arith.mulf %parallel_loop3A_765, %parallel_loop3A_771 : vector<16xf32>
      %parallel_loop3A_773 = arith.addf %parallel_loop3A_741, %parallel_loop3A_772 : vector<16xf32>
      %parallel_loop3A_774 = arith.constant 32 : i32
      %parallel_loop3A_775 = arith.addi %parallel_loop3A_739, %parallel_loop3A_774 : i32
      %parallel_loop3A_776 = arith.constant 1 : i32
      %parallel_loop3A_777 = arith.index_cast %parallel_loop3A_776 : i32 to index
      %parallel_loop3A_778 = arith.index_cast %parallel_loop3A_775 : i32 to index
      %parallel_loop3A_779 = tpu.vector_load %arg11[%parallel_loop3A_777, %parallel_loop3A_778] {strides = array<i32>} : memref<2x4096xi32, #tpu.memory_space<vmem>>, vector<16xi32>,
      %parallel_loop3A_780 = tpu.vector_load_idx %arg9[%parallel_loop3A_779] : memref<100000xf32, #tpu.memory_space<vmem>>[vector<16xi32>], vector<16xf32>,
      %parallel_loop3A_781 = arith.constant 4096 : i32
      %parallel_loop3A_782 = arith.addi %parallel_loop3A_781, %parallel_loop3A_739 : i32
      %parallel_loop3A_783 = arith.constant 32 : i32
      %parallel_loop3A_784 = arith.addi %parallel_loop3A_782, %parallel_loop3A_783 : i32
      %parallel_loop3A_785 = arith.index_cast %parallel_loop3A_784 : i32 to index
      %parallel_loop3A_786 = tpu.vector_load %arg10[%parallel_loop3A_785] {strides = array<i32>} : memref<16384xf32, #tpu.memory_space<vmem>>, vector<16xf32>,
      %parallel_loop3A_787 = arith.mulf %parallel_loop3A_780, %parallel_loop3A_786 : vector<16xf32>
      %parallel_loop3A_788 = arith.addf %parallel_loop3A_742, %parallel_loop3A_787 : vector<16xf32>
      %parallel_loop3A_789 = arith.constant 48 : i32
      %parallel_loop3A_790 = arith.addi %parallel_loop3A_739, %parallel_loop3A_789 : i32
      %parallel_loop3A_791 = arith.constant 1 : i32
      %parallel_loop3A_792 = arith.index_cast %parallel_loop3A_791 : i32 to index
      %parallel_loop3A_793 = arith.index_cast %parallel_loop3A_790 : i32 to index
      %parallel_loop3A_794 = tpu.vector_load %arg11[%parallel_loop3A_792, %parallel_loop3A_793] {strides = array<i32>} : memref<2x4096xi32, #tpu.memory_space<vmem>>, vector<16xi32>,
      %parallel_loop3A_795 = tpu.vector_load_idx %arg9[%parallel_loop3A_794] : memref<100000xf32, #tpu.memory_space<vmem>>[vector<16xi32>], vector<16xf32>,
      %parallel_loop3A_796 = arith.constant 4096 : i32
      %parallel_loop3A_797 = arith.addi %parallel_loop3A_796, %parallel_loop3A_739 : i32
      %parallel_loop3A_798 = arith.constant 48 : i32
      %parallel_loop3A_799 = arith.addi %parallel_loop3A_797, %parallel_loop3A_798 : i32
      %parallel_loop3A_800 = arith.index_cast %parallel_loop3A_799 : i32 to index
      %parallel_loop3A_801 = tpu.vector_load %arg10[%parallel_loop3A_800] {strides = array<i32>} : memref<16384xf32, #tpu.memory_space<vmem>>, vector<16xf32>,
      %parallel_loop3A_802 = arith.mulf %parallel_loop3A_795, %parallel_loop3A_801 : vector<16xf32>
      %parallel_loop3A_803 = arith.addf %parallel_loop3A_743, %parallel_loop3A_802 : vector<16xf32>
      scf.yield %parallel_loop3A_758, %parallel_loop3A_773, %parallel_loop3A_788, %parallel_loop3A_803 : vector<16xf32>, vector<16xf32>, vector<16xf32>, vector<16xf32>
    } {sc.loop_unroll_factor = 1 : i64, sc.parallel_access}
    %dma_start3A_672 = arith.constant 1 : i32
    %dma_start3A_673 = arith.constant 1 : i32
    %dma_start3A_674 = arith.constant 0 : i32
    %dma_start3A_675 = tpu.memref_slice %arg11[%dma_start3A_673, %dma_start3A_674] : memref<2x4096xi32, #tpu.memory_space<vmem>> -> memref<1x4096xi32, #tpu.memory_space<vmem>>
    %dma_start3A_676 = tpu.memref_squeeze %dma_start3A_675 : memref<1x4096xi32, #tpu.memory_space<vmem>> -> memref<4096xi32, #tpu.memory_space<vmem>>
    %dma_start3A_677 = arith.constant 0 : i32
    %dma_start3A_678 = tpu.memref_slice %arg6[%dma_start3A_672, %dma_start3A_677] : memref<2x16384xi32, #tpu.memory_space<hbm>> -> memref<1x16384xi32, #tpu.memory_space<hbm>>
    %dma_start3A_679 = tpu.memref_squeeze %dma_start3A_678 : memref<1x16384xi32, #tpu.memory_space<hbm>> -> memref<16384xi32, #tpu.memory_space<hbm>>
    %dma_start3A_680 = arith.constant 12288 : i32
    %dma_start3A_681 = tpu.memref_slice %dma_start3A_679[%dma_start3A_680] : memref<16384xi32, #tpu.memory_space<hbm>> -> memref<4096xi32, #tpu.memory_space<hbm>>
    %dma_start3A_682 = arith.constant 0 : i32
    %dma_start3A_683 = tpu.memref_slice %arg11[%dma_start3A_673, %dma_start3A_682] : memref<2x4096xi32, #tpu.memory_space<vmem>> -> memref<1x4096xi32, #tpu.memory_space<vmem>>
    %dma_start3A_684 = tpu.memref_squeeze %dma_start3A_683 : memref<1x4096xi32, #tpu.memory_space<vmem>> -> memref<4096xi32, #tpu.memory_space<vmem>>
    %dma_start3A_685 = arith.constant 0 : i32
    %dma_start3A_686 = tpu.memref_slice %arg6[%dma_start3A_672, %dma_start3A_685] : memref<2x16384xi32, #tpu.memory_space<hbm>> -> memref<1x16384xi32, #tpu.memory_space<hbm>>
    %dma_start3A_687 = tpu.memref_squeeze %dma_start3A_686 : memref<1x16384xi32, #tpu.memory_space<hbm>> -> memref<16384xi32, #tpu.memory_space<hbm>>
    %dma_start3A_688 = arith.constant 12288 : i32
    %dma_start3A_689 = tpu.memref_slice %dma_start3A_687[%dma_start3A_688] : memref<16384xi32, #tpu.memory_space<hbm>> -> memref<4096xi32, #tpu.memory_space<hbm>>
    tpu.enqueue_dma source(%dma_start3A_689 : memref<4096xi32, #tpu.memory_space<hbm>>) target(%dma_start3A_684 : memref<4096xi32, #tpu.memory_space<vmem>>) target_semaphore(%arg21 : memref<!tpu.dma_semaphore, #tpu.memory_space<semaphore_mem>>)
    %dma_wait3A_690 = arith.constant 1 : i32
    %dma_wait3A_691 = arith.constant 0 : i32
    %dma_wait3A_692 = arith.constant 0 : i32
    %dma_wait3A_693 = tpu.memref_slice %arg11[%dma_wait3A_691, %dma_wait3A_692] : memref<2x4096xi32, #tpu.memory_space<vmem>> -> memref<1x4096xi32, #tpu.memory_space<vmem>>
    %dma_wait3A_694 = tpu.memref_squeeze %dma_wait3A_693 : memref<1x4096xi32, #tpu.memory_space<vmem>> -> memref<4096xi32, #tpu.memory_space<vmem>>
    %dma_wait3A_695 = arith.constant 0 : i32
    %dma_wait3A_696 = tpu.memref_slice %arg6[%dma_wait3A_690, %dma_wait3A_695] : memref<2x16384xi32, #tpu.memory_space<hbm>> -> memref<1x16384xi32, #tpu.memory_space<hbm>>
    %dma_wait3A_697 = tpu.memref_squeeze %dma_wait3A_696 : memref<1x16384xi32, #tpu.memory_space<hbm>> -> memref<16384xi32, #tpu.memory_space<hbm>>
    %dma_wait3A_698 = arith.constant 8192 : i32
    %dma_wait3A_699 = tpu.memref_slice %dma_wait3A_697[%dma_wait3A_698] : memref<16384xi32, #tpu.memory_space<hbm>> -> memref<4096xi32, #tpu.memory_space<hbm>>
    %dma_wait3A_700 = arith.constant 0 : i32
    %dma_wait3A_701 = tpu.memref_slice %arg11[%dma_wait3A_691, %dma_wait3A_700] : memref<2x4096xi32, #tpu.memory_space<vmem>> -> memref<1x4096xi32, #tpu.memory_space<vmem>>
    %dma_wait3A_702 = tpu.memref_squeeze %dma_wait3A_701 : memref<1x4096xi32, #tpu.memory_space<vmem>> -> memref<4096xi32, #tpu.memory_space<vmem>>
    %dma_wait3A_703 = arith.constant 0 : i32
    %dma_wait3A_704 = tpu.memref_slice %arg6[%dma_wait3A_690, %dma_wait3A_703] : memref<2x16384xi32, #tpu.memory_space<hbm>> -> memref<1x16384xi32, #tpu.memory_space<hbm>>
    %dma_wait3A_705 = tpu.memref_squeeze %dma_wait3A_704 : memref<1x16384xi32, #tpu.memory_space<hbm>> -> memref<16384xi32, #tpu.memory_space<hbm>>
    %dma_wait3A_706 = arith.constant 8192 : i32
    %dma_wait3A_707 = tpu.memref_slice %dma_wait3A_705[%dma_wait3A_706] : memref<16384xi32, #tpu.memory_space<hbm>> -> memref<4096xi32, #tpu.memory_space<hbm>>
    tpu.wait_dma2 semaphore(%arg20 : memref<!tpu.dma_semaphore, #tpu.memory_space<semaphore_mem>>) src(%dma_wait3A_707 : memref<4096xi32, #tpu.memory_space<hbm>>) dst(%dma_wait3A_702 : memref<4096xi32, #tpu.memory_space<vmem>>)
    %parallel_loop3A_708 = arith.constant 0 : i32
    %parallel_loop3A_709 = arith.constant 4096 : i32
    %parallel_loop3A_710 = arith.constant 64 : i32
    %parallel_loop3A_711:4 = scf.for %parallel_loop3A_739 = %parallel_loop3A_708 to %parallel_loop3A_709 step %parallel_loop3A_710 iter_args(%parallel_loop3A_740 = %parallel_loop3A_671#0, %parallel_loop3A_741 = %parallel_loop3A_671#1, %parallel_loop3A_742 = %parallel_loop3A_671#2, %parallel_loop3A_743 = %parallel_loop3A_671#3) -> (vector<16xf32>, vector<16xf32>, vector<16xf32>, vector<16xf32>)  : i32 {
      %parallel_loop3A_744 = arith.constant 0 : i32
      %parallel_loop3A_745 = arith.addi %parallel_loop3A_739, %parallel_loop3A_744 : i32
      %parallel_loop3A_746 = arith.constant 0 : i32
      %parallel_loop3A_747 = arith.index_cast %parallel_loop3A_746 : i32 to index
      %parallel_loop3A_748 = arith.index_cast %parallel_loop3A_745 : i32 to index
      %parallel_loop3A_749 = tpu.vector_load %arg11[%parallel_loop3A_747, %parallel_loop3A_748] {strides = array<i32>} : memref<2x4096xi32, #tpu.memory_space<vmem>>, vector<16xi32>,
      %parallel_loop3A_750 = tpu.vector_load_idx %arg9[%parallel_loop3A_749] : memref<100000xf32, #tpu.memory_space<vmem>>[vector<16xi32>], vector<16xf32>,
      %parallel_loop3A_751 = arith.constant 8192 : i32
      %parallel_loop3A_752 = arith.addi %parallel_loop3A_751, %parallel_loop3A_739 : i32
      %parallel_loop3A_753 = arith.constant 0 : i32
      %parallel_loop3A_754 = arith.addi %parallel_loop3A_752, %parallel_loop3A_753 : i32
      %parallel_loop3A_755 = arith.index_cast %parallel_loop3A_754 : i32 to index
      %parallel_loop3A_756 = tpu.vector_load %arg10[%parallel_loop3A_755] {strides = array<i32>} : memref<16384xf32, #tpu.memory_space<vmem>>, vector<16xf32>,
      %parallel_loop3A_757 = arith.mulf %parallel_loop3A_750, %parallel_loop3A_756 : vector<16xf32>
      %parallel_loop3A_758 = arith.addf %parallel_loop3A_740, %parallel_loop3A_757 : vector<16xf32>
      %parallel_loop3A_759 = arith.constant 16 : i32
      %parallel_loop3A_760 = arith.addi %parallel_loop3A_739, %parallel_loop3A_759 : i32
      %parallel_loop3A_761 = arith.constant 0 : i32
      %parallel_loop3A_762 = arith.index_cast %parallel_loop3A_761 : i32 to index
      %parallel_loop3A_763 = arith.index_cast %parallel_loop3A_760 : i32 to index
      %parallel_loop3A_764 = tpu.vector_load %arg11[%parallel_loop3A_762, %parallel_loop3A_763] {strides = array<i32>} : memref<2x4096xi32, #tpu.memory_space<vmem>>, vector<16xi32>,
      %parallel_loop3A_765 = tpu.vector_load_idx %arg9[%parallel_loop3A_764] : memref<100000xf32, #tpu.memory_space<vmem>>[vector<16xi32>], vector<16xf32>,
      %parallel_loop3A_766 = arith.constant 8192 : i32
      %parallel_loop3A_767 = arith.addi %parallel_loop3A_766, %parallel_loop3A_739 : i32
      %parallel_loop3A_768 = arith.constant 16 : i32
      %parallel_loop3A_769 = arith.addi %parallel_loop3A_767, %parallel_loop3A_768 : i32
      %parallel_loop3A_770 = arith.index_cast %parallel_loop3A_769 : i32 to index
      %parallel_loop3A_771 = tpu.vector_load %arg10[%parallel_loop3A_770] {strides = array<i32>} : memref<16384xf32, #tpu.memory_space<vmem>>, vector<16xf32>,
      %parallel_loop3A_772 = arith.mulf %parallel_loop3A_765, %parallel_loop3A_771 : vector<16xf32>
      %parallel_loop3A_773 = arith.addf %parallel_loop3A_741, %parallel_loop3A_772 : vector<16xf32>
      %parallel_loop3A_774 = arith.constant 32 : i32
      %parallel_loop3A_775 = arith.addi %parallel_loop3A_739, %parallel_loop3A_774 : i32
      %parallel_loop3A_776 = arith.constant 0 : i32
      %parallel_loop3A_777 = arith.index_cast %parallel_loop3A_776 : i32 to index
      %parallel_loop3A_778 = arith.index_cast %parallel_loop3A_775 : i32 to index
      %parallel_loop3A_779 = tpu.vector_load %arg11[%parallel_loop3A_777, %parallel_loop3A_778] {strides = array<i32>} : memref<2x4096xi32, #tpu.memory_space<vmem>>, vector<16xi32>,
      %parallel_loop3A_780 = tpu.vector_load_idx %arg9[%parallel_loop3A_779] : memref<100000xf32, #tpu.memory_space<vmem>>[vector<16xi32>], vector<16xf32>,
      %parallel_loop3A_781 = arith.constant 8192 : i32
      %parallel_loop3A_782 = arith.addi %parallel_loop3A_781, %parallel_loop3A_739 : i32
      %parallel_loop3A_783 = arith.constant 32 : i32
      %parallel_loop3A_784 = arith.addi %parallel_loop3A_782, %parallel_loop3A_783 : i32
      %parallel_loop3A_785 = arith.index_cast %parallel_loop3A_784 : i32 to index
      %parallel_loop3A_786 = tpu.vector_load %arg10[%parallel_loop3A_785] {strides = array<i32>} : memref<16384xf32, #tpu.memory_space<vmem>>, vector<16xf32>,
      %parallel_loop3A_787 = arith.mulf %parallel_loop3A_780, %parallel_loop3A_786 : vector<16xf32>
      %parallel_loop3A_788 = arith.addf %parallel_loop3A_742, %parallel_loop3A_787 : vector<16xf32>
      %parallel_loop3A_789 = arith.constant 48 : i32
      %parallel_loop3A_790 = arith.addi %parallel_loop3A_739, %parallel_loop3A_789 : i32
      %parallel_loop3A_791 = arith.constant 0 : i32
      %parallel_loop3A_792 = arith.index_cast %parallel_loop3A_791 : i32 to index
      %parallel_loop3A_793 = arith.index_cast %parallel_loop3A_790 : i32 to index
      %parallel_loop3A_794 = tpu.vector_load %arg11[%parallel_loop3A_792, %parallel_loop3A_793] {strides = array<i32>} : memref<2x4096xi32, #tpu.memory_space<vmem>>, vector<16xi32>,
      %parallel_loop3A_795 = tpu.vector_load_idx %arg9[%parallel_loop3A_794] : memref<100000xf32, #tpu.memory_space<vmem>>[vector<16xi32>], vector<16xf32>,
      %parallel_loop3A_796 = arith.constant 8192 : i32
      %parallel_loop3A_797 = arith.addi %parallel_loop3A_796, %parallel_loop3A_739 : i32
      %parallel_loop3A_798 = arith.constant 48 : i32
      %parallel_loop3A_799 = arith.addi %parallel_loop3A_797, %parallel_loop3A_798 : i32
      %parallel_loop3A_800 = arith.index_cast %parallel_loop3A_799 : i32 to index
      %parallel_loop3A_801 = tpu.vector_load %arg10[%parallel_loop3A_800] {strides = array<i32>} : memref<16384xf32, #tpu.memory_space<vmem>>, vector<16xf32>,
      %parallel_loop3A_802 = arith.mulf %parallel_loop3A_795, %parallel_loop3A_801 : vector<16xf32>
      %parallel_loop3A_803 = arith.addf %parallel_loop3A_743, %parallel_loop3A_802 : vector<16xf32>
      scf.yield %parallel_loop3A_758, %parallel_loop3A_773, %parallel_loop3A_788, %parallel_loop3A_803 : vector<16xf32>, vector<16xf32>, vector<16xf32>, vector<16xf32>
    } {sc.loop_unroll_factor = 1 : i64, sc.parallel_access}
    %dma_wait3A_712 = arith.constant 1 : i32
    %dma_wait3A_713 = arith.constant 1 : i32
    %dma_wait3A_714 = arith.constant 0 : i32
    %dma_wait3A_715 = tpu.memref_slice %arg11[%dma_wait3A_713, %dma_wait3A_714] : memref<2x4096xi32, #tpu.memory_space<vmem>> -> memref<1x4096xi32, #tpu.memory_space<vmem>>
    %dma_wait3A_716 = tpu.memref_squeeze %dma_wait3A_715 : memref<1x4096xi32, #tpu.memory_space<vmem>> -> memref<4096xi32, #tpu.memory_space<vmem>>
    %dma_wait3A_717 = arith.constant 0 : i32
    %dma_wait3A_718 = tpu.memref_slice %arg6[%dma_wait3A_712, %dma_wait3A_717] : memref<2x16384xi32, #tpu.memory_space<hbm>> -> memref<1x16384xi32, #tpu.memory_space<hbm>>
    %dma_wait3A_719 = tpu.memref_squeeze %dma_wait3A_718 : memref<1x16384xi32, #tpu.memory_space<hbm>> -> memref<16384xi32, #tpu.memory_space<hbm>>
    %dma_wait3A_720 = arith.constant 12288 : i32
    %dma_wait3A_721 = tpu.memref_slice %dma_wait3A_719[%dma_wait3A_720] : memref<16384xi32, #tpu.memory_space<hbm>> -> memref<4096xi32, #tpu.memory_space<hbm>>
    %dma_wait3A_722 = arith.constant 0 : i32
    %dma_wait3A_723 = tpu.memref_slice %arg11[%dma_wait3A_713, %dma_wait3A_722] : memref<2x4096xi32, #tpu.memory_space<vmem>> -> memref<1x4096xi32, #tpu.memory_space<vmem>>
    %dma_wait3A_724 = tpu.memref_squeeze %dma_wait3A_723 : memref<1x4096xi32, #tpu.memory_space<vmem>> -> memref<4096xi32, #tpu.memory_space<vmem>>
    %dma_wait3A_725 = arith.constant 0 : i32
    %dma_wait3A_726 = tpu.memref_slice %arg6[%dma_wait3A_712, %dma_wait3A_725] : memref<2x16384xi32, #tpu.memory_space<hbm>> -> memref<1x16384xi32, #tpu.memory_space<hbm>>
    %dma_wait3A_727 = tpu.memref_squeeze %dma_wait3A_726 : memref<1x16384xi32, #tpu.memory_space<hbm>> -> memref<16384xi32, #tpu.memory_space<hbm>>
    %dma_wait3A_728 = arith.constant 12288 : i32
    %dma_wait3A_729 = tpu.memref_slice %dma_wait3A_727[%dma_wait3A_728] : memref<16384xi32, #tpu.memory_space<hbm>> -> memref<4096xi32, #tpu.memory_space<hbm>>
    tpu.wait_dma2 semaphore(%arg21 : memref<!tpu.dma_semaphore, #tpu.memory_space<semaphore_mem>>) src(%dma_wait3A_729 : memref<4096xi32, #tpu.memory_space<hbm>>) dst(%dma_wait3A_724 : memref<4096xi32, #tpu.memory_space<vmem>>)
    %parallel_loop3A_730 = arith.constant 0 : i32
    %parallel_loop3A_731 = arith.constant 4096 : i32
    %parallel_loop3A_732 = arith.constant 64 : i32
    %parallel_loop3A_733:4 = scf.for %parallel_loop3A_739 = %parallel_loop3A_730 to %parallel_loop3A_731 step %parallel_loop3A_732 iter_args(%parallel_loop3A_740 = %parallel_loop3A_711#0, %parallel_loop3A_741 = %parallel_loop3A_711#1, %parallel_loop3A_742 = %parallel_loop3A_711#2, %parallel_loop3A_743 = %parallel_loop3A_711#3) -> (vector<16xf32>, vector<16xf32>, vector<16xf32>, vector<16xf32>)  : i32 {
      %parallel_loop3A_744 = arith.constant 0 : i32
      %parallel_loop3A_745 = arith.addi %parallel_loop3A_739, %parallel_loop3A_744 : i32
      %parallel_loop3A_746 = arith.constant 1 : i32
      %parallel_loop3A_747 = arith.index_cast %parallel_loop3A_746 : i32 to index
      %parallel_loop3A_748 = arith.index_cast %parallel_loop3A_745 : i32 to index
      %parallel_loop3A_749 = tpu.vector_load %arg11[%parallel_loop3A_747, %parallel_loop3A_748] {strides = array<i32>} : memref<2x4096xi32, #tpu.memory_space<vmem>>, vector<16xi32>,
      %parallel_loop3A_750 = tpu.vector_load_idx %arg9[%parallel_loop3A_749] : memref<100000xf32, #tpu.memory_space<vmem>>[vector<16xi32>], vector<16xf32>,
      %parallel_loop3A_751 = arith.constant 12288 : i32
      %parallel_loop3A_752 = arith.addi %parallel_loop3A_751, %parallel_loop3A_739 : i32
      %parallel_loop3A_753 = arith.constant 0 : i32
      %parallel_loop3A_754 = arith.addi %parallel_loop3A_752, %parallel_loop3A_753 : i32
      %parallel_loop3A_755 = arith.index_cast %parallel_loop3A_754 : i32 to index
      %parallel_loop3A_756 = tpu.vector_load %arg10[%parallel_loop3A_755] {strides = array<i32>} : memref<16384xf32, #tpu.memory_space<vmem>>, vector<16xf32>,
      %parallel_loop3A_757 = arith.mulf %parallel_loop3A_750, %parallel_loop3A_756 : vector<16xf32>
      %parallel_loop3A_758 = arith.addf %parallel_loop3A_740, %parallel_loop3A_757 : vector<16xf32>
      %parallel_loop3A_759 = arith.constant 16 : i32
      %parallel_loop3A_760 = arith.addi %parallel_loop3A_739, %parallel_loop3A_759 : i32
      %parallel_loop3A_761 = arith.constant 1 : i32
      %parallel_loop3A_762 = arith.index_cast %parallel_loop3A_761 : i32 to index
      %parallel_loop3A_763 = arith.index_cast %parallel_loop3A_760 : i32 to index
      %parallel_loop3A_764 = tpu.vector_load %arg11[%parallel_loop3A_762, %parallel_loop3A_763] {strides = array<i32>} : memref<2x4096xi32, #tpu.memory_space<vmem>>, vector<16xi32>,
      %parallel_loop3A_765 = tpu.vector_load_idx %arg9[%parallel_loop3A_764] : memref<100000xf32, #tpu.memory_space<vmem>>[vector<16xi32>], vector<16xf32>,
      %parallel_loop3A_766 = arith.constant 12288 : i32
      %parallel_loop3A_767 = arith.addi %parallel_loop3A_766, %parallel_loop3A_739 : i32
      %parallel_loop3A_768 = arith.constant 16 : i32
      %parallel_loop3A_769 = arith.addi %parallel_loop3A_767, %parallel_loop3A_768 : i32
      %parallel_loop3A_770 = arith.index_cast %parallel_loop3A_769 : i32 to index
      %parallel_loop3A_771 = tpu.vector_load %arg10[%parallel_loop3A_770] {strides = array<i32>} : memref<16384xf32, #tpu.memory_space<vmem>>, vector<16xf32>,
      %parallel_loop3A_772 = arith.mulf %parallel_loop3A_765, %parallel_loop3A_771 : vector<16xf32>
      %parallel_loop3A_773 = arith.addf %parallel_loop3A_741, %parallel_loop3A_772 : vector<16xf32>
      %parallel_loop3A_774 = arith.constant 32 : i32
      %parallel_loop3A_775 = arith.addi %parallel_loop3A_739, %parallel_loop3A_774 : i32
      %parallel_loop3A_776 = arith.constant 1 : i32
      %parallel_loop3A_777 = arith.index_cast %parallel_loop3A_776 : i32 to index
      %parallel_loop3A_778 = arith.index_cast %parallel_loop3A_775 : i32 to index
      %parallel_loop3A_779 = tpu.vector_load %arg11[%parallel_loop3A_777, %parallel_loop3A_778] {strides = array<i32>} : memref<2x4096xi32, #tpu.memory_space<vmem>>, vector<16xi32>,
      %parallel_loop3A_780 = tpu.vector_load_idx %arg9[%parallel_loop3A_779] : memref<100000xf32, #tpu.memory_space<vmem>>[vector<16xi32>], vector<16xf32>,
      %parallel_loop3A_781 = arith.constant 12288 : i32
      %parallel_loop3A_782 = arith.addi %parallel_loop3A_781, %parallel_loop3A_739 : i32
      %parallel_loop3A_783 = arith.constant 32 : i32
      %parallel_loop3A_784 = arith.addi %parallel_loop3A_782, %parallel_loop3A_783 : i32
      %parallel_loop3A_785 = arith.index_cast %parallel_loop3A_784 : i32 to index
      %parallel_loop3A_786 = tpu.vector_load %arg10[%parallel_loop3A_785] {strides = array<i32>} : memref<16384xf32, #tpu.memory_space<vmem>>, vector<16xf32>,
      %parallel_loop3A_787 = arith.mulf %parallel_loop3A_780, %parallel_loop3A_786 : vector<16xf32>
      %parallel_loop3A_788 = arith.addf %parallel_loop3A_742, %parallel_loop3A_787 : vector<16xf32>
      %parallel_loop3A_789 = arith.constant 48 : i32
      %parallel_loop3A_790 = arith.addi %parallel_loop3A_739, %parallel_loop3A_789 : i32
      %parallel_loop3A_791 = arith.constant 1 : i32
      %parallel_loop3A_792 = arith.index_cast %parallel_loop3A_791 : i32 to index
      %parallel_loop3A_793 = arith.index_cast %parallel_loop3A_790 : i32 to index
      %parallel_loop3A_794 = tpu.vector_load %arg11[%parallel_loop3A_792, %parallel_loop3A_793] {strides = array<i32>} : memref<2x4096xi32, #tpu.memory_space<vmem>>, vector<16xi32>,
      %parallel_loop3A_795 = tpu.vector_load_idx %arg9[%parallel_loop3A_794] : memref<100000xf32, #tpu.memory_space<vmem>>[vector<16xi32>], vector<16xf32>,
      %parallel_loop3A_796 = arith.constant 12288 : i32
      %parallel_loop3A_797 = arith.addi %parallel_loop3A_796, %parallel_loop3A_739 : i32
      %parallel_loop3A_798 = arith.constant 48 : i32
      %parallel_loop3A_799 = arith.addi %parallel_loop3A_797, %parallel_loop3A_798 : i32
      %parallel_loop3A_800 = arith.index_cast %parallel_loop3A_799 : i32 to index
      %parallel_loop3A_801 = tpu.vector_load %arg10[%parallel_loop3A_800] {strides = array<i32>} : memref<16384xf32, #tpu.memory_space<vmem>>, vector<16xf32>,
      %parallel_loop3A_802 = arith.mulf %parallel_loop3A_795, %parallel_loop3A_801 : vector<16xf32>
      %parallel_loop3A_803 = arith.addf %parallel_loop3A_743, %parallel_loop3A_802 : vector<16xf32>
      scf.yield %parallel_loop3A_758, %parallel_loop3A_773, %parallel_loop3A_788, %parallel_loop3A_803 : vector<16xf32>, vector<16xf32>, vector<16xf32>, vector<16xf32>
    } {sc.loop_unroll_factor = 1 : i64, sc.parallel_access}
    %add3A_734 = arith.addf %parallel_loop3A_733#0, %parallel_loop3A_733#1 : vector<16xf32>
    %add3A_735 = arith.addf %add3A_734, %parallel_loop3A_733#2 : vector<16xf32>
    %add3A_736 = arith.addf %add3A_735, %parallel_loop3A_733#3 : vector<16xf32>
    %swap3A_737 = arith.constant 0 : index
    %swap3A_738 = tpu.vector_load %arg17[%swap3A_737] {strides = array<i32>} : memref<16xf32, #tpu.memory_space<vmem>>, vector<16xf32>,
    tpu.vector_store %arg17[%swap3A_737], %add3A_736 {strides = array<i32>} : memref<16xf32, #tpu.memory_space<vmem>>, vector<16xf32>,
    "tpu.region"() ({
      %run_scoped3A_739 = tpu.sem_alloc : memref<!tpu.dma_semaphore, #tpu.memory_space<semaphore_mem>>
      %dma_start3A_740 = arith.constant 0 : i32
      %dma_start3A_741 = tpu.memref_slice %arg7[%add3A, %dma_start3A_740] : memref<32x16xf32, #tpu.memory_space<hbm>> -> memref<1x16xf32, #tpu.memory_space<hbm>>
      %dma_start3A_742 = tpu.memref_squeeze %dma_start3A_741 : memref<1x16xf32, #tpu.memory_space<hbm>> -> memref<16xf32, #tpu.memory_space<hbm>>
      %dma_start3A_743 = arith.constant 0 : i32
      %dma_start3A_744 = tpu.memref_slice %arg7[%add3A, %dma_start3A_743] : memref<32x16xf32, #tpu.memory_space<hbm>> -> memref<1x16xf32, #tpu.memory_space<hbm>>
      %dma_start3A_745 = tpu.memref_squeeze %dma_start3A_744 : memref<1x16xf32, #tpu.memory_space<hbm>> -> memref<16xf32, #tpu.memory_space<hbm>>
      tpu.enqueue_dma source(%arg17 : memref<16xf32, #tpu.memory_space<vmem>>) target(%dma_start3A_745 : memref<16xf32, #tpu.memory_space<hbm>>) target_semaphore(%run_scoped3A_739 : memref<!tpu.dma_semaphore, #tpu.memory_space<semaphore_mem>>)
      %dma_wait3A_746 = arith.constant 0 : i32
      %dma_wait3A_747 = tpu.memref_slice %arg7[%add3A, %dma_wait3A_746] : memref<32x16xf32, #tpu.memory_space<hbm>> -> memref<1x16xf32, #tpu.memory_space<hbm>>
      %dma_wait3A_748 = tpu.memref_squeeze %dma_wait3A_747 : memref<1x16xf32, #tpu.memory_space<hbm>> -> memref<16xf32, #tpu.memory_space<hbm>>
      %dma_wait3A_749 = arith.constant 0 : i32
      %dma_wait3A_750 = tpu.memref_slice %arg7[%add3A, %dma_wait3A_749] : memref<32x16xf32, #tpu.memory_space<hbm>> -> memref<1x16xf32, #tpu.memory_space<hbm>>
      %dma_wait3A_751 = tpu.memref_squeeze %dma_wait3A_750 : memref<1x16xf32, #tpu.memory_space<hbm>> -> memref<16xf32, #tpu.memory_space<hbm>>
      tpu.wait_dma2 semaphore(%run_scoped3A_739 : memref<!tpu.dma_semaphore, #tpu.memory_space<semaphore_mem>>) src(%arg17 : memref<16xf32, #tpu.memory_space<vmem>>) dst(%dma_wait3A_751 : memref<16xf32, #tpu.memory_space<hbm>>)
      tpu.yield
    }) : () -> ()
    return
  }
}

module attributes {stable_mosaic.version = 14 : i64} {
  func.func @_tc_epilogue(%arg0: memref<32x16xf32, #tpu.memory_space<vmem>>, %arg1: memref<128x128xf32, #tpu.memory_space<vmem>>, %arg2: memref<128x128xf32, #tpu.memory_space<vmem>>) attributes {dimension_semantics = [], scalar_prefetch = 0 : i64, scratch_operands = 0 : i64, tpu.core_type = #tpu.core_type<tc>} {
    %get3A = arith.constant 0 : index
    %get3A_0 = arith.constant 0 : index
    %get3A_1 = vector.load %arg0[%get3A, %get3A_0] : memref<32x16xf32, #tpu.memory_space<vmem>>, vector<32x16xf32>
    %reduce_sum3A = vector.shape_cast %get3A_1 : vector<32x16xf32> to vector<1x32x16xf32>
    %reduce_sum3A_2 = arith.constant dense<0.000000e+00> : vector<1xf32>
    %reduce_sum3A_3 = vector.multi_reduction <add>, %reduce_sum3A, %reduce_sum3A_2 [1, 2] : vector<1x32x16xf32> to vector<1xf32>
    %reduce_sum3A_4 = vector.shape_cast %reduce_sum3A_3 : vector<1xf32> to vector<1x1x1xf32>
    %reduce_sum3A_5 = vector.extract %reduce_sum3A_4[0, 0, 0] : f32 from vector<1x1x1xf32>
    %get3A_6 = arith.constant 0 : index
    %get3A_7 = arith.constant 0 : index
    %get3A_8 = vector.load %arg1[%get3A_6, %get3A_7] : memref<128x128xf32, #tpu.memory_space<vmem>>, vector<128x128xf32>
    %add3A = vector.broadcast %reduce_sum3A_5 : f32 to vector<128x128xf32>
    %add3A_9 = arith.addf %get3A_8, %add3A : vector<128x128xf32>
    %logistic3A = arith.negf %add3A_9 : vector<128x128xf32>
    %logistic3A_10 = math.exp %logistic3A : vector<128x128xf32>
    %logistic3A_11 = arith.constant 1.000000e+00 : f32
    %logistic3A_12 = vector.broadcast %logistic3A_11 : f32 to vector<128x128xf32>
    %logistic3A_13 = arith.addf %logistic3A_12, %logistic3A_10 : vector<128x128xf32>
    %logistic3A_14 = arith.divf %logistic3A_12, %logistic3A_13 : vector<128x128xf32>
    %swap3A = arith.constant 0 : index
    %swap3A_15 = arith.constant 0 : index
    %swap3A_16 = vector.load %arg2[%swap3A, %swap3A_15] : memref<128x128xf32, #tpu.memory_space<vmem>>, vector<128x128xf32>
    tpu.vector_store %arg2[%swap3A, %swap3A_15], %logistic3A_14 {strides = array<i32>} : memref<128x128xf32, #tpu.memory_space<vmem>>, vector<128x128xf32>,
    return
  }
}

</mosaic_0001>

<sc_bundles>
// kernel: kernel.4.cloned.1.call-start
scs
__scs_entry_jumppad:
0x0: {  	(pc) =	sbr.rel $0x88, $3  }
0x1: {  	(tag) =	ssettag $0x0;
	lr =	simm.s32 $0x1  }
0x2: {  	[smem:$0x3F9C] =	sst lr;
	_ =	strace $0xD0000000  }
0x3: {  	_ = 	snop  }
0x4: {  	_ = 	snop  }
0x5: {  	_ = 	snop  }
0x6: {  	_ = 	snop  }
0x7: {  	_ = 	snop  }
__scs_overlays_trampoline_lowered:
0x8: {  	[smem:$0x3FAB] =	sst s0  }
0x9: {  	[smem:$0x3FAC] =	sst s1  }
0xa: {  	[smem:$0x3FAD] =	sst s2  }
0xb: {  	[smem:$0x3FAE] =	sst s3  }
0xc: {  	[smem:$0x3FAF] =	sst s4  }
0xd: {  	[smem:$0x3FB0] =	sst s5  }
0xe: {  	[smem:$0x3FB1] =	sst s6  }
0xf: {  	[smem:$0x3FB2] =	sst s7  }
0x10: {  	[smem:$0x3FB3] =	sst s8  }
0x11: {  	[smem:$0x3FB4] =	sst s9;
	s0 =	simm.s32 @!p0 $0x0  }
0x12: {  	s1 =	sld [smem:$0x3F9A];
	s0 =	simm.s32 @p0 $0x1  }
0x13: {  	[smem:$0x3FB5] =	sst s0;
	s0 =	simm.s32 @!p1 $0x0  }
0x14: {  	s2 =	sld [smem:$0x3F99];
	s0 =	simm.s32 @p1 $0x1  }
0x15: {  	[smem:$0x3FB6] =	sst s0;
	s0 =	simm.s32 @!p2 $0x0  }
0x16: {  	s3 =	sld [smem:$0x3FDB];
	s0 =	simm.s32 @p2 $0x1  }
0x17: {  	s4 =	simm.s32 $0x1BF5;
	[smem:$0x3FB8] =	sst s0  }
0x18: {  	s0 =	sld [smem:$0x3F9B];
	_ =	swait.ge [sflag:s4], $0x0  }
0x19: {  	s7 =	sld [smem:$0x3F9C]  }
0x1a: {  	s8 =	sadd.s32 $0xFFFFE003, lr  }
0x1b: {  	s9 =	sadd.s32 $0xFFFFFEF7, lr;
	s5 =	simm.s32 $0xFFFFFFFF;
	p2 =	slt.u32 s8, $0xFFFFF086  }
0x1c: {  	p1 =	slt.u32 s9, $0xF7A;
	s5 =	simm.s32 @!p2 $0x0  }
0x1d: {  	s5 =	simm.s32 @p1 $0x1;
	p0 =	seq.s32 s7, s2  }
0x1e: {  	s7 =	smul.u32 @!p0 $0xF7A, s2;
	p2 =	seq.s32 @!p0 s5, $0x0  }
0x1f: {  	s9 =	smul.u32 $0xF7A, s1;
	s8 =	simm.s32 @!p0 $0x1BF5;
	p2 =	por !p2, p0  }
0x20: {  	[sflag:s8] =	ssyncset.s32 @!p0 $0xFFFFF086;
	s6 =	sadd.s32 @!p0 s3, s7;
	s7 =	simm.s32 @!p0 $0x108  }
0x21: {  	s3 =	sadd.s32 s3, s9;
	s6 =	sadd.s32 @!p0 $0x88, s6;
	s7 =	simm.s32 @p2 $0x1082  }
0x22: {  	[simem:s7], [sflag:s8] =	dma.local @!p0 [hbm:s6], $0xF7A  }
0x23: {  	s9 =	sor.u32 $0xD0000000, s2;
	s6 =	simm.s32 $0x108;
	_ =	swait.ge @!p0 [sflag:s8], $0x0  }
0x24: {  	s3 =	sadd.s32 $0x88, s3;
	s6 =	simm.s32 @!p1 $0x1082;
	[sflag:s4] =	ssyncset.s32 $0xFFFFF086  }
0x25: {  	[simem:s6], [sflag:s4] =	dma.local [hbm:s3], $0xF7A  }
0x26: {  	[smem:$0x3F9C] =	sst s1;
	(tag) =	ssettag s2;
	_ =	strace s9  }
0x27: {  	s1 =	sld [smem:$0x3FAC]  }
0x28: {  	s2 =	sld [smem:$0x3FAD]  }
0x29: {  	s4 =	sld [smem:$0x3FAF]  }
0x2a: {  	p0 =	seq.s32 s5, $0x0;
	s5 =	sld [smem:$0x3FB0]  }
0x2b: {  	s6 =	sld [smem:$0x3FB1]  }
0x2c: {  	s7 =	sld [smem:$0x3FB2]  }
0x2d: {  	s3 =	simm.s32 $0x108;
	s8 =	sld [smem:$0x3FB3]  }
0x2e: {  	s3 =	simm.s32 @!p0 $0x1082;
	s9 =	sld [smem:$0x3FB4]  }
0x2f: {  	lr =	sadd.s32 s0, s3;
	s0 =	sld [smem:$0x3FAB]  }
0x30: {  	s3 =	sld [smem:$0x3FAE]  }
0x31: {  	[smem:$0x3FB7] =	sst s10  }
0x32: {  	s10 =	sld [smem:$0x3FB5];
	_ =	sdelay $0x3  }
0x33: {  	p0 =	seq.s32 s10, $0x1;
	s10 =	sld [smem:$0x3FB7];
	_ =	sdelay $0x3  }
0x34: {  	[smem:$0x3FB7] =	sst s10  }
0x35: {  	s10 =	sld [smem:$0x3FB6];
	_ =	sdelay $0x3  }
0x36: {  	p1 =	seq.s32 s10, $0x1;
	s10 =	sld [smem:$0x3FB7];
	_ =	sdelay $0x3  }
0x37: {  	[smem:$0x3FB7] =	sst s10  }
0x38: {  	s10 =	sld [smem:$0x3FB8]  }
0x39: {  	_ = 	snop;
	(pc) =	sbr.ind lr, $3  }
0x3a: {  	_ = 	snop  }
0x3b: {  	_ = 	snop  }
0x3c: {  	p2 =	seq.s32 s10, $0x1;
	s10 =	sld [smem:$0x3FB7]  }
0x3d: {  	_ =	shalt  }
0x3e: {  	_ =	shalt  }
0x3f: {  	_ =	shalt  }
0x40: {  	_ =	shalt  }
0x41: {  	_ =	shalt  }
0x42: {  	_ =	shalt  }
0x43: {  	_ =	shalt  }
0x44: {  	_ =	shalt  }
0x45: {  	_ =	shalt  }
0x46: {  	_ =	shalt  }
0x47: {  	_ =	shalt  }
0x48: {  	_ =	shalt  }
0x49: {  	_ =	shalt  }
0x4a: {  	_ =	shalt  }
0x4b: {  	_ =	shalt  }
0x4c: {  	_ =	shalt  }
0x4d: {  	_ =	shalt  }
0x4e: {  	_ =	shalt  }
0x4f: {  	_ =	shalt  }
0x50: {  	_ =	shalt  }
0x51: {  	_ =	shalt  }
0x52: {  	_ =	shalt  }
0x53: {  	_ =	shalt  }
0x54: {  	_ =	shalt  }
0x55: {  	_ =	shalt  }
0x56: {  	_ =	shalt  }
0x57: {  	_ =	shalt  }
0x58: {  	_ =	shalt  }
0x59: {  	_ =	shalt  }
0x5a: {  	_ =	shalt  }
0x5b: {  	_ =	shalt  }
0x5c: {  	_ =	shalt  }
0x5d: {  	_ =	shalt  }
0x5e: {  	_ =	shalt  }
0x5f: {  	_ =	shalt  }
0x60: {  	_ =	shalt  }
0x61: {  	_ =	shalt  }
0x62: {  	_ =	shalt  }
0x63: {  	_ =	shalt  }
0x64: {  	_ =	shalt  }
0x65: {  	_ =	shalt  }
0x66: {  	_ =	shalt  }
0x67: {  	_ =	shalt  }
0x68: {  	_ =	shalt  }
0x69: {  	_ =	shalt  }
0x6a: {  	_ =	shalt  }
0x6b: {  	_ =	shalt  }
0x6c: {  	_ =	shalt  }
0x6d: {  	_ =	shalt  }
0x6e: {  	_ =	shalt  }
0x6f: {  	_ =	shalt  }
0x70: {  	_ =	shalt  }
0x71: {  	_ =	shalt  }
0x72: {  	_ =	shalt  }
0x73: {  	_ =	shalt  }
0x74: {  	_ =	shalt  }
0x75: {  	_ =	shalt  }
0x76: {  	_ =	shalt  }
0x77: {  	_ =	shalt  }
0x78: {  	_ =	shalt  }
0x79: {  	_ =	shalt  }
0x7a: {  	_ =	shalt  }
0x7b: {  	_ =	shalt  }
0x7c: {  	_ =	shalt  }
0x7d: {  	_ =	shalt  }
0x7e: {  	_ =	shalt  }
0x7f: {  	_ =	shalt  }
0x80: {  	_ =	shalt  }
0x81: {  	_ =	shalt  }
0x82: {  	_ =	shalt  }
0x83: {  	_ =	shalt  }
0x84: {  	_ =	shalt  }
0x85: {  	_ =	shalt  }
0x86: {  	_ =	shalt  }
0x87: {  	_ =	shalt  }
.Lfunc_end0:
.L_simem_size_0:
called_computation_lowered:
.L_overlay_start_0:
0x88: {  	s2 =	sld [smem:$0x3FD9]  }
0x89: {  	s3 =	sld [smem:$0x3FFE];
	_ =	sdelay $0x1  }
0x8a: {  	s1 =	srdreg.scid  }
0x8b: {  	s0 =	sand.u32 $0x1, s1  }
0x8c: {  	s17 =	sshll.u32 s0, $0xA;
	s2 =	sadd.s32 s3, s2  }
0x8d: {  	s2 =	sadd.s32 s2, s17  }
0x8e: {  	[smem:$0x3FC3] =	sst s2  }
0x8f: {  	_ = 	snop  }
0x90: {  	s2 =	sld [smem:$0x3FC9]  }
0x91: {  	s18 =	sld [smem:$0x3FC8]  }
0x92: {  	s4 =	sld [smem:$0x3FC7]  }
0x93: {  	s5 =	sld [smem:$0x3FC6]  }
0x94: {  	s6 =	sld [smem:$0x3FC5]  }
0x95: {  	s7 =	sld [smem:$0x3FD0];
	(tm) =	ssettm $0x1  }
0x96: {  	s8 =	sld [smem:$0x3FFB];
	_ =	sdelay $0x3  }
0x97: {  	_ =	strace s8  }
0x98: {  	s8 =	sld [smem:$0x3FFC];
	_ =	sdelay $0x3  }
0x99: {  	_ =	strace s8  }
0x9a: {  	s8 =	sld [smem:$0x3FFD];
	_ =	sdelay $0x3  }
0x9b: {  	_ =	strace s8  }
0x9c: {  	_ =	strace $0x8FFFFFFF  }
0x9d: {  	s19 =	sld [smem:$0x3FDB];
	_ =	sdelay $0x1  }
0x9e: {  	s9 =	simm.s32 $_scs_section_size  }
0x9f: {  	s10 =	simm.s32 $_size__tile_overlayer_lowered;
	s11 =	simm.s32 $_tile_overlayer_lowered  }
0xa0: {  	s22 =	simm.s32 $0x1BFF;
	s21 =	sshll.u32 s11, $0x1;
	s8 =	sadd.s32 s9, s19  }
0xa1: {  	s12 =	simm.s32 $0x0;
	s20 =	sshll.u32 s10, $0x1;
	s10 =	sadd.s32 s21, s8  }
0xa2: {  	[timem:s12], [sflag:s22] =	dma.local [hbm:s10], s20  }
0xa3: {  	_ =	swait.ge [sflag:s22], s20  }
0xa4: {  	s9 =	ssub.s32 $0x0, s20;
	[sflag:s22] =	ssyncset.done $0x0  }
0xa5: {  	[sflag:s22] =	ssyncadd.s32 s9;
	_ =	sdelay $0x1  }
0xa6: {  	s23 =	simm.s32 $0x1B8B  }
0xa7: {  	_ =	swait.ge [sflag:s23], $0x1  }
0xa8: {  	[sflag:s23] =	ssyncset.done $0x0  }
0xa9: {  	s25 =	simm.s32 $0x1B8E;
	s24 =	sld [smem:$0x3FFE];
	[sflag:s23] =	ssyncadd.s32 $0xFFFFFFFF  }
0xaa: {  	s26 =	simm.s32 $execute0_lowered;
	[smem:$0x3FD2] =	sst s25  }
0xab: {  	s10 =	sshll.u32 s26, $0x1;
	_ =	strace $0x80000046;
	[dreg:$0x1] =	wrdreg $0xFFFFFFFF  }
0xac: {  	s28 =	simm.s32 $_size_execute0_lowered;
	s8 =	sadd.s32 s8, s10;
	[dreg:$0x0] =	wrdreg $0x0  }
0xad: {  	s10 =	sshll.u32 s28, $0x1;
	[dreg:$0x2] =	wrdreg s8  }
0xae: {  	[dreg:$0x3] =	wrdreg s10  }
0xaf: {  	[dreg:$0x4] =	wrdreg $0xC0  }
0xb0: {  	_ =	task [dreg:s12], $0x5FFFF  }
0xb1: {  	[dreg:$0x1] =	wrdreg $0xFFFFFFFF  }
0xb2: {  	[dreg:$0x0] =	wrdreg $0x60  }
0xb3: {  	[dreg:$0x2] =	wrdreg s18  }
0xb4: {  	[dreg:$0x3] =	wrdreg s4  }
0xb5: {  	[dreg:$0x4] =	wrdreg s5  }
0xb6: {  	[dreg:$0x5] =	wrdreg s6  }
0xb7: {  	[dreg:$0x6] =	wrdreg s2  }
0xb8: {  	[dreg:$0x7] =	wrdreg s24  }
0xb9: {  	[dreg:$0x8] =	wrdreg s7  }
0xba: {  	[dreg:$0x9] =	wrdreg $0x9  }
0xbb: {  	_ =	task.clear_ibuf [dreg:s12], $0xAFFFF;
	_ =	strace $0x90000046  }
0xbc: {  	s29 =	simm.s32 $0x9;
	_ =	strace $0x80000048  }
0xbd: {  	_ =	swait.ge [sflag:s29], $0x1  }
0xbe: {  	[sflag:s29] =	ssyncadd.s32 $0xFFFFFFFF  }
0xbf: {  	_ =	strace $0x90000048  }
0xc0: {  	_ =	sfence  }
0xc1: {  	s30 =	sld [smem:$0x0];
	_ =	sdelay $0x2  }
0xc2: {  	s31 =	sshll.u32 s1, $0xD;
	s1 =	sshrl.u32 s1, $0x2  }
0xc3: {  	s3 =	sand.u32 $0x4000, s31;
	s1 =	sadd.s32 s1, s30  }
0xc4: {  	s0 =	sor.u32 s3, s0;
	s1 =	sshll.u32 s1, $0x11  }
0xc5: {  	s0 =	sor.u32 s1, s0  }
0xc6: {  	s0 =	sadd.s32 $0x8F2B, s0  }
0xc7: {  	[sflag:s0] =	ssyncadd.remote.s32 $0x1  }
0xc8: {  	_ =	sfence.sel $0xFFFF  }
0xc9: {  	[dreg:$0x0] =	wrdreg $0xFFFFFFFF;
	(pc) =	sbr.abs _section_cstart, $3  }
0xca: {  	[dreg:$0x1] =	wrdreg $0xFFFFFFFF  }
0xcb: {  	_ =	task.clear_ibuf [dreg:s12], $0x2FFFF;
	_ =	strace $0x9FFFFFFF  }
0xcc: {  	(tm) =	ssettm $0x7FFFFFFF  }
0xcd: {  	_ =	shalt  }
tec
execute0_lowered:
.L_overlay_start_1:
0x0: {  	(tag) =	ssettag $0x1  }
0x1: {  	s0 =	rddreg [dreg:$0x0]  }
0x2: {  	s1 =	rddreg [dreg:$0x1]  }
0x3: {  	s3 =	rddreg [dreg:$0x4]  }
0x4: {  	s2 =	rddreg [dreg:$0x5];
	s4 =	srdreg.scid  }
0x5: {  	s8 =	stileid.u32;
	s6 =	rddreg [dreg:$0x6];
	s5 =	simm.s32 $0x0  }
0x6: {  	s19 =	simm.s32 $0x80;
	s20 =	simm.s32 $0x400;
	s21 =	simm.s32 $0x5  }
0x7: {  	s22 =	simm.s32 $0x2;
	s28 =	simm.s32 $0x3;
	s30 =	simm.s32 $0x4  }
0x8: {  	s31 =	simm.s32 $0x1;
	s4 =	sand.u32 $0x1, s4;
	s7 =	sshll.u32 s8, $0x1  }
0x9: {  	[smem:$0x7FF] =	sst s5;
	s8 =	sshrl.u32 s8, $0x2;
	s7 =	sor.u32 s4, s7  }
0xa: {  	s10 =	sshll.u32 s8, $0xA;
	s8 =	smul.u32 $0xC3800, s8;
	s4 =	ssub.s32 $0x2, s4  }
0xb: {  	_ =	strace $0x80000047;
	s12 =	sshll.u32 s7, $0x7;
	s11 =	sshrl.u32 s4, $0x1  }
0xc: {  	s23 =	sshll.u32 s7, $0x6;
	s9 =	sand.u32 $0x380, s12;
	s4 =	ssub.s32 s4, s11  }
0xd: {  	s24 =	sadd.s32 s3, s12;
	s11 =	sadd.s32 $0xC00, s3;
	s8 =	sor.u32 s8, s9  }
0xe: {  	[dreg:$0x9] =	wrdreg s24;
	s26 =	smax.u32 s4, $0x1;
	s13 =	sshrl.u32 s8, $0x3  }
0xf: {  	s10 =	sor.u32 s10, s9;
	[dreg:$0xd] =	wrdreg s26;
	s0 =	sadd.s32 s0, s13  }
0x10: {  	s8 =	sadd.s32 $0x10, s3;
	s1 =	sadd.s32 s1, s13;
	[dreg:$0x8] =	wrdreg s0  }
0x11: {  	s10 =	sshrl.u32 s10, $0x3;
	s29 =	sadd.s32 s12, s8;
	[dreg:$0xa] =	wrdreg s1  }
0x12: {  	s2 =	sadd.s32 s10, s2;
	s0 =	sadd.s32 s6, s23;
	[dreg:$0xe] =	wrdreg s29  }
0x13: {  	s9 =	sadd.s32 $0x400, s3;
	s25 =	sadd.s32 $0xC00, s2;
	[dreg:$0xb] =	wrdreg s0  }
0x14: {  	s10 =	sadd.s32 $0x800, s3;
	s23 =	simm.s32 $0x0;
	[dreg:$0xc] =	wrdreg s25  }
.LBB2_1:
0x15: {  	s0 =	rddreg [dreg:$0x8]  }
0x16: {  	[tilespmem:s5], [sflag:$0x2] =	stream.strided.gather [hbm4b:s0+s19], $0x18700, s20, s19, $0x38;
	[tilespmem:$0x1F180] =	vst v63  }
0x17: {  	s25 =	rddreg [dreg:$0x9];
	s1 =	simm.s32 $0x100;
	s2 =	simm.s32 $0x1E700  }
0x18: {  	[tilespmem:s2], [sflag:$0x5] =	stream.strided.gather [hbm4b:s25+s19], $0x200, s1, s19, $0x38;
	[tilespmem:$0x1F180] =	vst v63  }
0x19: {  	_ =	swait.ge [sflag:s21], $0x200  }
0x1a: {  	[sflag:s21] =	ssyncset.done $0x0  }
0x1b: {  	s4 =	simm.s32 $0x1E900;
	s26 =	rddreg [dreg:$0xe];
	[sflag:s21] =	ssyncadd.s32 $0xFFFFFE00  }
0x1c: {  	[tilespmem:s4], [sflag:$0x5] =	stream.strided.gather [hbm4b:s26+s19], $0x200, s1, s19, $0x38;
	[tilespmem:$0x1F180] =	vst v63  }
0x1d: {  	_ =	swait.ge [sflag:s21], $0x200  }
0x1e: {  	[sflag:s21] =	ssyncset.done $0x0  }
0x1f: {  	[sflag:s21] =	ssyncadd.s32 $0xFFFFFE00  }
0x20: {  	s6 =	simm.s32 $0x1EB00;
	s29 =	rddreg [dreg:$0x2]  }
0x21: {  	[tilespmem:s6], [sflag:$0x1] =	stream.indirect.gather [hbm4b:s29+s19], $0x1, s2, s19, $0xb8;
	[tilespmem:$0x1F180] =	vst v63  }
0x22: {  	s12 =	simm.s32 $0x1ED00;
	s7 =	rddreg [dreg:$0x3]  }
0x23: {  	[tilespmem:s12], [sflag:$0x1] =	stream.indirect.gather [hbm4b:s7+s19], $0x1, s4, s19, $0xb8;
	[tilespmem:$0x1F180] =	vst v63  }
0x24: {  	s13 =	simm.s32 $0x1E780;
	s14 =	simm.s32 $0x1EB80  }
0x25: {  	[tilespmem:s14], [sflag:$0x1] =	stream.indirect.gather [hbm4b:s29+s19], $0x1, s13, s19, $0xb8;
	[tilespmem:$0x1F180] =	vst v63  }
0x26: {  	s15 =	simm.s32 $0x1E980;
	s16 =	simm.s32 $0x1ED80  }
0x27: {  	[tilespmem:s16], [sflag:$0x1] =	stream.indirect.gather [hbm4b:s7+s19], $0x1, s15, s19, $0xb8;
	[tilespmem:$0x1F180] =	vst v63  }
0x28: {  	s17 =	simm.s32 $0x1E800;
	s18 =	simm.s32 $0x1EC00;
	s24 =	simm.s32 $0x1E880  }
0x29: {  	[tilespmem:s18], [sflag:$0x1] =	stream.indirect.gather [hbm4b:s29+s19], $0x1, s17, s19, $0xb8;
	[tilespmem:$0x1F180] =	vst v63  }
0x2a: {  	s20 =	simm.s32 $0x1EA00;
	s0 =	simm.s32 $0x1C700;
	s21 =	simm.s32 $0x1EE00  }
0x2b: {  	[tilespmem:s21], [sflag:$0x1] =	stream.indirect.gather [hbm4b:s7+s19], $0x1, s20, s19, $0xb8;
	[tilespmem:$0x1F180] =	vst v63  }
0x2c: {  	s25 =	simm.s32 $0x1EC80;
	s26 =	simm.s32 $0x1EA80;
	s1 =	simm.s32 $0x20  }
0x2d: {  	[tilespmem:s25], [sflag:$0x1] =	stream.indirect.gather [hbm4b:s29+s19], $0x1, s24, s19, $0xb8;
	[tilespmem:$0x1F180] =	vst v63  }
0x2e: {  	s2 =	simm.s32 $0x1C800;
	s4 =	sadd.s32 $0x0, s3;
	s29 =	simm.s32 $0x1EE80  }
0x2f: {  	[tilespmem:s29], [sflag:$0x1] =	stream.indirect.gather [hbm4b:s7+s19], $0x1, s26, s19, $0xb8;
	[tilespmem:$0x1F180] =	vst v63  }
.LBB2_2:
0x30: {  	[tilespmem:s0], [sflag:$0x3] =	stream.linear.gather [hbm4b:s4+s5], $0x80, $0x38;
	[tilespmem:$0x1F180] =	vst v63  }
0x31: {  	s4 =	smov.u32 s1;
	s0 =	smov.u32 s2;
	p0 =	sne.s32 s1, $0x3E0  }
.Ltmp0:
0x32: {  	s1 =	sadd.s32 $0x20, s1;
	(pc) =	sbr.rel @p0 .LBB2_2-.Ltmp0, $2  }
0x33: {  	_ =	sdelay $0x2  }
0x34: {  	s2 =	sadd.s32 $0x100, s2;
	s4 =	sadd.s32 s4, s3  }
0x35: {  	[tilespmem:s0], [sflag:$0x3] =	stream.linear.gather [hbm4b:s4+s5], $0x80, $0x38;
	[tilespmem:$0x1F180] =	vst v63  }
0x36: {  	s0 =	simm.s32 $0x1C780  }
0x37: {  	s1 =	simm.s32 $0x20;
	s4 =	sadd.s32 $0x0, s9;
	s2 =	simm.s32 $0x1C880  }
.LBB2_4:
0x38: {  	[tilespmem:s0], [sflag:$0x4] =	stream.linear.gather [hbm4b:s4+s5], $0x80, $0x38;
	[tilespmem:$0x1F180] =	vst v63  }
0x39: {  	s4 =	smov.u32 s1;
	s0 =	smov.u32 s2;
	p0 =	sne.s32 s1, $0x3E0  }
.Ltmp1:
0x3a: {  	s1 =	sadd.s32 $0x20, s1;
	(pc) =	sbr.rel @p0 .LBB2_4-.Ltmp1, $2  }
0x3b: {  	_ =	sdelay $0x2  }
0x3c: {  	s2 =	sadd.s32 $0x100, s2;
	s4 =	sadd.s32 s4, s9  }
0x3d: {  	[tilespmem:s0], [sflag:$0x4] =	stream.linear.gather [hbm4b:s4+s5], $0x80, $0x38;
	[tilespmem:$0x1F180] =	vst v63  }
0x3e: {  	_ =	swait.ge [sflag:s22], $0x18700  }
0x3f: {  	s26 =	simm.s32 $0x0;
	[sflag:s22] =	ssyncset.done $0x0  }
0x40: {  	s0 =	sand.u32 $0x7C00, s26;
	[sflag:s22] =	ssyncadd.s32 $0xFFFE7900  }
0x41: {  	s29 =	simm.s32 $0x0;
	s0 =	sshrl.u32 s0, $0x2;
	_ =	swait.ge [sflag:s28], $0x1000  }
0x42: {  	s2 =	sand.u32 $0x40, s29;
	s0 =	sadd.s32 $0x1C700, s0;
	[sflag:s28] =	ssyncset.done $0x0  }
0x43: {  	s1 =	sor.u32 s2, s0;
	[sflag:s28] =	ssyncadd.s32 $0xFFFFF000  }
0x44: {  	v0 =	vld [tilespmem:s1+$0x0];
	_ =	sdelay $0x4  }
0x45: {  	s16 =	simm.s32 $0x200  }
0x46: {  	s1 =	sand.u32 $0x7C00, s16  }
0x47: {  	s6 =	simm.s32 $0x40;
	s1 =	sshrl.u32 s1, $0x2  }
0x48: {  	s12 =	sand.u32 $0x40, s6;
	s24 =	sadd.s32 $0x1C700, s1;
	v0 =	vld.idx.msk [tilespmem:v0+s5+$0x0], $0xffff  }
0x49: {  	s1 =	sor.u32 s12, s24  }
0x4a: {  	v1 =	vld [tilespmem:s1+$0x0];
	_ =	sdelay $0x1  }
0x4b: {  	s7 =	simm.s32 $0x18700;
	s13 =	sor.u32 $0x10, s2  }
0x4c: {  	s17 =	sor.u32 s13, s0;
	[tilespmem:s7+$0x0] =	vst v0  }
0x4d: {  	s18 =	simm.s32 $0x400;
	v0 =	vld [tilespmem:s17+$0x0]  }
0x4e: {  	s1 =	sand.u32 $0x7C00, s18  }
0x4f: {  	s14 =	sshrl.u32 s1, $0x2;
	s7 =	simm.s32 $0x80  }
0x50: {  	s25 =	sadd.s32 $0x1C700, s14;
	s1 =	sand.u32 $0x40, s7  }
0x51: {  	v1 =	vld.idx.msk [tilespmem:v1+s5+$0x0], $0xffff;
	s14 =	sor.u32 s1, s25  }
0x52: {  	v2 =	vld [tilespmem:s14+$0x0];
	_ =	sdelay $0x2  }
0x53: {  	v0 =	vld.idx.msk [tilespmem:v0+s5+$0x0], $0xffff  }
0x54: {  	s15 =	simm.s32 $0x18740;
	s19 =	sor.u32 $0x10, s12  }
0x55: {  	s4 =	sand.u32 $0xF80, s29;
	s20 =	sor.u32 s19, s24;
	[tilespmem:s15+$0x0] =	vst v1  }
0x56: {  	s4 =	sadd.s32 $0x18700, s4;
	v1 =	vld [tilespmem:s20+$0x0]  }
0x57: {  	s21 =	sor.u32 $0x20, s2;
	s13 =	sor.u32 s13, s4  }
0x58: {  	s22 =	sor.u32 s21, s0;
	v2 =	vld.idx.msk [tilespmem:v2+s5+$0x0], $0xffff;
	[tilespmem:s13+$0x0] =	vst v0  }
0x59: {  	v0 =	vld [tilespmem:s22+$0x0];
	_ =	sdelay $0x1  }
0x5a: {  	s26 =	simm.s32 $0x600  }
0x5b: {  	s29 =	simm.s32 $0x18780;
	s13 =	sand.u32 $0x7C00, s26  }
0x5c: {  	s16 =	sor.u32 $0x10, s1;
	s22 =	simm.s32 $0xC0;
	s13 =	sshrl.u32 s13, $0x2  }
0x5d: {  	s17 =	sor.u32 s16, s25;
	v1 =	vld.idx.msk [tilespmem:v1+s5+$0x0], $0xffff;
	s18 =	sand.u32 $0x40, s22;
	s26 =	sadd.s32 $0x1C700, s13;
	[tilespmem:s29+$0x0] =	vst v2  }
0x5e: {  	s13 =	sor.u32 s18, s26;
	v2 =	vld [tilespmem:s17+$0x0]  }
0x5f: {  	v3 =	vld [tilespmem:s13+$0x0]  }
0x60: {  	s6 =	sand.u32 $0xF80, s6;
	v0 =	vld.idx.msk [tilespmem:v0+s5+$0x0], $0xffff  }
0x61: {  	s17 =	sadd.s32 $0x18700, s6  }
0x62: {  	s20 =	sor.u32 $0x20, s12;
	s6 =	sor.u32 s19, s17  }
0x63: {  	s19 =	sor.u32 s20, s24;
	[tilespmem:s6+$0x0] =	vst v1  }
0x64: {  	s21 =	sor.u32 s21, s4;
	s29 =	simm.s32 $0x800;
	s13 =	sor.u32 $0x30, s2;
	v1 =	vld [tilespmem:s19+$0x0]  }
0x65: {  	s0 =	sor.u32 s13, s0;
	s6 =	sand.u32 $0x7C00, s29;
	[tilespmem:s21+$0x0] =	vst v0  }
0x66: {  	s15 =	simm.s32 $0x100;
	v0 =	vld [tilespmem:s0+$0x0];
	s0 =	sshrl.u32 s6, $0x2  }
0x67: {  	v3 =	vld.idx.msk [tilespmem:v3+s5+$0x0], $0xffff;
	s6 =	sand.u32 $0x40, s15;
	s19 =	sadd.s32 $0x1C700, s0  }
0x68: {  	v5 =	vld.idx.msk [tilespmem:v2+s5+$0x0], $0xffff;
	s0 =	sor.u32 s6, s19  }
0x69: {  	v4 =	vld [tilespmem:s0+$0x0];
	_ =	sdelay $0x1  }
0x6a: {  	s7 =	sand.u32 $0xF80, s7;
	s14 =	sor.u32 $0x10, s18;
	s0 =	simm.s32 $0x187C0  }
0x6b: {  	s7 =	sadd.s32 $0x18700, s7;
	s21 =	sor.u32 s14, s26;
	v2 =	vld.idx.msk [tilespmem:v1+s5+$0x0], $0xffff;
	[tilespmem:s0+$0x0] =	vst v3  }
0x6c: {  	s2 =	sor.u32 s16, s7;
	v3 =	vld [tilespmem:s21+$0x0];
	s21 =	sor.u32 $0x20, s1  }
0x6d: {  	[tilespmem:s2+$0x0] =	vst v5;
	s29 =	sor.u32 s21, s25  }
0x6e: {  	s28 =	simm.s32 $0xA00;
	v1 =	vld [tilespmem:s29+$0x0]  }
0x6f: {  	s12 =	sor.u32 $0x30, s12;
	s16 =	sor.u32 s20, s17;
	s2 =	simm.s32 $0x100;
	v0 =	vld.idx.msk [tilespmem:v0+s5+$0x0], $0xffff  }
.LBB2_6:
0x70: {  	s20 =	sand.u32 $0x7C00, s28;
	v5 =	vld.idx.msk [tilespmem:v4+s5+$0x0], $0xffff;
	[tilespmem:s16+$0x0] =	vst v2;
	s16 =	sor.u32 s12, s24;
	s29 =	smov.u32 s1  }
0x71: {  	s1 =	smov.u32 s18;
	s18 =	smov.u32 s6;
	s24 =	smov.u32 s25  }
0x72: {  	s15 =	sadd.s32 $0x40, s15;
	s25 =	smov.u32 s26;
	s20 =	sshrl.u32 s20, $0x2;
	v6 =	vld [tilespmem:s16+$0x0]  }
0x73: {  	s4 =	sor.u32 s13, s4;
	s6 =	sand.u32 $0x40, s15;
	s16 =	sadd.s32 $0x1C700, s20  }
0x74: {  	s26 =	smov.u32 s19;
	p0 =	slt.u32 s15, $0xFC0;
	s13 =	sor.u32 s6, s16;
	v7 =	vld.idx.msk [tilespmem:v3+s5+$0x0], $0xffff;
	[tilespmem:s4+$0x0] =	vst v0  }
0x75: {  	s19 =	smov.u32 s16;
	s4 =	smov.u32 s17;
	s17 =	smov.u32 s7;
	v4 =	vld [tilespmem:s13+$0x0]  }
0x76: {  	s0 =	sadd.s32 $0x40, s0;
	s16 =	smov.u32 s21;
	s13 =	sor.u32 $0x10, s18  }
0x77: {  	s20 =	sand.u32 $0xF80, s22;
	s22 =	smov.u32 s2;
	s7 =	sor.u32 s13, s26;
	[tilespmem:s0+$0x0] =	vst v5;
	v2 =	vld.idx.msk [tilespmem:v1+s5+$0x0], $0xffff  }
.Ltmp2:
0x78: {  	s2 =	smov.u32 s15;
	v3 =	vld [tilespmem:s7+$0x0];
	s7 =	sadd.s32 $0x18700, s20;
	(pc) =	sbr.rel @p0 .LBB2_6-.Ltmp2, $4  }
0x79: {  	s21 =	sor.u32 $0x20, s1;
	s20 =	sor.u32 s14, s7;
	s14 =	smov.u32 s13  }
0x7a: {  	s13 =	smov.u32 s12;
	[tilespmem:s20+$0x0] =	vst v7;
	s20 =	sor.u32 s21, s25;
	v0 =	vld.idx.msk [tilespmem:v6+s5+$0x0], $0xffff  }
0x7b: {  	v1 =	vld [tilespmem:s20+$0x0]  }
0x7c: {  	s28 =	sadd.s32 $0x200, s28;
	s16 =	sor.u32 s16, s17;
	s12 =	sor.u32 $0x30, s29  }
0x7d: {  	_ =	sdelay $0x3  }
0x7e: {  	v4 =	vld.idx.msk [tilespmem:v4+s5+$0x0], $0xffff;
	_ =	sdelay $0x3  }
0x7f: {  	s15 =	sor.u32 $0x10, s6;
	s0 =	sadd.s32 $0x40, s0  }
0x80: {  	s20 =	sor.u32 s15, s19;
	[tilespmem:s0+$0x0] =	vst v4  }
0x81: {  	v4 =	vld [tilespmem:s20+$0x0];
	_ =	sdelay $0x6  }
0x82: {  	v3 =	vld.idx.msk [tilespmem:v3+s5+$0x0], $0xffff  }
0x83: {  	v4 =	vld.idx.msk [tilespmem:v4+s5+$0x0], $0xffff  }
0x84: {  	s28 =	sand.u32 $0xF80, s22  }
0x85: {  	s2 =	sand.u32 $0xF80, s2;
	s0 =	sadd.s32 $0x18700, s28  }
0x86: {  	s2 =	sadd.s32 $0x18700, s2;
	s14 =	sor.u32 s14, s0;
	s20 =	sor.u32 $0x20, s18  }
0x87: {  	s22 =	sor.u32 $0x20, s6;
	s15 =	sor.u32 s15, s2;
	[tilespmem:s14+$0x0] =	vst v3;
	s29 =	sor.u32 s20, s26  }
0x88: {  	v3 =	vld [tilespmem:s29+$0x0];
	[tilespmem:s15+$0x0] =	vst v4;
	s15 =	sor.u32 s22, s19  }
0x89: {  	v4 =	vld [tilespmem:s15+$0x0];
	_ =	sdelay $0x5  }
0x8a: {  	v1 =	vld.idx.msk [tilespmem:v1+s5+$0x0], $0xffff  }
0x8b: {  	v3 =	vld.idx.msk [tilespmem:v3+s5+$0x0], $0xffff  }
0x8c: {  	v4 =	vld.idx.msk [tilespmem:v4+s5+$0x0], $0xffff;
	_ =	sdelay $0x1  }
0x8d: {  	[tilespmem:s16+$0x0] =	vst v2;
	s1 =	sor.u32 $0x30, s1;
	s28 =	sor.u32 s12, s24;
	s29 =	sor.u32 s21, s7  }
0x8e: {  	v2 =	vld [tilespmem:s28+$0x0];
	s16 =	sor.u32 s20, s0;
	s20 =	sor.u32 $0x30, s18;
	[tilespmem:s29+$0x0] =	vst v1;
	s15 =	sor.u32 s1, s25  }
0x8f: {  	s24 =	sor.u32 s22, s2;
	s21 =	sor.u32 s20, s26;
	s25 =	sor.u32 $0x30, s6;
	v1 =	vld [tilespmem:s15+$0x0];
	[tilespmem:s16+$0x0] =	vst v3  }
0x90: {  	s26 =	sor.u32 s25, s19;
	v3 =	vld [tilespmem:s21+$0x0];
	[tilespmem:s24+$0x0] =	vst v4  }
0x91: {  	v4 =	vld [tilespmem:s26+$0x0];
	_ =	sdelay $0x4  }
0x92: {  	v2 =	vld.idx.msk [tilespmem:v2+s5+$0x0], $0xffff  }
0x93: {  	v1 =	vld.idx.msk [tilespmem:v1+s5+$0x0], $0xffff  }
0x94: {  	v3 =	vld.idx.msk [tilespmem:v3+s5+$0x0], $0xffff  }
0x95: {  	s4 =	sor.u32 s13, s4;
	v4 =	vld.idx.msk [tilespmem:v4+s5+$0x0], $0xffff  }
0x96: {  	[tilespmem:s4+$0x0] =	vst v0;
	s28 =	sor.u32 s12, s17  }
0x97: {  	[tilespmem:s28+$0x0] =	vst v2;
	s1 =	sor.u32 s1, s7  }
0x98: {  	s0 =	sor.u32 s20, s0;
	[tilespmem:s1+$0x0] =	vst v1  }
0x99: {  	s4 =	sadd.s32 $0x0, s10;
	s29 =	sor.u32 s25, s2;
	[tilespmem:s0+$0x0] =	vst v3  }
0x9a: {  	s2 =	simm.s32 $0x1C800;
	s1 =	simm.s32 $0x20;
	s0 =	simm.s32 $0x1C700;
	[tilespmem:s29+$0x0] =	vst v4  }
.LBB2_8:
0x9b: {  	[tilespmem:s0], [sflag:$0x3] =	stream.linear.gather [hbm4b:s4+s5], $0x80, $0x38;
	[tilespmem:$0x1F180] =	vst v63  }
0x9c: {  	s4 =	smov.u32 s1;
	s0 =	smov.u32 s2;
	p0 =	sne.s32 s1, $0x3E0  }
.Ltmp3:
0x9d: {  	s1 =	sadd.s32 $0x20, s1;
	(pc) =	sbr.rel @p0 .LBB2_8-.Ltmp3, $2  }
0x9e: {  	_ =	sdelay $0x2  }
0x9f: {  	s2 =	sadd.s32 $0x100, s2;
	s4 =	sadd.s32 s4, s10  }
0xa0: {  	[tilespmem:s0], [sflag:$0x3] =	stream.linear.gather [hbm4b:s4+s5], $0x80, $0x38;
	[tilespmem:$0x1F180] =	vst v63  }
0xa1: {  	p0 =	por $0x0, $0x0;
	s0 =	simm.s32 $0x1  }
0xa2: {  	s0 =	simm.s32 @!p0 $0x0  }
0xa3: {  	_ =	swait.ge [sflag:s30], $0x1000;
	s0 =	sshll.u32 s0, $0x6  }
0xa4: {  	[sflag:s30] =	ssyncset.done $0x0;
	s0 =	sadd.s32 $0x0, s0  }
0xa5: {  	[sflag:s30] =	ssyncadd.s32 $0xFFFFF000;
	s1 =	sor.u32 $0x80, s0  }
0xa6: {  	v0 =	vld [tilespmem:s1+$0x1C700];
	_ =	sdelay $0x3  }
0xa7: {  	p0 =	por !p0, !p0;
	s1 =	simm.s32 $0x1  }
0xa8: {  	s1 =	simm.s32 @!p0 $0x0  }
0xa9: {  	s1 =	sshll.u32 s1, $0x6  }
0xaa: {  	s6 =	sadd.s32 $0x80, s1  }
0xab: {  	s2 =	simm.s32 $0x1;
	p0 =	por !p0, !p0;
	s1 =	sor.u32 $0x80, s6;
	v0 =	vld.idx.msk [tilespmem:v0+s5+$0x0], $0xffff  }
0xac: {  	s2 =	simm.s32 @!p0 $0x0;
	v1 =	vld [tilespmem:s1+$0x1C700]  }
0xad: {  	s2 =	sshll.u32 s2, $0x6  }
0xae: {  	s13 =	simm.s32 $0x0;
	s24 =	sadd.s32 $0x100, s2  }
0xaf: {  	s1 =	sand.u32 $0xFC0, s13;
	s15 =	sor.u32 $0x80, s24  }
0xb0: {  	s14 =	sor.u32 $0x90, s0;
	p0 =	por !p0, !p0;
	s2 =	simm.s32 $0x1;
	v2 =	vld [tilespmem:s15+$0x1C700];
	[tilespmem:s1+$0x19700] =	vst v0  }
0xb1: {  	s2 =	simm.s32 @!p0 $0x0;
	v0 =	vld [tilespmem:s14+$0x1C700]  }
0xb2: {  	s2 =	sshll.u32 s2, $0x6  }
0xb3: {  	s26 =	sadd.s32 $0x180, s2  }
0xb4: {  	s18 =	sor.u32 $0x80, s26;
	v1 =	vld.idx.msk [tilespmem:v1+s5+$0x0], $0xffff  }
0xb5: {  	v3 =	vld [tilespmem:s18+$0x1C700];
	_ =	sdelay $0x1  }
0xb6: {  	s16 =	simm.s32 $0x40  }
0xb7: {  	s1 =	sand.u32 $0xFC0, s16;
	v2 =	vld.idx.msk [tilespmem:v2+s5+$0x0], $0xffff  }
0xb8: {  	s17 =	sor.u32 $0x90, s6;
	[tilespmem:s1+$0x19700] =	vst v1;
	v0 =	vld.idx.msk [tilespmem:v0+s5+$0x0], $0xffff  }
0xb9: {  	v1 =	vld [tilespmem:s17+$0x1C700]  }
0xba: {  	s19 =	simm.s32 $0x80  }
0xbb: {  	s1 =	sand.u32 $0xFC0, s19  }
0xbc: {  	s25 =	simm.s32 $0x19730;
	s21 =	sor.u32 $0x90, s24;
	v3 =	vld.idx.msk [tilespmem:v3+s5+$0x0], $0xffff;
	[tilespmem:s1+$0x19700] =	vst v2  }
0xbd: {  	s20 =	sor.u32 $0xA0, s0;
	p0 =	por !p0, !p0;
	s2 =	simm.s32 $0x1;
	v2 =	vld [tilespmem:s21+$0x1C700];
	[tilespmem:s25+$0xFFFFFFE0] =	vst v0  }
0xbe: {  	s2 =	simm.s32 @!p0 $0x0;
	v0 =	vld [tilespmem:s20+$0x1C700]  }
0xbf: {  	s22 =	sshll.u32 s2, $0x6  }
0xc0: {  	s4 =	sadd.s32 $0x200, s22  }
0xc1: {  	s29 =	simm.s32 $0xC0;
	s1 =	sor.u32 $0x80, s4;
	v1 =	vld.idx.msk [tilespmem:v1+s5+$0x0], $0xffff  }
0xc2: {  	s2 =	sand.u32 $0xFC0, s29;
	v4 =	vld [tilespmem:s1+$0x1C700]  }
0xc3: {  	s13 =	sor.u32 $0x90, s26;
	[tilespmem:s2+$0x19700] =	vst v3  }
0xc4: {  	s12 =	simm.s32 $0x1;
	p0 =	por !p0, !p0;
	v3 =	vld [tilespmem:s13+$0x1C700]  }
0xc5: {  	s12 =	simm.s32 @!p0 $0x0;
	s1 =	simm.s32 $0x19770;
	v2 =	vld.idx.msk [tilespmem:v2+s5+$0x0], $0xffff  }
0xc6: {  	s7 =	sor.u32 $0xA0, s6;
	s12 =	sshll.u32 s12, $0x6;
	[tilespmem:s1+$0xFFFFFFE0] =	vst v1;
	v0 =	vld.idx.msk [tilespmem:v0+s5+$0x0], $0xffff  }
0xc7: {  	s18 =	sadd.s32 $0x280, s12;
	v1 =	vld [tilespmem:s7+$0x1C700]  }
0xc8: {  	s14 =	sor.u32 $0x80, s18  }
0xc9: {  	v6 =	vld [tilespmem:s14+$0x1C700];
	s17 =	simm.s32 $0x197B0  }
0xca: {  	s15 =	sor.u32 $0xA0, s24;
	v4 =	vld.idx.msk [tilespmem:v4+s5+$0x0], $0xffff;
	[tilespmem:s17+$0xFFFFFFE0] =	vst v2  }
0xcb: {  	s0 =	sor.u32 $0xB0, s0;
	p0 =	por !p0, !p0;
	s2 =	simm.s32 $0x1;
	v7 =	vld [tilespmem:s15+$0x1C700];
	[tilespmem:s25+$0xFFFFFFF0] =	vst v0  }
0xcc: {  	s2 =	simm.s32 @!p0 $0x0;
	v0 =	vld [tilespmem:s0+$0x1C700]  }
0xcd: {  	s19 =	sshll.u32 s2, $0x6  }
0xce: {  	s16 =	simm.s32 $0x100;
	s19 =	sadd.s32 $0x300, s19;
	v3 =	vld.idx.msk [tilespmem:v3+s5+$0x0], $0xffff  }
0xcf: {  	s22 =	sor.u32 $0x80, s19;
	s20 =	sand.u32 $0xFC0, s16;
	v1 =	vld.idx.msk [tilespmem:v1+s5+$0x0], $0xffff  }
0xd0: {  	s21 =	sor.u32 $0x90, s4;
	v5 =	vld [tilespmem:s22+$0x1C700];
	[tilespmem:s20+$0x19700] =	vst v4  }
0xd1: {  	v2 =	vld [tilespmem:s21+$0x1C700]  }
0xd2: {  	s29 =	sor.u32 $0xB0, s6;
	s6 =	simm.s32 $0x197F0;
	v4 =	vld.idx.msk [tilespmem:v6+s5+$0x0], $0xffff  }
0xd3: {  	s28 =	simm.s32 $0x3;
	s12 =	simm.s32 $0x300;
	s14 =	sor.u32 $0xA0, s26;
	[tilespmem:s6+$0xFFFFFFE0] =	vst v3;
	v3 =	vld.idx.msk [tilespmem:v7+s5+$0x0], $0xffff  }
0xd4: {  	s13 =	simm.s32 $0x1C0;
	p0 =	por !p0, !p0;
	s2 =	simm.s32 $0x1C0;
	[tilespmem:s1+$0xFFFFFFF0] =	vst v1;
	v1 =	vld.idx.msk [tilespmem:v0+s5+$0x0], $0xffff  }
0xd5: {  	s22 =	simm.s32 $0x197F0;
	s7 =	simm.s32 $0x140;
	s0 =	simm.s32 $0x180;
	v0 =	vld [tilespmem:s29+$0x1C700]  }
.LBB2_10:
0xd6: {  	s15 =	simm.s32 $0x1  }
0xd7: {  	s13 =	sadd.s32 $0x40, s13;
	v6 =	vld [tilespmem:s14+$0x1C700];
	v7 =	vmov v5;
	s15 =	simm.s32 @!p0 $0x0  }
0xd8: {  	s12 =	sadd.s32 $0x80, s12;
	s7 =	sand.u32 $0xFC0, s7;
	s14 =	sshll.u32 s15, $0x6  }
0xd9: {  	p1 =	slt.u32 s13, $0xFC0;
	s14 =	sadd.s32 s14, s12;
	[tilespmem:s7+$0x19700] =	vst v4;
	s7 =	sor.u32 $0x90, s18;
	v8 =	vld.idx.msk [tilespmem:v2+s5+$0x0], $0xffff  }
0xda: {  	s15 =	sor.u32 $0x80, s14;
	v2 =	vld [tilespmem:s7+$0x1C700];
	[tilespmem:s25+$0x0] =	vst v1;
	s7 =	smov.u32 s0;
	s0 =	smov.u32 s2  }
.Ltmp4:
0xdb: {  	s2 =	smov.u32 s13;
	s25 =	smov.u32 s1;
	v5 =	vld [tilespmem:s15+$0x1C700];
	(pc) =	sbr.rel @p1 .LBB2_10-.Ltmp4, $4  }
0xdc: {  	s6 =	sadd.s32 $0x40, s6;
	s1 =	sor.u32 $0xB0, s24;
	s24 =	smov.u32 s26;
	v4 =	vld.idx.msk [tilespmem:v7+s5+$0x0], $0xffff;
	[tilespmem:s17+$0xFFFFFFF0] =	vst v3  }
0xdd: {  	s26 =	smov.u32 s4;
	s4 =	smov.u32 s18;
	s18 =	smov.u32 s19;
	v1 =	vld.idx.msk [tilespmem:v0+s5+$0x0], $0xffff  }
0xde: {  	s19 =	smov.u32 s14;
	v0 =	vld [tilespmem:s1+$0x1C700];
	s1 =	smov.u32 s17;
	s17 =	smov.u32 s22  }
0xdf: {  	p0 =	por !p0, !p0;
	s14 =	sor.u32 $0xA0, s26;
	s22 =	smov.u32 s6;
	[tilespmem:s6+$0xFFFFFFE0] =	vst v8;
	v3 =	vld.idx.msk [tilespmem:v6+s5+$0x0], $0xffff  }
0xe0: {  	s13 =	simm.s32 $0x1  }
0xe1: {  	s13 =	simm.s32 @!p0 $0x0  }
0xe2: {  	s12 =	sadd.s32 $0x80, s12;
	s13 =	sshll.u32 s13, $0x6  }
0xe3: {  	s12 =	sadd.s32 s13, s12  }
0xe4: {  	s13 =	sor.u32 $0x80, s12  }
0xe5: {  	v6 =	vld [tilespmem:s13+$0x1C700];
	_ =	sdelay $0x6  }
0xe6: {  	v5 =	vld.idx.msk [tilespmem:v5+s5+$0x0], $0xffff  }
0xe7: {  	v6 =	vld.idx.msk [tilespmem:v6+s5+$0x0], $0xffff  }
0xe8: {  	s7 =	sand.u32 $0xFC0, s7  }
0xe9: {  	s15 =	sor.u32 $0x90, s18;
	[tilespmem:s7+$0x19700] =	vst v4  }
0xea: {  	s0 =	sand.u32 $0xFC0, s0;
	v4 =	vld [tilespmem:s15+$0x1C700]  }
0xeb: {  	s16 =	sor.u32 $0x90, s19;
	s2 =	sand.u32 $0xFC0, s2;
	[tilespmem:s0+$0x19700] =	vst v5  }
0xec: {  	s20 =	sor.u32 $0x90, s12;
	v5 =	vld [tilespmem:s16+$0x1C700];
	[tilespmem:s2+$0x19700] =	vst v6  }
0xed: {  	v6 =	vld [tilespmem:s20+$0x1C700];
	_ =	sdelay $0x3  }
0xee: {  	v2 =	vld.idx.msk [tilespmem:v2+s5+$0x0], $0xffff  }
0xef: {  	v4 =	vld.idx.msk [tilespmem:v4+s5+$0x0], $0xffff;
	_ =	sdelay $0x1  }
0xf0: {  	v5 =	vld.idx.msk [tilespmem:v5+s5+$0x0], $0xffff  }
0xf1: {  	s0 =	sadd.s32 $0x40, s6;
	v6 =	vld.idx.msk [tilespmem:v6+s5+$0x0], $0xffff  }
0xf2: {  	v7 =	vld [tilespmem:s14+$0x1C700];
	s21 =	sor.u32 $0xA0, s4;
	[tilespmem:s0+$0xFFFFFFE0] =	vst v2;
	s6 =	sadd.s32 $0x40, s0  }
0xf3: {  	s29 =	sor.u32 $0xA0, s18;
	v2 =	vld [tilespmem:s21+$0x1C700];
	[tilespmem:s6+$0xFFFFFFE0] =	vst v4  }
0xf4: {  	s7 =	sadd.s32 $0x40, s6;
	v4 =	vld [tilespmem:s29+$0x1C700]  }
0xf5: {  	s13 =	sor.u32 $0xA0, s19;
	s14 =	sadd.s32 $0x40, s7;
	[tilespmem:s7+$0xFFFFFFE0] =	vst v5  }
0xf6: {  	s15 =	sor.u32 $0xA0, s12;
	v5 =	vld [tilespmem:s13+$0x1C700];
	[tilespmem:s14+$0xFFFFFFE0] =	vst v6  }
0xf7: {  	v6 =	vld [tilespmem:s15+$0x1C700];
	_ =	sdelay $0x2  }
0xf8: {  	v7 =	vld.idx.msk [tilespmem:v7+s5+$0x0], $0xffff  }
0xf9: {  	v2 =	vld.idx.msk [tilespmem:v2+s5+$0x0], $0xffff  }
0xfa: {  	v4 =	vld.idx.msk [tilespmem:v4+s5+$0x0], $0xffff;
	_ =	sdelay $0x1  }
0xfb: {  	v5 =	vld.idx.msk [tilespmem:v5+s5+$0x0], $0xffff  }
0xfc: {  	[tilespmem:s22+$0xFFFFFFF0] =	vst v7;
	s20 =	sor.u32 $0xB0, s26;
	v60 =	vld.idx.msk [tilespmem:v6+s5+$0x0], $0xffff  }
0xfd: {  	s21 =	sor.u32 $0xB0, s4;
	v7 =	vld [tilespmem:s20+$0x1C700];
	[tilespmem:s0+$0xFFFFFFF0] =	vst v2  }
0xfe: {  	s16 =	sor.u32 $0xB0, s24;
	s24 =	sor.u32 $0xB0, s18;
	v2 =	vld [tilespmem:s21+$0x1C700];
	[tilespmem:s6+$0xFFFFFFF0] =	vst v4  }
0xff: {  	[tilespmem:s17+$0xFFFFFFF0] =	vst v3;
	v4 =	vld [tilespmem:s24+$0x1C700]  }
0x100: {  	v61 =	vld [tilespmem:s16+$0x1C700];
	s26 =	sor.u32 $0xB0, s19;
	[tilespmem:s7+$0xFFFFFFF0] =	vst v5  }
0x101: {  	s29 =	sor.u32 $0xB0, s12;
	v5 =	vld [tilespmem:s26+$0x1C700];
	[tilespmem:s14+$0xFFFFFFF0] =	vst v60  }
0x102: {  	v3 =	vld [tilespmem:s29+$0x1C700];
	_ =	sdelay $0x1  }
0x103: {  	v0 =	vld.idx.msk [tilespmem:v0+s5+$0x0], $0xffff  }
0x104: {  	v7 =	vld.idx.msk [tilespmem:v7+s5+$0x0], $0xffff  }
0x105: {  	v2 =	vld.idx.msk [tilespmem:v2+s5+$0x0], $0xffff  }
0x106: {  	v62 =	vld.idx.msk [tilespmem:v4+s5+$0x0], $0xffff  }
0x107: {  	[tilespmem:s25+$0x0] =	vst v1;
	v6 =	vld.idx.msk [tilespmem:v61+s5+$0x0], $0xffff  }
0x108: {  	[tilespmem:s1+$0x0] =	vst v0;
	v63 =	vld.idx.msk [tilespmem:v5+s5+$0x0], $0xffff  }
0x109: {  	[tilespmem:s22+$0x0] =	vst v7;
	v3 =	vld.idx.msk [tilespmem:v3+s5+$0x0], $0xffff  }
0x10a: {  	[tilespmem:s0+$0x0] =	vst v2  }
0x10b: {  	[tilespmem:s6+$0x0] =	vst v62  }
0x10c: {  	[tilespmem:s17+$0x0] =	vst v6  }
0x10d: {  	s4 =	sadd.s32 $0x0, s11;
	[tilespmem:s7+$0x0] =	vst v63  }
0x10e: {  	s1 =	simm.s32 $0x20;
	s2 =	simm.s32 $0x1C880;
	s0 =	simm.s32 $0x1C780;
	[tilespmem:s14+$0x0] =	vst v3  }
.LBB2_12:
0x10f: {  	[tilespmem:s0], [sflag:$0x4] =	stream.linear.gather [hbm4b:s4+s5], $0x80, $0x38;
	[tilespmem:$0x1F180] =	vst v63  }
0x110: {  	s4 =	smov.u32 s1;
	s0 =	smov.u32 s2;
	p0 =	sne.s32 s1, $0x3E0  }
.Ltmp5:
0x111: {  	s1 =	sadd.s32 $0x20, s1;
	(pc) =	sbr.rel @p0 .LBB2_12-.Ltmp5, $2  }
0x112: {  	_ =	sdelay $0x2  }
0x113: {  	s2 =	sadd.s32 $0x100, s2;
	s4 =	sadd.s32 s4, s11  }
0x114: {  	[tilespmem:s0], [sflag:$0x4] =	stream.linear.gather [hbm4b:s4+s5], $0x80, $0x38;
	[tilespmem:$0x1F180] =	vst v63  }
0x115: {  	s24 =	simm.s32 $0x0;
	s18 =	simm.s32 $0x0;
	_ =	swait.ge [sflag:s28], $0x1000  }
0x116: {  	s1 =	sand.u32 $0x40, s18;
	s2 =	sand.u32 $0x1F00, s24;
	[sflag:s28] =	ssyncset.done $0x0  }
0x117: {  	s1 =	sor.u32 s1, s2;
	[sflag:s28] =	ssyncadd.s32 $0xFFFFF000  }
0x118: {  	v0 =	vld [tilespmem:s1+$0x1C700]  }
0x119: {  	s19 =	simm.s32 $0x40;
	s20 =	simm.s32 $0x80  }
0x11a: {  	s6 =	sand.u32 $0x40, s19;
	s2 =	sand.u32 $0x1F00, s20  }
0x11b: {  	s6 =	sor.u32 s6, s2  }
0x11c: {  	v1 =	vld [tilespmem:s6+$0x1C700];
	_ =	sdelay $0x1  }
0x11d: {  	s7 =	simm.s32 $0x80;
	s21 =	simm.s32 $0x100  }
0x11e: {  	s12 =	sand.u32 $0x40, s7;
	s2 =	sand.u32 $0x1F00, s21  }
0x11f: {  	s12 =	sor.u32 s12, s2;
	v0 =	vld.idx.msk [tilespmem:v0+s24+$0x0], $0xffff  }
0x120: {  	v2 =	vld [tilespmem:s12+$0x1C700];
	_ =	sdelay $0x2  }
0x121: {  	s0 =	sand.u32 $0xFC0, s18;
	v1 =	vld.idx.msk [tilespmem:v1+s24+$0x0], $0xffff  }
0x122: {  	s2 =	sadd.s32 $0x1C700, s1;
	[tilespmem:s0+$0x1A700] =	vst v0  }
0x123: {  	v0 =	vld [tilespmem:s2+$0x10]  }
0x124: {  	s22 =	simm.s32 $0xC0;
	s26 =	simm.s32 $0x180  }
0x125: {  	s13 =	sand.u32 $0x40, s22;
	s4 =	sand.u32 $0xFC0, s19;
	s0 =	sand.u32 $0x1F00, s26  }
0x126: {  	[tilespmem:s4+$0x1A700] =	vst v1;
	v1 =	vld.idx.msk [tilespmem:v2+s24+$0x0], $0xffff;
	s13 =	sor.u32 s13, s0  }
0x127: {  	v3 =	vld [tilespmem:s13+$0x1C700];
	_ =	sdelay $0x1  }
0x128: {  	s29 =	simm.s32 $0x100;
	s17 =	simm.s32 $0x200;
	s0 =	sadd.s32 $0x1C700, s6  }
0x129: {  	s14 =	sand.u32 $0x40, s29;
	s7 =	sand.u32 $0xFC0, s7;
	s6 =	sand.u32 $0x1F00, s17;
	v2 =	vld [tilespmem:s0+$0x10]  }
0x12a: {  	s18 =	simm.s32 $0x280;
	s6 =	sor.u32 s14, s6;
	s14 =	simm.s32 $0x140;
	v0 =	vld.idx.msk [tilespmem:v0+s24+$0x0], $0xffff  }
0x12b: {  	s26 =	sadd.s32 $0x1C700, s12;
	v4 =	vld [tilespmem:s6+$0x1C700];
	s19 =	sand.u32 $0x40, s14;
	[tilespmem:s7+$0x1A700] =	vst v1;
	s7 =	sand.u32 $0x1F00, s18  }
0x12c: {  	v1 =	vld [tilespmem:s26+$0x10];
	s15 =	sor.u32 s19, s7  }
0x12d: {  	v5 =	vld [tilespmem:s15+$0x1C700]  }
0x12e: {  	s25 =	simm.s32 $0x1A730;
	v3 =	vld.idx.msk [tilespmem:v3+s24+$0x0], $0xffff  }
0x12f: {  	s20 =	simm.s32 $0x300;
	s17 =	sadd.s32 $0x1C700, s13;
	s13 =	simm.s32 $0x180;
	[tilespmem:s25+$0xFFFFFFE0] =	vst v0  }
0x130: {  	s21 =	sand.u32 $0x40, s13;
	s7 =	sand.u32 $0x1F00, s20;
	v0 =	vld [tilespmem:s2+$0x20]  }
0x131: {  	s16 =	sor.u32 s21, s7;
	v2 =	vld.idx.msk [tilespmem:v2+s24+$0x0], $0xffff  }
0x132: {  	s1 =	sand.u32 $0xFC0, s22;
	v6 =	vld [tilespmem:s16+$0x1C700]  }
0x133: {  	[tilespmem:s1+$0x1A700] =	vst v3;
	v3 =	vld.idx.msk [tilespmem:v4+s24+$0x0], $0xffff  }
0x134: {  	v4 =	vld [tilespmem:s17+$0x10]  }
0x135: {  	v1 =	vld.idx.msk [tilespmem:v1+s24+$0x0], $0xffff;
	s1 =	simm.s32 $0x1A770  }
0x136: {  	v5 =	vld.idx.msk [tilespmem:v5+s24+$0x0], $0xffff;
	[tilespmem:s1+$0xFFFFFFE0] =	vst v2  }
0x137: {  	s22 =	simm.s32 $0x380;
	s4 =	sand.u32 $0xFC0, s29;
	s7 =	simm.s32 $0x1C0;
	v2 =	vld [tilespmem:s0+$0x20]  }
0x138: {  	s18 =	sadd.s32 $0x1C700, s6;
	s6 =	sand.u32 $0x1F00, s22;
	s29 =	sand.u32 $0x40, s7;
	[tilespmem:s4+$0x1A700] =	vst v3;
	v0 =	vld.idx.msk [tilespmem:v0+s24+$0x0], $0xffff  }
0x139: {  	s12 =	sor.u32 s29, s6;
	s4 =	simm.s32 $0x1A7B0;
	v3 =	vld [tilespmem:s18+$0x10]  }
0x13a: {  	v9 =	vld [tilespmem:s12+$0x1C700];
	[tilespmem:s4+$0xFFFFFFE0] =	vst v1  }
0x13b: {  	s19 =	sand.u32 $0xFC0, s14;
	v7 =	vld [tilespmem:s26+$0x20]  }
0x13c: {  	[tilespmem:s19+$0x1A700] =	vst v5;
	v1 =	vld.idx.msk [tilespmem:v4+s24+$0x0], $0xffff  }
0x13d: {  	v5 =	vld.idx.msk [tilespmem:v6+s24+$0x0], $0xffff;
	[tilespmem:s25+$0xFFFFFFF0] =	vst v0  }
0x13e: {  	v0 =	vld [tilespmem:s2+$0x30]  }
0x13f: {  	s22 =	sadd.s32 $0x1C700, s15;
	v8 =	vld.idx.msk [tilespmem:v2+s24+$0x0], $0xffff  }
0x140: {  	s19 =	simm.s32 $0x1A7F0;
	v4 =	vld [tilespmem:s22+$0x10]  }
0x141: {  	s14 =	simm.s32 $0x200;
	s15 =	simm.s32 $0x400;
	[tilespmem:s19+$0xFFFFFFE0] =	vst v1;
	v10 =	vld.idx.msk [tilespmem:v3+s24+$0x0], $0xffff  }
0x142: {  	s20 =	sand.u32 $0x40, s14;
	s21 =	sand.u32 $0x1F00, s15;
	v2 =	vld [tilespmem:s17+$0x20]  }
0x143: {  	s2 =	sor.u32 s20, s21;
	v3 =	vld.idx.msk [tilespmem:v7+s24+$0x0], $0xffff  }
0x144: {  	[tilespmem:s1+$0xFFFFFFF0] =	vst v8;
	v7 =	vld [tilespmem:s2+$0x1C700]  }
0x145: {  	s29 =	sand.u32 $0xFC0, s13;
	v1 =	vld [tilespmem:s0+$0x30]  }
0x146: {  	[tilespmem:s29+$0x1A700] =	vst v5;
	s0 =	sadd.s32 $0x1C700, s16;
	v0 =	vld.idx.msk [tilespmem:v0+s24+$0x0], $0xffff  }
0x147: {  	s13 =	simm.s32 $0x1A830;
	v6 =	vld [tilespmem:s0+$0x10]  }
0x148: {  	v8 =	vld.idx.msk [tilespmem:v9+s24+$0x0], $0xffff;
	[tilespmem:s13+$0xFFFFFFE0] =	vst v10  }
0x149: {  	s6 =	simm.s32 $0x1A830;
	s21 =	simm.s32 $0x200;
	v5 =	vld [tilespmem:s18+$0x20]  }
.LBB2_14:
0x14a: {  	s14 =	sadd.s32 $0x40, s14;
	s15 =	sadd.s32 $0x80, s15;
	v9 =	vld.idx.msk [tilespmem:v4+s24+$0x0], $0xffff;
	[tilespmem:s4+$0xFFFFFFF0] =	vst v3;
	s16 =	smov.u32 s0  }
0x14b: {  	s13 =	sadd.s32 $0x40, s13;
	s0 =	sand.u32 $0x40, s14;
	s20 =	sand.u32 $0x1F00, s15;
	v10 =	vld [tilespmem:s26+$0x30];
	[tilespmem:s25+$0x0] =	vst v0;
	v11 =	vmov v7  }
0x14c: {  	p0 =	slt.u32 s14, $0xFC0;
	s25 =	smov.u32 s1;
	s20 =	sor.u32 s0, s20;
	v3 =	vld.idx.msk [tilespmem:v2+s24+$0x0], $0xffff;
	v4 =	vmov v6  }
.Ltmp6:
0x14d: {  	s1 =	sand.u32 $0xFC0, s7;
	s7 =	smov.u32 s21;
	v0 =	vld.idx.msk [tilespmem:v1+s24+$0x0], $0xffff;
	(pc) =	sbr.rel @p0 .LBB2_14-.Ltmp6, $4  }
0x14e: {  	s21 =	smov.u32 s14;
	s0 =	sadd.s32 $0x1C700, s12;
	v7 =	vld [tilespmem:s20+$0x1C700];
	[tilespmem:s1+$0x1A700] =	vst v8;
	v2 =	vmov v5;
	s1 =	smov.u32 s4  }
0x14f: {  	s4 =	smov.u32 s19;
	s19 =	smov.u32 s6;
	s6 =	smov.u32 s13;
	v6 =	vld [tilespmem:s0+$0x10]  }
0x150: {  	s26 =	smov.u32 s17;
	s12 =	smov.u32 s2;
	s2 =	smov.u32 s20;
	v8 =	vld.idx.msk [tilespmem:v11+s24+$0x0], $0xffff;
	[tilespmem:s13+$0xFFFFFFE0] =	vst v9;
	v1 =	vmov v10  }
0x151: {  	s17 =	smov.u32 s18;
	s18 =	smov.u32 s22;
	v5 =	vld [tilespmem:s22+$0x20];
	s22 =	smov.u32 s16  }
0x152: {  	_ =	sdelay $0x4  }
0x153: {  	v7 =	vld.idx.msk [tilespmem:v7+s24+$0x0], $0xffff;
	_ =	sdelay $0x2  }
0x154: {  	s7 =	sand.u32 $0xFC0, s7  }
0x155: {  	s12 =	sadd.s32 $0x1C700, s12;
	s21 =	sand.u32 $0xFC0, s21;
	[tilespmem:s7+$0x1A700] =	vst v8  }
0x156: {  	s2 =	sadd.s32 $0x1C700, s2;
	v8 =	vld [tilespmem:s12+$0x10];
	[tilespmem:s21+$0x1A700] =	vst v7  }
0x157: {  	v7 =	vld [tilespmem:s2+$0x10];
	_ =	sdelay $0x3  }
0x158: {  	v4 =	vld.idx.msk [tilespmem:v4+s24+$0x0], $0xffff;
	_ =	sdelay $0x1  }
0x159: {  	v6 =	vld.idx.msk [tilespmem:v6+s24+$0x0], $0xffff  }
0x15a: {  	v8 =	vld.idx.msk [tilespmem:v8+s24+$0x0], $0xffff  }
0x15b: {  	s29 =	sadd.s32 $0x40, s13;
	v7 =	vld.idx.msk [tilespmem:v7+s24+$0x0], $0xffff  }
0x15c: {  	[tilespmem:s29+$0xFFFFFFE0] =	vst v4  }
0x15d: {  	s13 =	sadd.s32 $0x40, s29;
	v4 =	vld [tilespmem:s22+$0x20]  }
0x15e: {  	s14 =	sadd.s32 $0x40, s13;
	[tilespmem:s13+$0xFFFFFFE0] =	vst v6  }
0x15f: {  	s15 =	sadd.s32 $0x40, s14;
	v6 =	vld [tilespmem:s0+$0x20];
	[tilespmem:s14+$0xFFFFFFE0] =	vst v8  }
0x160: {  	v8 =	vld [tilespmem:s12+$0x20];
	[tilespmem:s15+$0xFFFFFFE0] =	vst v7  }
0x161: {  	v7 =	vld [tilespmem:s2+$0x20];
	_ =	sdelay $0x1  }
0x162: {  	v2 =	vld.idx.msk [tilespmem:v2+s24+$0x0], $0xffff  }
0x163: {  	v5 =	vld.idx.msk [tilespmem:v5+s24+$0x0], $0xffff  }
0x164: {  	[tilespmem:s4+$0xFFFFFFF0] =	vst v3;
	v4 =	vld.idx.msk [tilespmem:v4+s24+$0x0], $0xffff  }
0x165: {  	v3 =	vld [tilespmem:s26+$0x30]  }
0x166: {  	v6 =	vld.idx.msk [tilespmem:v6+s24+$0x0], $0xffff  }
0x167: {  	v8 =	vld.idx.msk [tilespmem:v8+s24+$0x0], $0xffff  }
0x168: {  	[tilespmem:s6+$0xFFFFFFF0] =	vst v5;
	v59 =	vld.idx.msk [tilespmem:v7+s24+$0x0], $0xffff  }
0x169: {  	v5 =	vld [tilespmem:s18+$0x30];
	[tilespmem:s29+$0xFFFFFFF0] =	vst v4  }
0x16a: {  	[tilespmem:s19+$0xFFFFFFF0] =	vst v2;
	v4 =	vld [tilespmem:s22+$0x30]  }
0x16b: {  	v60 =	vld [tilespmem:s17+$0x30];
	[tilespmem:s13+$0xFFFFFFF0] =	vst v6  }
0x16c: {  	v6 =	vld [tilespmem:s0+$0x30];
	[tilespmem:s14+$0xFFFFFFF0] =	vst v8  }
0x16d: {  	v8 =	vld [tilespmem:s12+$0x30];
	[tilespmem:s15+$0xFFFFFFF0] =	vst v59  }
0x16e: {  	v2 =	vld [tilespmem:s2+$0x30]  }
0x16f: {  	v1 =	vld.idx.msk [tilespmem:v1+s24+$0x0], $0xffff  }
0x170: {  	v3 =	vld.idx.msk [tilespmem:v3+s24+$0x0], $0xffff  }
0x171: {  	v5 =	vld.idx.msk [tilespmem:v5+s24+$0x0], $0xffff  }
0x172: {  	v61 =	vld.idx.msk [tilespmem:v4+s24+$0x0], $0xffff  }
0x173: {  	[tilespmem:s25+$0x0] =	vst v0;
	v7 =	vld.idx.msk [tilespmem:v60+s24+$0x0], $0xffff  }
0x174: {  	[tilespmem:s1+$0x0] =	vst v1;
	v62 =	vld.idx.msk [tilespmem:v6+s24+$0x0], $0xffff  }
0x175: {  	[tilespmem:s4+$0x0] =	vst v3;
	v63 =	vld.idx.msk [tilespmem:v8+s24+$0x0], $0xffff  }
0x176: {  	[tilespmem:s6+$0x0] =	vst v5;
	v2 =	vld.idx.msk [tilespmem:v2+s24+$0x0], $0xffff  }
0x177: {  	[tilespmem:s29+$0x0] =	vst v61  }
0x178: {  	[tilespmem:s19+$0x0] =	vst v7  }
0x179: {  	[tilespmem:s13+$0x0] =	vst v62  }
0x17a: {  	s1 =	simm.s32 $0x20;
	[tilespmem:s14+$0x0] =	vst v63  }
0x17b: {  	s4 =	sadd.s32 $0x0, s8;
	s0 =	simm.s32 $0x1C700;
	s2 =	simm.s32 $0x1C800;
	[tilespmem:s15+$0x0] =	vst v2  }
.LBB2_16:
0x17c: {  	[tilespmem:s0], [sflag:$0x3] =	stream.linear.gather [hbm4b:s4+s5], $0x80, $0x38;
	[tilespmem:$0x1F180] =	vst v63  }
0x17d: {  	s4 =	smov.u32 s1;
	s0 =	smov.u32 s2;
	p0 =	sne.s32 s1, $0x3E0  }
.Ltmp7:
0x17e: {  	s1 =	sadd.s32 $0x20, s1;
	(pc) =	sbr.rel @p0 .LBB2_16-.Ltmp7, $2  }
0x17f: {  	_ =	sdelay $0x2  }
0x180: {  	s2 =	sadd.s32 $0x100, s2;
	s4 =	sadd.s32 s4, s8  }
0x181: {  	[tilespmem:s0], [sflag:$0x3] =	stream.linear.gather [hbm4b:s4+s5], $0x80, $0x38;
	[tilespmem:$0x1F180] =	vst v63  }
0x182: {  	p0 =	por $0x0, $0x0;
	s0 =	simm.s32 $0x1  }
0x183: {  	s0 =	simm.s32 @!p0 $0x0  }
0x184: {  	_ =	swait.ge [sflag:s30], $0x1000;
	s0 =	sshll.u32 s0, $0x6  }
0x185: {  	[sflag:s30] =	ssyncset.done $0x0;
	s0 =	sadd.s32 $0x0, s0  }
0x186: {  	[sflag:s30] =	ssyncadd.s32 $0xFFFFF000;
	s1 =	sor.u32 $0x80, s0  }
0x187: {  	v0 =	vld [tilespmem:s1+$0x1C700];
	_ =	sdelay $0x3  }
0x188: {  	p0 =	por !p0, !p0;
	s1 =	simm.s32 $0x1  }
0x189: {  	s1 =	simm.s32 @!p0 $0x0  }
0x18a: {  	s1 =	sshll.u32 s1, $0x6  }
0x18b: {  	s6 =	sadd.s32 $0x80, s1  }
0x18c: {  	s2 =	simm.s32 $0x1;
	p0 =	por !p0, !p0;
	s1 =	sor.u32 $0x80, s6;
	v0 =	vld.idx.msk [tilespmem:v0+s5+$0x0], $0xffff  }
0x18d: {  	s2 =	simm.s32 @!p0 $0x0;
	v1 =	vld [tilespmem:s1+$0x1C700]  }
0x18e: {  	s2 =	sshll.u32 s2, $0x6  }
0x18f: {  	s13 =	simm.s32 $0x0;
	s24 =	sadd.s32 $0x100, s2  }
0x190: {  	s1 =	sand.u32 $0xFC0, s13;
	s15 =	sor.u32 $0x80, s24  }
0x191: {  	s14 =	sor.u32 $0x90, s0;
	p0 =	por !p0, !p0;
	s2 =	simm.s32 $0x1;
	v2 =	vld [tilespmem:s15+$0x1C700];
	[tilespmem:s1+$0x1B700] =	vst v0  }
0x192: {  	s2 =	simm.s32 @!p0 $0x0;
	v0 =	vld [tilespmem:s14+$0x1C700]  }
0x193: {  	s2 =	sshll.u32 s2, $0x6  }
0x194: {  	s26 =	sadd.s32 $0x180, s2  }
0x195: {  	s18 =	sor.u32 $0x80, s26;
	v1 =	vld.idx.msk [tilespmem:v1+s5+$0x0], $0xffff  }
0x196: {  	v3 =	vld [tilespmem:s18+$0x1C700];
	_ =	sdelay $0x1  }
0x197: {  	s16 =	simm.s32 $0x40  }
0x198: {  	s1 =	sand.u32 $0xFC0, s16;
	v2 =	vld.idx.msk [tilespmem:v2+s5+$0x0], $0xffff  }
0x199: {  	s17 =	sor.u32 $0x90, s6;
	[tilespmem:s1+$0x1B700] =	vst v1;
	v0 =	vld.idx.msk [tilespmem:v0+s5+$0x0], $0xffff  }
0x19a: {  	v1 =	vld [tilespmem:s17+$0x1C700]  }
0x19b: {  	s19 =	simm.s32 $0x80  }
0x19c: {  	s1 =	sand.u32 $0xFC0, s19  }
0x19d: {  	s25 =	simm.s32 $0x1B730;
	s21 =	sor.u32 $0x90, s24;
	v3 =	vld.idx.msk [tilespmem:v3+s5+$0x0], $0xffff;
	[tilespmem:s1+$0x1B700] =	vst v2  }
0x19e: {  	s20 =	sor.u32 $0xA0, s0;
	p0 =	por !p0, !p0;
	s2 =	simm.s32 $0x1;
	v2 =	vld [tilespmem:s21+$0x1C700];
	[tilespmem:s25+$0xFFFFFFE0] =	vst v0  }
0x19f: {  	s2 =	simm.s32 @!p0 $0x0;
	v0 =	vld [tilespmem:s20+$0x1C700]  }
0x1a0: {  	s22 =	sshll.u32 s2, $0x6  }
0x1a1: {  	s4 =	sadd.s32 $0x200, s22  }
0x1a2: {  	s29 =	simm.s32 $0xC0;
	s1 =	sor.u32 $0x80, s4;
	v1 =	vld.idx.msk [tilespmem:v1+s5+$0x0], $0xffff  }
0x1a3: {  	s2 =	sand.u32 $0xFC0, s29;
	v4 =	vld [tilespmem:s1+$0x1C700]  }
0x1a4: {  	s13 =	sor.u32 $0x90, s26;
	[tilespmem:s2+$0x1B700] =	vst v3  }
0x1a5: {  	s12 =	simm.s32 $0x1;
	p0 =	por !p0, !p0;
	v3 =	vld [tilespmem:s13+$0x1C700]  }
0x1a6: {  	s12 =	simm.s32 @!p0 $0x0;
	s1 =	simm.s32 $0x1B770;
	v2 =	vld.idx.msk [tilespmem:v2+s5+$0x0], $0xffff  }
0x1a7: {  	s7 =	sor.u32 $0xA0, s6;
	s12 =	sshll.u32 s12, $0x6;
	[tilespmem:s1+$0xFFFFFFE0] =	vst v1;
	v0 =	vld.idx.msk [tilespmem:v0+s5+$0x0], $0xffff  }
0x1a8: {  	s18 =	sadd.s32 $0x280, s12;
	v1 =	vld [tilespmem:s7+$0x1C700]  }
0x1a9: {  	s14 =	sor.u32 $0x80, s18  }
0x1aa: {  	v6 =	vld [tilespmem:s14+$0x1C700];
	s17 =	simm.s32 $0x1B7B0  }
0x1ab: {  	s15 =	sor.u32 $0xA0, s24;
	v4 =	vld.idx.msk [tilespmem:v4+s5+$0x0], $0xffff;
	[tilespmem:s17+$0xFFFFFFE0] =	vst v2  }
0x1ac: {  	s0 =	sor.u32 $0xB0, s0;
	p0 =	por !p0, !p0;
	s2 =	simm.s32 $0x1;
	v7 =	vld [tilespmem:s15+$0x1C700];
	[tilespmem:s25+$0xFFFFFFF0] =	vst v0  }
0x1ad: {  	s2 =	simm.s32 @!p0 $0x0;
	v0 =	vld [tilespmem:s0+$0x1C700]  }
0x1ae: {  	s19 =	sshll.u32 s2, $0x6  }
0x1af: {  	s16 =	simm.s32 $0x100;
	s19 =	sadd.s32 $0x300, s19;
	v3 =	vld.idx.msk [tilespmem:v3+s5+$0x0], $0xffff  }
0x1b0: {  	s22 =	sor.u32 $0x80, s19;
	s20 =	sand.u32 $0xFC0, s16;
	v1 =	vld.idx.msk [tilespmem:v1+s5+$0x0], $0xffff  }
0x1b1: {  	s21 =	sor.u32 $0x90, s4;
	v5 =	vld [tilespmem:s22+$0x1C700];
	[tilespmem:s20+$0x1B700] =	vst v4  }
0x1b2: {  	v2 =	vld [tilespmem:s21+$0x1C700]  }
0x1b3: {  	s29 =	sor.u32 $0xB0, s6;
	s6 =	simm.s32 $0x1B7F0;
	s12 =	simm.s32 $0x300;
	v4 =	vld.idx.msk [tilespmem:v6+s5+$0x0], $0xffff  }
0x1b4: {  	s14 =	sor.u32 $0xA0, s26;
	s13 =	simm.s32 $0x1C0;
	p0 =	por !p0, !p0;
	[tilespmem:s6+$0xFFFFFFE0] =	vst v3;
	v3 =	vld.idx.msk [tilespmem:v7+s5+$0x0], $0xffff  }
0x1b5: {  	s2 =	simm.s32 $0x1C0;
	s22 =	simm.s32 $0x1B7F0;
	s7 =	simm.s32 $0x140;
	[tilespmem:s1+$0xFFFFFFF0] =	vst v1;
	v1 =	vld.idx.msk [tilespmem:v0+s5+$0x0], $0xffff  }
0x1b6: {  	s20 =	simm.s32 $0x400;
	s21 =	simm.s32 $0x5;
	s0 =	simm.s32 $0x180;
	v0 =	vld [tilespmem:s29+$0x1C700]  }
.LBB2_18:
0x1b7: {  	s15 =	simm.s32 $0x1  }
0x1b8: {  	s13 =	sadd.s32 $0x40, s13;
	v6 =	vld [tilespmem:s14+$0x1C700];
	v7 =	vmov v5;
	s15 =	simm.s32 @!p0 $0x0  }
0x1b9: {  	s12 =	sadd.s32 $0x80, s12;
	s7 =	sand.u32 $0xFC0, s7;
	s14 =	sshll.u32 s15, $0x6  }
0x1ba: {  	p1 =	slt.u32 s13, $0xFC0;
	s14 =	sadd.s32 s14, s12;
	[tilespmem:s7+$0x1B700] =	vst v4;
	s7 =	sor.u32 $0x90, s18;
	v8 =	vld.idx.msk [tilespmem:v2+s5+$0x0], $0xffff  }
0x1bb: {  	s15 =	sor.u32 $0x80, s14;
	v2 =	vld [tilespmem:s7+$0x1C700];
	[tilespmem:s25+$0x0] =	vst v1;
	s7 =	smov.u32 s0;
	s0 =	smov.u32 s2  }
.Ltmp8:
0x1bc: {  	s2 =	smov.u32 s13;
	s25 =	smov.u32 s1;
	v5 =	vld [tilespmem:s15+$0x1C700];
	(pc) =	sbr.rel @p1 .LBB2_18-.Ltmp8, $4  }
0x1bd: {  	s6 =	sadd.s32 $0x40, s6;
	s1 =	sor.u32 $0xB0, s24;
	s24 =	smov.u32 s26;
	v4 =	vld.idx.msk [tilespmem:v7+s5+$0x0], $0xffff;
	[tilespmem:s17+$0xFFFFFFF0] =	vst v3  }
0x1be: {  	s26 =	smov.u32 s4;
	s4 =	smov.u32 s18;
	s18 =	smov.u32 s19;
	v1 =	vld.idx.msk [tilespmem:v0+s5+$0x0], $0xffff  }
0x1bf: {  	s19 =	smov.u32 s14;
	v0 =	vld [tilespmem:s1+$0x1C700];
	s1 =	smov.u32 s17;
	s17 =	smov.u32 s22  }
0x1c0: {  	p0 =	por !p0, !p0;
	s14 =	sor.u32 $0xA0, s26;
	s22 =	smov.u32 s6;
	[tilespmem:s6+$0xFFFFFFE0] =	vst v8;
	v3 =	vld.idx.msk [tilespmem:v6+s5+$0x0], $0xffff  }
0x1c1: {  	s13 =	simm.s32 $0x1  }
0x1c2: {  	s13 =	simm.s32 @!p0 $0x0  }
0x1c3: {  	s12 =	sadd.s32 $0x80, s12;
	s13 =	sshll.u32 s13, $0x6  }
0x1c4: {  	s12 =	sadd.s32 s13, s12  }
0x1c5: {  	s13 =	sor.u32 $0x80, s12  }
0x1c6: {  	v6 =	vld [tilespmem:s13+$0x1C700];
	_ =	sdelay $0x6  }
0x1c7: {  	v5 =	vld.idx.msk [tilespmem:v5+s5+$0x0], $0xffff  }
0x1c8: {  	v6 =	vld.idx.msk [tilespmem:v6+s5+$0x0], $0xffff  }
0x1c9: {  	s7 =	sand.u32 $0xFC0, s7  }
0x1ca: {  	s29 =	sor.u32 $0x90, s18;
	[tilespmem:s7+$0x1B700] =	vst v4  }
0x1cb: {  	s0 =	sand.u32 $0xFC0, s0;
	v4 =	vld [tilespmem:s29+$0x1C700]  }
0x1cc: {  	s2 =	sand.u32 $0xFC0, s2;
	s7 =	sor.u32 $0x90, s19;
	[tilespmem:s0+$0x1B700] =	vst v5  }
0x1cd: {  	s13 =	sor.u32 $0x90, s12;
	v5 =	vld [tilespmem:s7+$0x1C700];
	[tilespmem:s2+$0x1B700] =	vst v6  }
0x1ce: {  	v6 =	vld [tilespmem:s13+$0x1C700];
	_ =	sdelay $0x3  }
0x1cf: {  	v2 =	vld.idx.msk [tilespmem:v2+s5+$0x0], $0xffff  }
0x1d0: {  	v4 =	vld.idx.msk [tilespmem:v4+s5+$0x0], $0xffff;
	_ =	sdelay $0x1  }
0x1d1: {  	v5 =	vld.idx.msk [tilespmem:v5+s5+$0x0], $0xffff  }
0x1d2: {  	s0 =	sadd.s32 $0x40, s6;
	v6 =	vld.idx.msk [tilespmem:v6+s5+$0x0], $0xffff  }
0x1d3: {  	v7 =	vld [tilespmem:s14+$0x1C700];
	s14 =	sor.u32 $0xA0, s4;
	[tilespmem:s0+$0xFFFFFFE0] =	vst v2;
	s6 =	sadd.s32 $0x40, s0  }
0x1d4: {  	s15 =	sor.u32 $0xA0, s18;
	v2 =	vld [tilespmem:s14+$0x1C700];
	[tilespmem:s6+$0xFFFFFFE0] =	vst v4  }
0x1d5: {  	s7 =	sadd.s32 $0x40, s6;
	v4 =	vld [tilespmem:s15+$0x1C700]  }
0x1d6: {  	s16 =	sor.u32 $0xA0, s19;
	[tilespmem:s7+$0xFFFFFFE0] =	vst v5;
	s13 =	sadd.s32 $0x40, s7  }
0x1d7: {  	s29 =	sor.u32 $0xA0, s12;
	v5 =	vld [tilespmem:s16+$0x1C700];
	[tilespmem:s13+$0xFFFFFFE0] =	vst v6  }
0x1d8: {  	v6 =	vld [tilespmem:s29+$0x1C700];
	_ =	sdelay $0x2  }
0x1d9: {  	v7 =	vld.idx.msk [tilespmem:v7+s5+$0x0], $0xffff  }
0x1da: {  	v2 =	vld.idx.msk [tilespmem:v2+s5+$0x0], $0xffff  }
0x1db: {  	v4 =	vld.idx.msk [tilespmem:v4+s5+$0x0], $0xffff;
	_ =	sdelay $0x1  }
0x1dc: {  	v5 =	vld.idx.msk [tilespmem:v5+s5+$0x0], $0xffff  }
0x1dd: {  	[tilespmem:s22+$0xFFFFFFF0] =	vst v7;
	s15 =	sor.u32 $0xB0, s26;
	v60 =	vld.idx.msk [tilespmem:v6+s5+$0x0], $0xffff  }
0x1de: {  	v7 =	vld [tilespmem:s15+$0x1C700];
	[tilespmem:s0+$0xFFFFFFF0] =	vst v2;
	s16 =	sor.u32 $0xB0, s4  }
0x1df: {  	s14 =	sor.u32 $0xB0, s24;
	s24 =	sor.u32 $0xB0, s18;
	v2 =	vld [tilespmem:s16+$0x1C700];
	[tilespmem:s6+$0xFFFFFFF0] =	vst v4  }
0x1e0: {  	[tilespmem:s17+$0xFFFFFFF0] =	vst v3;
	v4 =	vld [tilespmem:s24+$0x1C700]  }
0x1e1: {  	v61 =	vld [tilespmem:s14+$0x1C700];
	s26 =	sor.u32 $0xB0, s19;
	[tilespmem:s7+$0xFFFFFFF0] =	vst v5  }
0x1e2: {  	s29 =	sor.u32 $0xB0, s12;
	v5 =	vld [tilespmem:s26+$0x1C700];
	[tilespmem:s13+$0xFFFFFFF0] =	vst v60  }
0x1e3: {  	v3 =	vld [tilespmem:s29+$0x1C700];
	_ =	sdelay $0x1  }
0x1e4: {  	v0 =	vld.idx.msk [tilespmem:v0+s5+$0x0], $0xffff  }
0x1e5: {  	v7 =	vld.idx.msk [tilespmem:v7+s5+$0x0], $0xffff  }
0x1e6: {  	v2 =	vld.idx.msk [tilespmem:v2+s5+$0x0], $0xffff  }
0x1e7: {  	v62 =	vld.idx.msk [tilespmem:v4+s5+$0x0], $0xffff  }
0x1e8: {  	[tilespmem:s25+$0x0] =	vst v1;
	v6 =	vld.idx.msk [tilespmem:v61+s5+$0x0], $0xffff  }
0x1e9: {  	[tilespmem:s1+$0x0] =	vst v0;
	v63 =	vld.idx.msk [tilespmem:v5+s5+$0x0], $0xffff  }
0x1ea: {  	[tilespmem:s22+$0x0] =	vst v7;
	v3 =	vld.idx.msk [tilespmem:v3+s5+$0x0], $0xffff  }
0x1eb: {  	[tilespmem:s0+$0x0] =	vst v2  }
0x1ec: {  	[tilespmem:s6+$0x0] =	vst v62  }
0x1ed: {  	[tilespmem:s17+$0x0] =	vst v6  }
0x1ee: {  	s1 =	simm.s32 $0x1C780;
	s0 =	sadd.s32 $0x400, s8;
	[tilespmem:s7+$0x0] =	vst v63  }
0x1ef: {  	s2 =	simm.s32 $0x20;
	s4 =	simm.s32 $0x1C880;
	s6 =	sadd.s32 $0x0, s0;
	[tilespmem:s13+$0x0] =	vst v3  }
.LBB2_20:
0x1f0: {  	[tilespmem:s1], [sflag:$0x4] =	stream.linear.gather [hbm4b:s6+s5], $0x80, $0x38;
	[tilespmem:$0x1F180] =	vst v63  }
0x1f1: {  	s6 =	smov.u32 s2;
	s1 =	smov.u32 s4;
	p0 =	sne.s32 s2, $0x3E0  }
.Ltmp9:
0x1f2: {  	s2 =	sadd.s32 $0x20, s2;
	(pc) =	sbr.rel @p0 .LBB2_20-.Ltmp9, $2  }
0x1f3: {  	_ =	sdelay $0x2  }
0x1f4: {  	s4 =	sadd.s32 $0x100, s4;
	s6 =	sadd.s32 s6, s0  }
0x1f5: {  	[tilespmem:s1], [sflag:$0x4] =	stream.linear.gather [hbm4b:s6+s5], $0x80, $0x38;
	[tilespmem:$0x1F180] =	vst v63  }
0x1f6: {  	s7 =	simm.s32 $0x0;
	s0 =	rddreg [dreg:$0xa];
	s19 =	simm.s32 $0x80  }
0x1f7: {  	[tilespmem:s7], [sflag:$0x2] =	stream.strided.gather [hbm4b:s0+s19], $0x18700, s20, s19, $0x38;
	[tilespmem:$0x1F180] =	vst v63  }
0x1f8: {  	_ =	swait.ge [sflag:s31], $0x80  }
0x1f9: {  	[sflag:s31] =	ssyncset.done $0x0  }
0x1fa: {  	[sflag:s31] =	ssyncadd.s32 $0xFFFFFF80  }
0x1fb: {  	_ =	swait.ge [sflag:s31], $0x80  }
0x1fc: {  	[sflag:s31] =	ssyncset.done $0x0  }
0x1fd: {  	[sflag:s31] =	ssyncadd.s32 $0xFFFFFF80  }
0x1fe: {  	_ =	swait.ge [sflag:s31], $0x80  }
0x1ff: {  	[sflag:s31] =	ssyncset.done $0x0  }
0x200: {  	[sflag:s31] =	ssyncadd.s32 $0xFFFFFF80  }
0x201: {  	_ =	swait.ge [sflag:s31], $0x80  }
0x202: {  	[sflag:s31] =	ssyncset.done $0x0  }
0x203: {  	[sflag:s31] =	ssyncadd.s32 $0xFFFFFF80  }
0x204: {  	_ =	swait.ge [sflag:s31], $0x80  }
0x205: {  	[sflag:s31] =	ssyncset.done $0x0  }
0x206: {  	[sflag:s31] =	ssyncadd.s32 $0xFFFFFF80  }
0x207: {  	_ =	swait.ge [sflag:s31], $0x80  }
0x208: {  	[sflag:s31] =	ssyncset.done $0x0  }
0x209: {  	[sflag:s31] =	ssyncadd.s32 $0xFFFFFF80  }
0x20a: {  	_ =	swait.ge [sflag:s31], $0x80  }
0x20b: {  	[sflag:s31] =	ssyncset.done $0x0  }
0x20c: {  	[sflag:s31] =	ssyncadd.s32 $0xFFFFFF80  }
0x20d: {  	_ =	swait.ge [sflag:s31], $0x80  }
0x20e: {  	[sflag:s31] =	ssyncset.done $0x0  }
0x20f: {  	[sflag:s31] =	ssyncadd.s32 $0xFFFFFF80  }
0x210: {  	v0 =	vld [tilespmem:$0x1EB00]  }
0x211: {  	v1 =	vld [tilespmem:$0x1ED00]  }
0x212: {  	v2 =	vld [tilespmem:$0x1EB10]  }
0x213: {  	v3 =	vld [tilespmem:$0x1ED10]  }
0x214: {  	v4 =	vld [tilespmem:$0x1EB20]  }
0x215: {  	v5 =	vld [tilespmem:$0x1ED20]  }
0x216: {  	v6 =	vld [tilespmem:$0x1EB30]  }
0x217: {  	v7 =	vld [tilespmem:$0x1ED30]  }
0x218: {  	v8 =	vld [tilespmem:$0x1EB40]  }
0x219: {  	v9 =	vld [tilespmem:$0x1ED40]  }
0x21a: {  	v10 =	vld [tilespmem:$0x1EB50]  }
0x21b: {  	v11 =	vld [tilespmem:$0x1ED50]  }
0x21c: {  	v12 =	vld [tilespmem:$0x1EB60]  }
0x21d: {  	v13 =	vld [tilespmem:$0x1ED60]  }
0x21e: {  	v14 =	vld [tilespmem:$0x1EB70]  }
0x21f: {  	v15 =	vld [tilespmem:$0x1ED70]  }
0x220: {  	v16 =	vld [tilespmem:$0x1EB80]  }
0x221: {  	v17 =	vld [tilespmem:$0x1ED80]  }
0x222: {  	v18 =	vld [tilespmem:$0x1EB90]  }
0x223: {  	v19 =	vld [tilespmem:$0x1ED90]  }
0x224: {  	v20 =	vld [tilespmem:$0x1EBA0]  }
0x225: {  	v21 =	vld [tilespmem:$0x1EDA0]  }
0x226: {  	v22 =	vld [tilespmem:$0x1EBB0]  }
0x227: {  	v23 =	vld [tilespmem:$0x1EDB0]  }
0x228: {  	v24 =	vld [tilespmem:$0x1EBC0]  }
0x229: {  	v25 =	vld [tilespmem:$0x1EDC0]  }
0x22a: {  	v26 =	vld [tilespmem:$0x1EBD0]  }
0x22b: {  	v27 =	vld [tilespmem:$0x1EDD0]  }
0x22c: {  	v28 =	vld [tilespmem:$0x1EBE0]  }
0x22d: {  	v29 =	vld [tilespmem:$0x1EDE0]  }
0x22e: {  	v30 =	vld [tilespmem:$0x1EBF0]  }
0x22f: {  	v31 =	vld [tilespmem:$0x1EDF0]  }
0x230: {  	v32 =	vld [tilespmem:$0x1EC00]  }
0x231: {  	v33 =	vld [tilespmem:$0x1EE00]  }
0x232: {  	v34 =	vld [tilespmem:$0x1EC10]  }
0x233: {  	v35 =	vld [tilespmem:$0x1EE10]  }
0x234: {  	v36 =	vld [tilespmem:$0x1EC20]  }
0x235: {  	v60 =	vld [tilespmem:$0x1EE90];
	v0 =	vadd.f32 v1, v0  }
0x236: {  	v61 =	vld [tilespmem:$0x1ECA0];
	v2 =	vadd.f32 v3, v2  }
0x237: {  	v62 =	vld [tilespmem:$0x1EEA0];
	[tilespmem:$0x1EF00] =	vst v0;
	v0 =	vadd.f32 v5, v4  }
0x238: {  	v63 =	vld [tilespmem:$0x1ECB0];
	[tilespmem:$0x1EF10] =	vst v2;
	v2 =	vadd.f32 v7, v6  }
0x239: {  	v1 =	vld [tilespmem:$0x1EE20];
	[tilespmem:$0x1EF20] =	vst v0;
	v0 =	vadd.f32 v9, v8  }
0x23a: {  	v3 =	vld [tilespmem:$0x1EC30];
	[tilespmem:$0x1EF30] =	vst v2;
	v2 =	vadd.f32 v11, v10  }
0x23b: {  	v4 =	vld [tilespmem:$0x1EE30];
	[tilespmem:$0x1EF40] =	vst v0;
	v0 =	vadd.f32 v13, v12  }
0x23c: {  	v5 =	vld [tilespmem:$0x1EC40];
	[tilespmem:$0x1EF50] =	vst v2;
	v2 =	vadd.f32 v15, v14  }
0x23d: {  	v6 =	vld [tilespmem:$0x1EE40];
	[tilespmem:$0x1EF60] =	vst v0;
	v0 =	vadd.f32 v17, v16  }
0x23e: {  	v7 =	vld [tilespmem:$0x1EC50];
	[tilespmem:$0x1EF70] =	vst v2;
	v2 =	vadd.f32 v19, v18  }
0x23f: {  	v8 =	vld [tilespmem:$0x1EE50];
	[tilespmem:$0x1EF80] =	vst v0;
	v0 =	vadd.f32 v21, v20  }
0x240: {  	v9 =	vld [tilespmem:$0x1EC60];
	[tilespmem:$0x1EF90] =	vst v2;
	v2 =	vadd.f32 v23, v22  }
0x241: {  	v10 =	vld [tilespmem:$0x1EE60];
	[tilespmem:$0x1EFA0] =	vst v0;
	v0 =	vadd.f32 v25, v24  }
0x242: {  	v11 =	vld [tilespmem:$0x1EC70];
	[tilespmem:$0x1EFB0] =	vst v2;
	v2 =	vadd.f32 v27, v26  }
0x243: {  	v12 =	vld [tilespmem:$0x1EE70];
	[tilespmem:$0x1EFC0] =	vst v0;
	v0 =	vadd.f32 v29, v28  }
0x244: {  	v13 =	vld [tilespmem:$0x1EC80];
	[tilespmem:$0x1EFD0] =	vst v2;
	v2 =	vadd.f32 v31, v30  }
0x245: {  	v14 =	vld [tilespmem:$0x1EE80];
	[tilespmem:$0x1EFE0] =	vst v0;
	v0 =	vadd.f32 v33, v32  }
0x246: {  	v15 =	vld [tilespmem:$0x1EC90];
	[tilespmem:$0x1EFF0] =	vst v2;
	v2 =	vadd.f32 v35, v34  }
0x247: {  	[tilespmem:$0x1F000] =	vst v0;
	v0 =	vadd.f32 v1, v36;
	v1 =	vld [tilespmem:$0x1EEB0]  }
0x248: {  	[tilespmem:$0x1F010] =	vst v2;
	v2 =	vadd.f32 v4, v3;
	v3 =	vld [tilespmem:$0x1ECC0]  }
0x249: {  	v4 =	vld [tilespmem:$0x1EEC0];
	[tilespmem:$0x1F020] =	vst v0;
	v0 =	vadd.f32 v6, v5  }
0x24a: {  	[tilespmem:$0x1F030] =	vst v2;
	v2 =	vadd.f32 v8, v7;
	v5 =	vld [tilespmem:$0x1ECD0]  }
0x24b: {  	v6 =	vld [tilespmem:$0x1EED0];
	[tilespmem:$0x1F040] =	vst v0;
	v0 =	vadd.f32 v10, v9  }
0x24c: {  	v7 =	vld [tilespmem:$0x1ECE0];
	[tilespmem:$0x1F050] =	vst v2;
	v2 =	vadd.f32 v12, v11  }
0x24d: {  	v9 =	vld [tilespmem:$0x1ECF0];
	v1 =	vadd.f32 v1, v63;
	[tilespmem:$0x1F060] =	vst v0  }
0x24e: {  	v10 =	vld [tilespmem:$0x1EEF0];
	v0 =	vadd.f32 v14, v13;
	[tilespmem:$0x1F070] =	vst v2  }
0x24f: {  	v8 =	vld [tilespmem:$0x1EEE0];
	v2 =	vadd.f32 v60, v15;
	[tilespmem:$0x1F0B0] =	vst v1  }
0x250: {  	[tilespmem:$0x1F080] =	vst v0;
	v0 =	vadd.f32 v62, v61  }
0x251: {  	v1 =	vadd.f32 v6, v5;
	[tilespmem:$0x1F090] =	vst v2  }
0x252: {  	[tilespmem:$0x1F0A0] =	vst v0;
	v0 =	vadd.f32 v4, v3  }
0x253: {  	[tilespmem:$0x1F0D0] =	vst v1;
	v1 =	vadd.f32 v10, v9  }
0x254: {  	[tilespmem:$0x1F0C0] =	vst v0;
	v0 =	vadd.f32 v8, v7  }
0x255: {  	[tilespmem:$0x1F0F0] =	vst v1  }
0x256: {  	s2 =	simm.s32 $0x1EF00;
	s12 =	rddreg [dreg:$0xb];
	[tilespmem:$0x1F0E0] =	vst v0  }
0x257: {  	[hbm4b:s12+s7] =	stream.linear.scatter [tilespmem:s2], [sflag:$0x5], $0x200, $0x38;
	[tilespmem:$0x1F180] =	vst v63  }
0x258: {  	_ =	swait.ge [sflag:s21], $0x200  }
0x259: {  	[sflag:s21] =	ssyncset.done $0x0  }
0x25a: {  	s22 =	simm.s32 $0x2;
	[sflag:s21] =	ssyncadd.s32 $0xFFFFFE00  }
0x25b: {  	_ =	swait.ge [sflag:s22], $0x18700  }
0x25c: {  	[sflag:s22] =	ssyncset.done $0x0  }
0x25d: {  	s13 =	simm.s32 $0x0;
	s1 =	sand.u32 $0x7C00, s7;
	[sflag:s22] =	ssyncadd.s32 $0xFFFE7900  }
0x25e: {  	s14 =	sand.u32 $0x40, s13;
	s1 =	sshrl.u32 s1, $0x2;
	_ =	swait.ge [sflag:s28], $0x1000  }
0x25f: {  	s4 =	sor.u32 $0x30, s14;
	s1 =	sadd.s32 $0x1C700, s1;
	[sflag:s28] =	ssyncset.done $0x0  }
0x260: {  	s15 =	sor.u32 s4, s1;
	[sflag:s28] =	ssyncadd.s32 $0xFFFFF000  }
0x261: {  	s24 =	simm.s32 $0x200;
	s16 =	sor.u32 s14, s1;
	s7 =	sor.u32 $0x10, s14;
	v0 =	vld [tilespmem:s15+$0x0]  }
0x262: {  	s0 =	sand.u32 $0xF80, s13;
	s2 =	sor.u32 $0x20, s14;
	s12 =	sor.u32 s7, s1;
	v1 =	vld [tilespmem:s16+$0x0]  }
0x263: {  	s18 =	sadd.s32 $0x18700, s0;
	s0 =	sand.u32 $0x7C00, s24;
	s1 =	sor.u32 s2, s1;
	v2 =	vld [tilespmem:s12+$0x0]  }
0x264: {  	s17 =	simm.s32 $0x18700;
	s0 =	sshrl.u32 s0, $0x2;
	v3 =	vld [tilespmem:s1+$0x0];
	s1 =	simm.s32 $0x40  }
0x265: {  	s4 =	sor.u32 s4, s18;
	s13 =	sadd.s32 $0x1C700, s0;
	v4 =	vld [tilespmem:s17+$0x0];
	s25 =	sand.u32 $0x40, s1  }
0x266: {  	v10 =	vld [tilespmem:s4+$0x0];
	s0 =	sor.u32 $0x30, s25;
	s15 =	sor.u32 s25, s13  }
0x267: {  	s14 =	sor.u32 s0, s13;
	v5 =	vld [tilespmem:s15+$0x0]  }
0x268: {  	v9 =	vld [tilespmem:s14+$0x0]  }
0x269: {  	s4 =	sor.u32 $0x10, s25;
	v8 =	vld.idx.msk [tilespmem:v0+s5+$0x0], $0xffff  }
0x26a: {  	s6 =	sor.u32 $0x20, s25;
	s26 =	sor.u32 s4, s13;
	v1 =	vld.idx.msk [tilespmem:v1+s5+$0x0], $0xffff  }
0x26b: {  	s13 =	sor.u32 s6, s13;
	v6 =	vld [tilespmem:s26+$0x0]  }
0x26c: {  	v12 =	vld [tilespmem:s13+$0x0]  }
0x26d: {  	v0 =	vld.idx.msk [tilespmem:v2+s5+$0x0], $0xffff  }
0x26e: {  	s7 =	sor.u32 s7, s18;
	v7 =	vld.idx.msk [tilespmem:v3+s5+$0x0], $0xffff  }
0x26f: {  	s2 =	sor.u32 s2, s18;
	v3 =	vmul.f32 v10, v8;
	v4 =	vmul.f32 v4, v1;
	v10 =	vld [tilespmem:s7+$0x0]  }
0x270: {  	v11 =	vld [tilespmem:s2+$0x0];
	s2 =	simm.s32 $0x18740;
	s29 =	sand.u32 $0xF80, s1;
	v2 =	vimm.f32 $0.0e+00  }
0x271: {  	s12 =	sadd.s32 $0x18700, s29;
	v8 =	vld [tilespmem:s2+$0x0];
	s7 =	simm.s32 $0x400;
	v1 =	vadd.f32 v3, v2;
	v3 =	vadd.f32 v4, v2;
	v4 =	vimm.f32 $0.0e+00  }
.LBB2_22:
0x272: {  	s1 =	sadd.s32 $0x40, s1;
	s13 =	sand.u32 $0x7C00, s7;
	v13 =	vld.idx.msk [tilespmem:v9+s5+$0x0], $0xffff;
	s0 =	sor.u32 s0, s12;
	v14 =	vmov v12  }
0x273: {  	s15 =	sor.u32 s4, s12;
	s14 =	sand.u32 $0x40, s1;
	s13 =	sshrl.u32 s13, $0x2;
	v12 =	vld [tilespmem:s0+$0x0]  }
0x274: {  	s13 =	sadd.s32 $0x1C700, s13;
	s4 =	sor.u32 $0x10, s14;
	s0 =	sor.u32 $0x30, s14;
	v15 =	vld.idx.msk [tilespmem:v5+s5+$0x0], $0xffff;
	v5 =	vmul.f32 v10, v0  }
0x275: {  	s16 =	sor.u32 s14, s13;
	s14 =	sor.u32 $0x20, s14;
	s17 =	sor.u32 s0, s13;
	v0 =	vld.idx.msk [tilespmem:v6+s5+$0x0], $0xffff;
	v6 =	vmul.f32 v11, v7  }
0x276: {  	s12 =	sor.u32 s6, s12;
	s18 =	sor.u32 s4, s13;
	s13 =	sor.u32 s14, s13;
	v9 =	vld [tilespmem:s17+$0x0];
	v2 =	vadd.f32 v5, v2  }
0x277: {  	p0 =	slt.u32 s1, $0xFC0;
	s6 =	smov.u32 s14;
	v5 =	vld [tilespmem:s16+$0x0];
	v4 =	vadd.f32 v6, v4  }
0x278: {  	v6 =	vld [tilespmem:s18+$0x0];
	v10 =	vmul.f32 v12, v13  }
.Ltmp10:
0x279: {  	v12 =	vld [tilespmem:s13+$0x0];
	(pc) =	sbr.rel @p0 .LBB2_22-.Ltmp10, $4  }
0x27a: {  	v8 =	vmul.f32 v8, v15;
	v7 =	vld.idx.msk [tilespmem:v14+s5+$0x0], $0xffff;
	v1 =	vadd.f32 v10, v1  }
0x27b: {  	v10 =	vld [tilespmem:s15+$0x0]  }
0x27c: {  	s2 =	sadd.s32 $0x40, s2;
	s13 =	sand.u32 $0xF80, s1;
	v3 =	vadd.f32 v8, v3;
	v11 =	vld [tilespmem:s12+$0x0]  }
0x27d: {  	s7 =	sadd.s32 $0x200, s7;
	s12 =	sadd.s32 $0x18700, s13;
	v8 =	vld [tilespmem:s2+$0x0]  }
0x27e: {  	_ =	sdelay $0x3  }
0x27f: {  	v9 =	vld.idx.msk [tilespmem:v9+s5+$0x0], $0xffff  }
0x280: {  	v5 =	vld.idx.msk [tilespmem:v5+s5+$0x0], $0xffff  }
0x281: {  	v6 =	vld.idx.msk [tilespmem:v6+s5+$0x0], $0xffff  }
0x282: {  	s0 =	sor.u32 s0, s12;
	v12 =	vld.idx.msk [tilespmem:v12+s5+$0x0], $0xffff  }
0x283: {  	s29 =	sor.u32 s4, s12;
	v13 =	vld [tilespmem:s0+$0x0]  }
0x284: {  	s1 =	sor.u32 s6, s12;
	v14 =	vld [tilespmem:s29+$0x0]  }
0x285: {  	v15 =	vld [tilespmem:s1+$0x0];
	_ =	sdelay $0x1  }
0x286: {  	v0 =	vmul.f32 v10, v0  }
0x287: {  	v7 =	vmul.f32 v11, v7  }
0x288: {  	v10 =	vadd.f32 v0, v2;
	v5 =	vmul.f32 v8, v5;
	v0 =	vmul.f32 v13, v9  }
0x289: {  	v4 =	vadd.f32 v7, v4;
	v6 =	vmul.f32 v14, v6;
	v63 =	vmul.f32 v15, v12  }
0x28a: {  	s2 =	simm.s32 $0x20;
	s0 =	sadd.s32 $0x800, s8;
	v2 =	vadd.f32 v0, v1;
	v0 =	vadd.f32 v5, v3  }
0x28b: {  	s4 =	simm.s32 $0x1C800;
	s1 =	simm.s32 $0x1C700;
	s6 =	sadd.s32 $0x0, s0;
	v1 =	vadd.f32 v6, v10;
	v3 =	vadd.f32 v63, v4  }
.LBB2_24:
0x28c: {  	[tilespmem:s1], [sflag:$0x3] =	stream.linear.gather [hbm4b:s6+s5], $0x80, $0x38;
	[tilespmem:$0x1F180] =	vst v63  }
0x28d: {  	s6 =	smov.u32 s2;
	s1 =	smov.u32 s4;
	p0 =	sne.s32 s2, $0x3E0  }
.Ltmp11:
0x28e: {  	s2 =	sadd.s32 $0x20, s2;
	(pc) =	sbr.rel @p0 .LBB2_24-.Ltmp11, $2  }
0x28f: {  	_ =	sdelay $0x2  }
0x290: {  	s4 =	sadd.s32 $0x100, s4;
	s6 =	sadd.s32 s6, s0  }
0x291: {  	[tilespmem:s1], [sflag:$0x3] =	stream.linear.gather [hbm4b:s6+s5], $0x80, $0x38;
	[tilespmem:$0x1F180] =	vst v63  }
0x292: {  	p0 =	por $0x0, $0x0;
	s0 =	simm.s32 $0x1  }
0x293: {  	s0 =	simm.s32 @!p0 $0x0;
	_ =	swait.ge [sflag:s30], $0x1000  }
0x294: {  	s1 =	simm.s32 $0x0;
	s0 =	sshll.u32 s0, $0x6;
	[sflag:s30] =	ssyncset.done $0x0  }
0x295: {  	s2 =	sand.u32 $0xFC0, s1;
	s0 =	sadd.s32 $0x0, s0;
	[sflag:s30] =	ssyncadd.s32 $0xFFFFF000  }
0x296: {  	s24 =	sor.u32 $0x80, s0;
	v9 =	vld [tilespmem:s2+$0x19700]  }
0x297: {  	s25 =	sor.u32 $0x90, s0;
	v6 =	vld [tilespmem:s24+$0x1C700]  }
0x298: {  	s26 =	sor.u32 $0xA0, s0;
	v7 =	vld [tilespmem:s25+$0x1C700]  }
0x299: {  	s29 =	sor.u32 $0xB0, s0;
	v5 =	vld [tilespmem:s26+$0x1C700]  }
0x29a: {  	s0 =	simm.s32 $0x19730;
	v8 =	vld [tilespmem:s29+$0x1C700]  }
0x29b: {  	v10 =	vld [tilespmem:s0+$0x0]  }
0x29c: {  	v4 =	vld [tilespmem:s0+$0xFFFFFFF0]  }
0x29d: {  	p0 =	por !p0, !p0;
	s2 =	simm.s32 $0x0;
	v11 =	vld [tilespmem:s0+$0xFFFFFFE0]  }
.LBB2_26:
0x29e: {  	s4 =	simm.s32 $0x1  }
0x29f: {  	s1 =	sadd.s32 $0x40, s1;
	v12 =	vld.idx.msk [tilespmem:v6+s5+$0x0], $0xffff;
	s4 =	simm.s32 @!p0 $0x0  }
0x2a0: {  	s2 =	sadd.s32 $0x80, s2;
	p1 =	slt.u32 s1, $0xFC0;
	v14 =	vmov v10;
	s4 =	sshll.u32 s4, $0x6;
	v13 =	vld.idx.msk [tilespmem:v7+s5+$0x0], $0xffff  }
0x2a1: {  	s4 =	sadd.s32 s4, s2;
	v15 =	vld.idx.msk [tilespmem:v5+s5+$0x0], $0xffff  }
0x2a2: {  	s6 =	sor.u32 $0x80, s4;
	v16 =	vld.idx.msk [tilespmem:v8+s5+$0x0], $0xffff  }
0x2a3: {  	v6 =	vld [tilespmem:s6+$0x1C700];
	s6 =	sor.u32 $0x90, s4  }
0x2a4: {  	v7 =	vld [tilespmem:s6+$0x1C700];
	s6 =	sor.u32 $0xA0, s4  }
0x2a5: {  	v9 =	vmul.f32 v9, v12;
	s4 =	sor.u32 $0xB0, s4;
	v5 =	vld [tilespmem:s6+$0x1C700]  }
.Ltmp12:
0x2a6: {  	s0 =	sadd.s32 $0x40, s0;
	v11 =	vmul.f32 v11, v13;
	v8 =	vld [tilespmem:s4+$0x1C700];
	(pc) =	sbr.rel @p1 .LBB2_26-.Ltmp12, $4  }
0x2a7: {  	v0 =	vadd.f32 v9, v0;
	v12 =	vmul.f32 v4, v15;
	v10 =	vld [tilespmem:s0+$0x0]  }
0x2a8: {  	s4 =	sand.u32 $0xFC0, s1;
	v1 =	vadd.f32 v11, v1;
	v13 =	vmul.f32 v14, v16;
	v4 =	vld [tilespmem:s0+$0xFFFFFFF0]  }
0x2a9: {  	v3 =	vadd.f32 v12, v3;
	v9 =	vld [tilespmem:s4+$0x19700]  }
0x2aa: {  	p0 =	por !p0, !p0;
	v2 =	vadd.f32 v13, v2;
	v11 =	vld [tilespmem:s0+$0xFFFFFFE0]  }
0x2ab: {  	_ =	sdelay $0x3  }
0x2ac: {  	v6 =	vld.idx.msk [tilespmem:v6+s5+$0x0], $0xffff  }
0x2ad: {  	v7 =	vld.idx.msk [tilespmem:v7+s5+$0x0], $0xffff  }
0x2ae: {  	v5 =	vld.idx.msk [tilespmem:v5+s5+$0x0], $0xffff  }
0x2af: {  	v8 =	vld.idx.msk [tilespmem:v8+s5+$0x0], $0xffff;
	_ =	sdelay $0x3  }
0x2b0: {  	v6 =	vmul.f32 v9, v6;
	v63 =	vmul.f32 v11, v7  }
0x2b1: {  	v4 =	vmul.f32 v4, v5;
	v5 =	vmul.f32 v10, v8  }
0x2b2: {  	s0 =	sadd.s32 $0xC00, s8;
	s1 =	simm.s32 $0x1C780;
	v7 =	vadd.f32 v6, v0;
	v1 =	vadd.f32 v63, v1  }
0x2b3: {  	s2 =	simm.s32 $0x20;
	s4 =	simm.s32 $0x1C880;
	s6 =	sadd.s32 $0x0, s0;
	v0 =	vadd.f32 v4, v3;
	v3 =	vadd.f32 v5, v2  }
.LBB2_28:
0x2b4: {  	[tilespmem:s1], [sflag:$0x4] =	stream.linear.gather [hbm4b:s6+s5], $0x80, $0x38;
	[tilespmem:$0x1F180] =	vst v63  }
0x2b5: {  	s6 =	smov.u32 s2;
	s1 =	smov.u32 s4;
	p0 =	sne.s32 s2, $0x3E0  }
.Ltmp13:
0x2b6: {  	s2 =	sadd.s32 $0x20, s2;
	(pc) =	sbr.rel @p0 .LBB2_28-.Ltmp13, $2  }
0x2b7: {  	_ =	sdelay $0x2  }
0x2b8: {  	s4 =	sadd.s32 $0x100, s4;
	s6 =	sadd.s32 s6, s0  }
0x2b9: {  	[tilespmem:s1], [sflag:$0x4] =	stream.linear.gather [hbm4b:s6+s5], $0x80, $0x38;
	[tilespmem:$0x1F180] =	vst v63  }
0x2ba: {  	s0 =	simm.s32 $0x0;
	s24 =	simm.s32 $0x0;
	_ =	swait.ge [sflag:s28], $0x1000  }
0x2bb: {  	s2 =	sand.u32 $0x40, s24;
	s0 =	sand.u32 $0x1F00, s0;
	[sflag:s28] =	ssyncset.done $0x0  }
0x2bc: {  	s0 =	sor.u32 s2, s0;
	[sflag:s28] =	ssyncadd.s32 $0xFFFFF000  }
0x2bd: {  	s2 =	sadd.s32 $0x1C700, s0;
	v2 =	vld [tilespmem:s0+$0x1C700]  }
0x2be: {  	v4 =	vld [tilespmem:s2+$0x30]  }
0x2bf: {  	v5 =	vld [tilespmem:s2+$0x10]  }
0x2c0: {  	s1 =	simm.s32 $0x40;
	s25 =	sand.u32 $0xFC0, s24;
	v6 =	vld [tilespmem:s2+$0x20];
	s2 =	simm.s32 $0x80  }
0x2c1: {  	s4 =	sand.u32 $0x40, s1;
	v9 =	vld [tilespmem:s25+$0x1A700];
	s0 =	simm.s32 $0x1A730;
	s26 =	sand.u32 $0x1F00, s2  }
0x2c2: {  	v12 =	vld [tilespmem:s0+$0x0];
	s4 =	sor.u32 s4, s26  }
0x2c3: {  	s6 =	sadd.s32 $0x1C700, s4;
	v14 =	vld [tilespmem:s4+$0x1C700]  }
0x2c4: {  	v13 =	vld [tilespmem:s6+$0x30]  }
0x2c5: {  	v8 =	vld [tilespmem:s6+$0x10]  }
0x2c6: {  	v2 =	vld.idx.msk [tilespmem:v2+s5+$0x0], $0xffff  }
0x2c7: {  	v10 =	vld.idx.msk [tilespmem:v4+s5+$0x0], $0xffff  }
0x2c8: {  	v11 =	vld [tilespmem:s6+$0x20]  }
0x2c9: {  	v4 =	vld.idx.msk [tilespmem:v5+s5+$0x0], $0xffff  }
0x2ca: {  	s29 =	sand.u32 $0xFC0, s1;
	v6 =	vld.idx.msk [tilespmem:v6+s5+$0x0], $0xffff  }
0x2cb: {  	v5 =	vld [tilespmem:s29+$0x1A700]  }
0x2cc: {  	v2 =	vmul.f32 v9, v2;
	v9 =	vmul.f32 v12, v10;
	v12 =	vld [tilespmem:s0+$0xFFFFFFE0]  }
0x2cd: {  	v10 =	vld [tilespmem:s0+$0xFFFFFFF0]  }
0x2ce: {  	v2 =	vadd.f32 v2, v7;
	v3 =	vadd.f32 v9, v3;
	v9 =	vld.idx.msk [tilespmem:v14+s5+$0x0], $0xffff  }
.LBB2_30:
0x2cf: {  	s1 =	sadd.s32 $0x40, s1;
	v7 =	vld.idx.msk [tilespmem:v13+s5+$0x0], $0xffff;
	s2 =	sadd.s32 $0x80, s2;
	s0 =	sadd.s32 $0x40, s0  }
0x2d0: {  	s4 =	sand.u32 $0x40, s1;
	s6 =	sand.u32 $0x1F00, s2;
	s7 =	sand.u32 $0xFC0, s1;
	v14 =	vld [tilespmem:s0+$0x0]  }
0x2d1: {  	p0 =	slt.u32 s1, $0xFC0;
	s4 =	sor.u32 s4, s6;
	v12 =	vmul.f32 v12, v4;
	v4 =	vld.idx.msk [tilespmem:v8+s5+$0x0], $0xffff  }
0x2d2: {  	s6 =	sadd.s32 $0x1C700, s4;
	v15 =	vld [tilespmem:s4+$0x1C700];
	v6 =	vmul.f32 v10, v6  }
0x2d3: {  	v13 =	vld [tilespmem:s6+$0x30];
	v1 =	vadd.f32 v12, v1  }
0x2d4: {  	v5 =	vmul.f32 v5, v9;
	v8 =	vld [tilespmem:s6+$0x10];
	v0 =	vadd.f32 v6, v0  }
0x2d5: {  	v16 =	vld [tilespmem:s6+$0x20];
	v7 =	vmul.f32 v14, v7  }
.Ltmp14:
0x2d6: {  	v2 =	vadd.f32 v5, v2;
	v6 =	vld.idx.msk [tilespmem:v11+s5+$0x0], $0xffff;
	(pc) =	sbr.rel @p0 .LBB2_30-.Ltmp14, $4  }
0x2d7: {  	v5 =	vld [tilespmem:s7+$0x1A700];
	v3 =	vadd.f32 v7, v3  }
0x2d8: {  	v12 =	vld [tilespmem:s0+$0xFFFFFFE0]  }
0x2d9: {  	v10 =	vld [tilespmem:s0+$0xFFFFFFF0]  }
0x2da: {  	v9 =	vld.idx.msk [tilespmem:v15+s5+$0x0], $0xffff;
	v11 =	vmov v16  }
0x2db: {  	_ =	sdelay $0x3  }
0x2dc: {  	v13 =	vld.idx.msk [tilespmem:v13+s5+$0x0], $0xffff  }
0x2dd: {  	v15 =	vld.idx.msk [tilespmem:v8+s5+$0x0], $0xffff  }
0x2de: {  	s0 =	sadd.s32 $0x40, s0;
	v11 =	vld.idx.msk [tilespmem:v11+s5+$0x0], $0xffff  }
0x2df: {  	p0 =	por $0x0, $0x0;
	s1 =	simm.s32 $0x1;
	v14 =	vld [tilespmem:s0+$0x0]  }
0x2e0: {  	v16 =	vld [tilespmem:s0+$0xFFFFFFE0];
	s1 =	simm.s32 @!p0 $0x0  }
0x2e1: {  	v17 =	vld [tilespmem:s0+$0xFFFFFFF0];
	_ =	swait.ge [sflag:s30], $0x1000;
	s18 =	sshll.u32 s1, $0x6  }
0x2e2: {  	[sflag:s30] =	ssyncset.done $0x0;
	s0 =	sadd.s32 $0x0, s18  }
0x2e3: {  	[sflag:s30] =	ssyncadd.s32 $0xFFFFF000;
	s24 =	sor.u32 $0x80, s0  }
0x2e4: {  	s25 =	sor.u32 $0x90, s0;
	v7 =	vld [tilespmem:s24+$0x1C700]  }
0x2e5: {  	s26 =	sor.u32 $0xA0, s0;
	v8 =	vld [tilespmem:s25+$0x1C700]  }
0x2e6: {  	v12 =	vmul.f32 v12, v4;
	s29 =	sor.u32 $0xB0, s0;
	v4 =	vld [tilespmem:s26+$0x1C700]  }
0x2e7: {  	v10 =	vmul.f32 v10, v6;
	s0 =	simm.s32 $0x1B730;
	v6 =	vld [tilespmem:s29+$0x1C700]  }
0x2e8: {  	s1 =	simm.s32 $0x0;
	v12 =	vadd.f32 v12, v1;
	v1 =	vmul.f32 v5, v9;
	v9 =	vld [tilespmem:s0+$0x0];
	v13 =	vmul.f32 v14, v13  }
0x2e9: {  	s2 =	sand.u32 $0xFC0, s1;
	v63 =	vadd.f32 v10, v0;
	v5 =	vld [tilespmem:s0+$0xFFFFFFF0];
	v15 =	vmul.f32 v16, v15;
	v11 =	vmul.f32 v17, v11  }
0x2ea: {  	v10 =	vld [tilespmem:s2+$0x1B700];
	v1 =	vadd.f32 v1, v2;
	v0 =	vadd.f32 v13, v3  }
0x2eb: {  	p0 =	por !p0, !p0;
	s2 =	simm.s32 $0x0;
	v3 =	vadd.f32 v15, v12;
	v2 =	vadd.f32 v11, v63;
	v11 =	vld [tilespmem:s0+$0xFFFFFFE0]  }
.LBB2_32:
0x2ec: {  	s4 =	simm.s32 $0x1  }
0x2ed: {  	s1 =	sadd.s32 $0x40, s1;
	v12 =	vld.idx.msk [tilespmem:v7+s5+$0x0], $0xffff;
	s4 =	simm.s32 @!p0 $0x0  }
0x2ee: {  	s2 =	sadd.s32 $0x80, s2;
	p1 =	slt.u32 s1, $0xFC0;
	v14 =	vmov v9;
	s4 =	sshll.u32 s4, $0x6;
	v13 =	vld.idx.msk [tilespmem:v8+s5+$0x0], $0xffff  }
0x2ef: {  	s4 =	sadd.s32 s4, s2;
	v15 =	vld.idx.msk [tilespmem:v4+s5+$0x0], $0xffff  }
0x2f0: {  	s6 =	sor.u32 $0x80, s4;
	v16 =	vld.idx.msk [tilespmem:v6+s5+$0x0], $0xffff  }
0x2f1: {  	v7 =	vld [tilespmem:s6+$0x1C700];
	s6 =	sor.u32 $0x90, s4  }
0x2f2: {  	v8 =	vld [tilespmem:s6+$0x1C700];
	s6 =	sor.u32 $0xA0, s4  }
0x2f3: {  	v10 =	vmul.f32 v10, v12;
	s4 =	sor.u32 $0xB0, s4;
	v4 =	vld [tilespmem:s6+$0x1C700]  }
.Ltmp15:
0x2f4: {  	s0 =	sadd.s32 $0x40, s0;
	v11 =	vmul.f32 v11, v13;
	v6 =	vld [tilespmem:s4+$0x1C700];
	(pc) =	sbr.rel @p1 .LBB2_32-.Ltmp15, $4  }
0x2f5: {  	v1 =	vadd.f32 v10, v1;
	v12 =	vmul.f32 v5, v15;
	v9 =	vld [tilespmem:s0+$0x0]  }
0x2f6: {  	s4 =	sand.u32 $0xFC0, s1;
	v3 =	vadd.f32 v11, v3;
	v13 =	vmul.f32 v14, v16;
	v5 =	vld [tilespmem:s0+$0xFFFFFFF0]  }
0x2f7: {  	v2 =	vadd.f32 v12, v2;
	v10 =	vld [tilespmem:s4+$0x1B700]  }
0x2f8: {  	p0 =	por !p0, !p0;
	v0 =	vadd.f32 v13, v0;
	v11 =	vld [tilespmem:s0+$0xFFFFFFE0]  }
0x2f9: {  	_ =	sdelay $0x3  }
0x2fa: {  	v7 =	vld.idx.msk [tilespmem:v7+s5+$0x0], $0xffff  }
0x2fb: {  	v8 =	vld.idx.msk [tilespmem:v8+s5+$0x0], $0xffff;
	_ =	sdelay $0x1  }
0x2fc: {  	v4 =	vld.idx.msk [tilespmem:v4+s5+$0x0], $0xffff;
	_ =	sdelay $0x1  }
0x2fd: {  	v6 =	vld.idx.msk [tilespmem:v6+s5+$0x0], $0xffff  }
0x2fe: {  	v7 =	vmul.f32 v10, v7;
	v8 =	vmul.f32 v11, v8;
	_ =	sdelay $0x1  }
0x2ff: {  	v4 =	vmul.f32 v5, v4;
	v1 =	vadd.f32 v7, v1;
	v3 =	vadd.f32 v8, v3;
	_ =	sdelay $0x1  }
0x300: {  	v63 =	vmul.f32 v9, v6;
	v2 =	vadd.f32 v4, v2;
	v1 =	vadd.f32 v3, v1;
	_ =	sdelay $0x1  }
0x301: {  	v0 =	vadd.f32 v63, v0;
	v1 =	vadd.f32 v2, v1;
	_ =	sdelay $0x1  }
0x302: {  	v0 =	vadd.f32 v0, v1;
	_ =	sdelay $0x1  }
0x303: {  	s0 =	rddreg [dreg:$0xc];
	s1 =	simm.s32 $0x1F100;
	[tilespmem:$0x1F100] =	vst v0  }
0x304: {  	[hbm4b:s0+s5] =	stream.linear.scatter [tilespmem:s1], [sflag:$0x5], $0x80, $0x38;
	[tilespmem:$0x1F180] =	vst v63  }
0x305: {  	_ =	swait.ge [sflag:s21], $0x80  }
0x306: {  	s23 =	sadd.s32 $0x1, s23;
	s29 =	rddreg [dreg:$0xd]  }
0x307: {  	p0 =	sne.s32 s23, s29  }
.Ltmp16:
0x308: {  	_ = 	snop;
	(pc) =	sbr.rel @p0 .LBB2_1-.Ltmp16, $3  }
0x309: {  	_ =	sdelay $0x1  }
0x30a: {  	[sflag:s21] =	ssyncset.done $0x0  }
0x30b: {  	[sflag:s21] =	ssyncadd.s32 $0xFFFFFF80  }
0x30c: {  	_ =	sfence.sel $0x180000  }
0x30d: {  	[bflag:$0x0] =	sbarrier.arrive $0xFFFF  }
0x30e: {  	_ =	strace $0x90000047  }
0x30f: {  	s0 =	stileid.u32;
	[bflag:$0x2] =	sbarrier.arrive $0xFFFF  }
0x310: {  	p0 =	sne.s32 s0, $0x0;
	s0 =	rddreg [dreg:$0x7]  }
0x311: {  	s0 =	sadd.s32 @!p0 $0x100000, s0  }
0x312: {  	[sflag:s0] =	ssyncadd.tile.s32 @!p0 $0x1;
	_ =	shalt  }
.Lfunc_end2:
_tile_overlayer_lowered:
.L_overlay_start_2:
0x313: {  	(tag) =	ssettag $0x2  }
0x314: {  	s0 =	rddreg [dreg:$0x0];
	s2 =	stileid.u32  }
0x315: {  	s1 =	rddreg [dreg:$0x1];
	p0 =	sne.s32 s2, $0x0  }
0x316: {  	s3 =	rddreg [dreg:$0x2];
	[bflag:$0x3] =	sbarrier.arrive $0xFFFF;
	s2 =	simm.s32 @!p0 $0x1C05  }
0x317: {  	[timem:s3], [sflag:s2] =	dma.local @!p0 [hbm:s0], s1  }
0x318: {  	s0 =	simm.s32 @!p0 $0x5  }
0x319: {  	_ =	swait.ge @!p0 [sflag:s0], s1  }
0x31a: {  	s1 =	ssub.s32 @!p0 $0x0, s1;
	[sflag:s0] =	ssyncset.done @!p0 $0x0  }
0x31b: {  	[sflag:s0] =	ssyncadd.s32 @!p0 s1  }
0x31c: {  	[bflag:$0x3] =	sbarrier.arrive $0xFFFF  }
0x31d: {  	_ =	shalt  }

</sc_bundles>
